<compile_context>
chip_gen: v7x
topology: tpu7x:2x2x1
jax: 0.10.2.dev20260603
libtpu: 0.0.44.dev20260713+nightly
codegen_flags: <defaults>
</compile_context>

<pallas_src>
import functools

import jax
import jax.numpy as jnp
from jax import lax
from jax.experimental import pallas as pl
from jax.experimental.pallas import tpu as pltpu

N = 10000
D_FEAT = 128
K = 16
KK = K + 1
GAMMA = 10.0
H1 = 64
H2 = 32

BR = 128
BC = 2048
NPAD = 10240
NC = NPAD // BC
F32_INF = float("inf")
I32_MAX = 0x7FFFFFFF


def _mlp_kernel(x_ref, w1_ref, b1_ref, w2_ref, b2_ref, z_ref):
    h = jnp.maximum(
        lax.dot_general(x_ref[...], w1_ref[...], (((1,), (0,)), ((), ())),
                        preferred_element_type=jnp.float32) + b1_ref[...],
        0.0)
    z_ref[...] = lax.dot_general(h, w2_ref[...], (((1,), (0,)), ((), ())),
                                 preferred_element_type=jnp.float32) + b2_ref[...]


def _topk_kernel(z_ref, zt_ref, oval_ref, oidx_ref, d_ref, rv_ref, ri_ref):
    j = pl.program_id(1)

    @pl.when(j == 0)
    def _init():
        rv_ref[...] = jnp.full((BR, 128), F32_INF, jnp.float32)
        ri_ref[...] = jnp.zeros((BR, 128), jnp.int32)

    z = z_ref[...]
    zt = zt_ref[...]
    sqr = jnp.sum(z * z, axis=1, keepdims=True)
    sqc = jnp.sum(zt * zt, axis=0, keepdims=True)
    dot = lax.dot_general(z, zt, (((1,), (0,)), ((), ())),
                          preferred_element_type=jnp.float32)
    d = sqr + sqc - 2.0 * dot
    colid = j * BC + lax.broadcasted_iota(jnp.int32, (BR, BC), 1)
    d = jnp.where(colid < N, d, F32_INF)
    d_ref[...] = d

    lane = lax.broadcasted_iota(jnp.int32, (BR, 128), 1)
    rv = rv_ref[...]
    ri = ri_ref[...]
    newv = jnp.full((BR, 128), F32_INF, jnp.float32)
    newi = jnp.zeros((BR, 128), jnp.int32)
    mval = jnp.full((BR, 1), -F32_INF, jnp.float32)
    midx = jnp.full((BR, 1), -1, jnp.int32)
    for t in range(KK):
        v = d_ref[...]
        act = (v > mval) | ((v == mval) & (colid > midx))
        vm = jnp.where(act, v, F32_INF)
        actr = (rv > mval) | ((rv == mval) & (ri > midx))
        rvm = jnp.where(actr, rv, F32_INF)
        m = jnp.minimum(jnp.min(vm, axis=1, keepdims=True),
                        jnp.min(rvm, axis=1, keepdims=True))
        i1 = jnp.min(jnp.where(vm == m, colid, I32_MAX), axis=1,
                     keepdims=True)
        i2 = jnp.min(jnp.where(rvm == m, ri, I32_MAX), axis=1,
                     keepdims=True)
        mi = jnp.minimum(i1, i2)
        newv = jnp.where(lane == t, m, newv)
        newi = jnp.where(lane == t, mi, newi)
        mval, midx = m, mi
    rv_ref[...] = newv
    ri_ref[...] = newi

    @pl.when(j == NC - 1)
    def _out():
        oval_ref[...] = newv
        oidx_ref[...] = newi


def kernel(x, edge_index, W1, b1, W2, b2):
    del edge_index
    xpad = jnp.pad(x, ((0, NPAD - N), (0, 0)))

    z = pl.pallas_call(
        _mlp_kernel,
        grid=(NPAD // BR,),
        in_specs=[
            pl.BlockSpec((BR, D_FEAT), lambda i: (i, 0)),
            pl.BlockSpec((D_FEAT, H1), lambda i: (0, 0)),
            pl.BlockSpec((1, H1), lambda i: (0, 0)),
            pl.BlockSpec((H1, H2), lambda i: (0, 0)),
            pl.BlockSpec((1, H2), lambda i: (0, 0)),
        ],
        out_specs=pl.BlockSpec((BR, H2), lambda i: (i, 0)),
        out_shape=jax.ShapeDtypeStruct((NPAD, H2), jnp.float32),
    )(xpad, W1, b1.reshape(1, H1), W2, b2.reshape(1, H2))

    zt = z.T

    vals, idxs = pl.pallas_call(
        _topk_kernel,
        grid=(NPAD // BR, NC),
        in_specs=[
            pl.BlockSpec((BR, H2), lambda i, j: (i, 0)),
            pl.BlockSpec((H2, BC), lambda i, j: (0, j)),
        ],
        out_specs=[
            pl.BlockSpec((BR, 128), lambda i, j: (i, 0)),
            pl.BlockSpec((BR, 128), lambda i, j: (i, 0)),
        ],
        out_shape=[
            jax.ShapeDtypeStruct((NPAD, 128), jnp.float32),
            jax.ShapeDtypeStruct((NPAD, 128), jnp.int32),
        ],
        scratch_shapes=[
            pltpu.VMEM((BR, BC), jnp.float32),
            pltpu.VMEM((BR, 128), jnp.float32),
            pltpu.VMEM((BR, 128), jnp.int32),
        ],
    )(z, zt)

    dst = idxs[:N, 1:KK].reshape(-1)
    d_sel = jnp.maximum(vals[:N, 1:KK], 0.0).reshape(-1)
    src = jnp.repeat(jnp.arange(N, dtype=dst.dtype), K)
    ne_probs = jnp.exp(-GAMMA * d_sel)
    edges = jnp.stack([src, dst])
    row = jnp.minimum(src, dst)
    col = jnp.maximum(src, dst)
    xe = 0.5 * (x[row] + x[col])
    zb = jnp.zeros((N, x.shape[1]), dtype=x.dtype)
    zb = zb.at[row].add(xe).at[col].add(-xe)
    Ldo_xe = zb[row] - zb[col]
    deg = jnp.bincount(row, length=N) + jnp.bincount(col, length=N)
    lup_diag = (deg[row] + deg[col] - 2).astype(x.dtype)
    Lup_xe = lup_diag[:, None] * xe
    return (x, xe, edges, row, col, ne_probs, Ldo_xe, Lup_xe)

# --- scband reference (transcript-rebuilt; emitter-appended) ---
"""Pipeline reference for scband-dcm-62036507623880 (READ-ONLY COPY).

The authoritative reference and input builder live on the scoring server;
editing this copy changes nothing except your own understanding.
"""

import jax, jax.numpy as jnp
import numpy as np

N = 10000
D_FEAT = 128
K = 16
GAMMA = 10.0
H1 = 64
H2 = 32


def setup_inputs(seed: int = 0):
    key = jax.random.key(seed)
    ks = jax.random.split(key, 8)
    x = jax.random.normal(ks[0], (N, D_FEAT), dtype=jnp.float32)
    edge_index = jnp.asarray(
        np.random.RandomState(0).randint(0, N, size=(2, N * K)), dtype=jnp.int64
    )
    W1 = jax.random.normal(ks[1], (D_FEAT, H1), dtype=jnp.float32) * 0.05
    b1 = jnp.zeros((H1,), dtype=jnp.float32)
    W2 = jax.random.normal(ks[2], (H1, H2), dtype=jnp.float32) * 0.05
    b2 = jnp.zeros((H2,), dtype=jnp.float32)
    return {"x": x, "edge_index": edge_index, "W1": W1, "b1": b1, "W2": W2, "b2": b2}


def reference(x, edge_index, W1, b1, W2, b2):
    # DGM with MLP backbone (use_gcn=False): embed nodes, build kNN graph.
    # edge_index is accepted (as in the original forward) but the MLP graph
    # function recomputes the graph from embeddings, so it is unused.
    h = jnp.maximum(x @ W1 + b1, 0.0)
    z = h @ W2 + b2
    sq = jnp.sum(z * z, axis=1)
    Dm = sq[:, None] + sq[None, :] - 2.0 * (z @ z.T)
    neg_vals, idx = jax.lax.top_k(-Dm, K + 1)
    dst = idx[:, 1:].reshape(-1)  # drop self-loop (nearest is self)
    d_sel = jnp.maximum(-neg_vals[:, 1:].reshape(-1), 0.0)
    src = jnp.repeat(jnp.arange(N, dtype=dst.dtype), K)
    ne_probs = jnp.exp(-GAMMA * d_sel)
    edges = jnp.stack([src, dst])
    # compute_boundary: canonical oriented edges
    row = jnp.minimum(src, dst)
    col = jnp.maximum(src, dst)
    # line_graph: edge features from incident node features
    xe = 0.5 * (x[row] + x[col])
    # Down Laplacian action on edge signals: Ldo xe = B1^T (B1 xe)
    zb = jnp.zeros((N, x.shape[1]), dtype=x.dtype)
    zb = zb.at[row].add(xe).at[col].add(-xe)
    Ldo_xe = zb[row] - zb[col]
    # Fixed Up Laplacian (sample_P='fixed'): degree-based diagonal action
    deg = jnp.bincount(row, length=N) + jnp.bincount(col, length=N)
    lup_diag = (deg[row] + deg[col] - 2).astype(x.dtype)
    Lup_xe = lup_diag[:, None] * xe
    return (x, xe, edges, row, col, ne_probs, Ldo_xe, Lup_xe)

if __name__ == "__main__":
    import jax
    _d = setup_inputs()
    print(jax.jit(kernel)(*tuple(_d.values())))

</pallas_src>

<mosaic_0001>
module attributes {stable_mosaic.version = 14 : i64} {
  func.func @_mlp_kernel(%arg0: i32, %arg1: memref<128x128xf32, #tpu.memory_space<vmem>>, %arg2: memref<128x64xf32, #tpu.memory_space<vmem>>, %arg3: memref<1x64xf32, #tpu.memory_space<vmem>>, %arg4: memref<64x32xf32, #tpu.memory_space<vmem>>, %arg5: memref<1x32xf32, #tpu.memory_space<vmem>>, %arg6: memref<128x32xf32, #tpu.memory_space<vmem>>) attributes {dimension_semantics = [#tpu.dimension_semantics<arbitrary>], iteration_bounds = array<i64: 80>, scalar_prefetch = 0 : i64, scratch_operands = 0 : i64, tpu.core_type = #tpu.core_type<tc>, window_params = [{transform_indices = @transform_0, window_bounds = array<i64: 128, 128>}, {pipeline_mode = #tpu.pipeline_mode<synchronous>, transform_indices = @transform_1, window_bounds = array<i64: 128, 64>}, {pipeline_mode = #tpu.pipeline_mode<synchronous>, transform_indices = @transform_2, window_bounds = array<i64: 1, 64>}, {pipeline_mode = #tpu.pipeline_mode<synchronous>, transform_indices = @transform_3, window_bounds = array<i64: 64, 32>}, {pipeline_mode = #tpu.pipeline_mode<synchronous>, transform_indices = @transform_4, window_bounds = array<i64: 1, 32>}, {transform_indices = @transform_5, window_bounds = array<i64: 128, 32>}]} {
    %get3A = arith.constant 0 : index
    %get3A_0 = arith.constant 0 : index
    %get3A_1 = vector.load %arg1[%get3A, %get3A_0] : memref<128x128xf32, #tpu.memory_space<vmem>>, vector<128x128xf32>
    %get3A_2 = arith.constant 0 : index
    %get3A_3 = arith.constant 0 : index
    %get3A_4 = vector.load %arg2[%get3A_2, %get3A_3] : memref<128x64xf32, #tpu.memory_space<vmem>>, vector<128x64xf32>
    %dot_general3A = arith.constant dense<0.000000e+00> : vector<128x64xf32>
    %dot_general3A_5 = tpu.matmul %get3A_1, %get3A_4, %dot_general3A {dimension_numbers = #tpu.dot_dimension_numbers<[1], [0], [0], [1], [0, 0, 1, 1], [], []>, transpose_lhs_hint = false} : vector<128x128xf32>, vector<128x64xf32>, vector<128x64xf32> -> vector<128x64xf32>
    %get3A_6 = arith.constant 0 : index
    %get3A_7 = arith.constant 0 : index
    %get3A_8 = vector.load %arg3[%get3A_6, %get3A_7] : memref<1x64xf32, #tpu.memory_space<vmem>>, vector<1x64xf32>
    %add3A = vector.broadcast %get3A_8 : vector<1x64xf32> to vector<128x64xf32>
    %add3A_9 = arith.addf %dot_general3A_5, %add3A : vector<128x64xf32>
    %max3A = arith.constant 0.000000e+00 : f32
    %max3A_10 = vector.broadcast %max3A : f32 to vector<128x64xf32>
    %max3A_11 = arith.maximumf %add3A_9, %max3A_10 : vector<128x64xf32>
    %get3A_12 = arith.constant 0 : index
    %get3A_13 = arith.constant 0 : index
    %get3A_14 = vector.load %arg4[%get3A_12, %get3A_13] : memref<64x32xf32, #tpu.memory_space<vmem>>, vector<64x32xf32>
    %dot_general3A_15 = arith.constant dense<0.000000e+00> : vector<128x32xf32>
    %dot_general3A_16 = tpu.matmul %max3A_11, %get3A_14, %dot_general3A_15 {dimension_numbers = #tpu.dot_dimension_numbers<[1], [0], [0], [1], [0, 0, 1, 1], [], []>, transpose_lhs_hint = false} : vector<128x64xf32>, vector<64x32xf32>, vector<128x32xf32> -> vector<128x32xf32>
    %get3A_17 = arith.constant 0 : index
    %get3A_18 = arith.constant 0 : index
    %get3A_19 = vector.load %arg5[%get3A_17, %get3A_18] : memref<1x32xf32, #tpu.memory_space<vmem>>, vector<1x32xf32>
    %add3A_20 = vector.broadcast %get3A_19 : vector<1x32xf32> to vector<128x32xf32>
    %add3A_21 = arith.addf %dot_general3A_16, %add3A_20 : vector<128x32xf32>
    %swap3A = arith.constant 0 : index
    %swap3A_22 = arith.constant 0 : index
    %swap3A_23 = vector.load %arg6[%swap3A, %swap3A_22] : memref<128x32xf32, #tpu.memory_space<vmem>>, vector<128x32xf32>
    tpu.vector_store %arg6[%swap3A, %swap3A_22], %add3A_21 {strides = array<i32>} : memref<128x32xf32, #tpu.memory_space<vmem>>, vector<128x32xf32>,
    return
  }
  func.func @transform_0(%arg0: i32) -> (i32, i32) {
    %c0_i32 = arith.constant 0 : i32
    %c0_i32_0 = arith.constant 0 : i32
    return %arg0, %c0_i32 : i32, i32
  }
  func.func @transform_1(%arg0: i32) -> (i32, i32) {
    %c0_i32 = arith.constant 0 : i32
    %c0_i32_0 = arith.constant 0 : i32
    %c0_i32_1 = arith.constant 0 : i32
    return %c0_i32, %c0_i32_0 : i32, i32
  }
  func.func @transform_2(%arg0: i32) -> (i32, i32) {
    %c0_i32 = arith.constant 0 : i32
    %c0_i32_0 = arith.constant 0 : i32
    %c0_i32_1 = arith.constant 0 : i32
    return %c0_i32, %c0_i32_0 : i32, i32
  }
  func.func @transform_3(%arg0: i32) -> (i32, i32) {
    %c0_i32 = arith.constant 0 : i32
    %c0_i32_0 = arith.constant 0 : i32
    %c0_i32_1 = arith.constant 0 : i32
    return %c0_i32, %c0_i32_0 : i32, i32
  }
  func.func @transform_4(%arg0: i32) -> (i32, i32) {
    %c0_i32 = arith.constant 0 : i32
    %c0_i32_0 = arith.constant 0 : i32
    %c0_i32_1 = arith.constant 0 : i32
    return %c0_i32, %c0_i32_0 : i32, i32
  }
  func.func @transform_5(%arg0: i32) -> (i32, i32) {
    %c0_i32 = arith.constant 0 : i32
    %c0_i32_0 = arith.constant 0 : i32
    return %arg0, %c0_i32 : i32, i32
  }
}

module attributes {stable_mosaic.version = 14 : i64} {
  func.func @_topk_kernel(%arg0: i32, %arg1: i32, %arg2: memref<128x32xf32, #tpu.memory_space<vmem>>, %arg3: memref<32x2048xf32, #tpu.memory_space<vmem>>, %arg4: memref<128x128xf32, #tpu.memory_space<vmem>>, %arg5: memref<128x128xi32, #tpu.memory_space<vmem>>, %arg6: memref<128x2048xf32, #tpu.memory_space<vmem>>, %arg7: memref<128x128xf32, #tpu.memory_space<vmem>>, %arg8: memref<128x128xi32, #tpu.memory_space<vmem>>) attributes {dimension_semantics = [#tpu.dimension_semantics<arbitrary>, #tpu.dimension_semantics<arbitrary>], iteration_bounds = array<i64: 80, 5>, scalar_prefetch = 0 : i64, scratch_operands = 3 : i64, tpu.core_type = #tpu.core_type<tc>, window_params = [{transform_indices = @transform_0, window_bounds = array<i64: 128, 32>}, {transform_indices = @transform_1, window_bounds = array<i64: 32, 2048>}, {transform_indices = @transform_2, window_bounds = array<i64: 128, 128>}, {transform_indices = @transform_3, window_bounds = array<i64: 128, 128>}]} {
    %eq3A = arith.constant 0 : i32
    %eq3A_0 = arith.cmpi eq, %arg1, %eq3A : i32
    %convert_element_type3A = arith.extui %eq3A_0 : i1 to i32
    %cond3A = arith.constant 0 : i32
    %cond3A_1 = arith.cmpi ne, %convert_element_type3A, %cond3A : i32
    scf.if %cond3A_1 {
      %broadcast_in_dim3A_1085 = arith.constant 0x7F800000 : f32
      %broadcast_in_dim3A_1086 = vector.broadcast %broadcast_in_dim3A_1085 : f32 to vector<128x128xf32>
      %swap3A_1087 = arith.constant 0 : index
      %swap3A_1088 = arith.constant 0 : index
      %swap3A_1089 = vector.load %arg7[%swap3A_1087, %swap3A_1088] : memref<128x128xf32, #tpu.memory_space<vmem>>, vector<128x128xf32>
      tpu.vector_store %arg7[%swap3A_1087, %swap3A_1088], %broadcast_in_dim3A_1086 {strides = array<i32>} : memref<128x128xf32, #tpu.memory_space<vmem>>, vector<128x128xf32>,
      %broadcast_in_dim3A_1090 = arith.constant 0 : i32
      %broadcast_in_dim3A_1091 = vector.broadcast %broadcast_in_dim3A_1090 : i32 to vector<128x128xi32>
      %swap3A_1092 = arith.constant 0 : index
      %swap3A_1093 = arith.constant 0 : index
      %swap3A_1094 = vector.load %arg8[%swap3A_1092, %swap3A_1093] : memref<128x128xi32, #tpu.memory_space<vmem>>, vector<128x128xi32>
      tpu.vector_store %arg8[%swap3A_1092, %swap3A_1093], %broadcast_in_dim3A_1091 {strides = array<i32>} : memref<128x128xi32, #tpu.memory_space<vmem>>, vector<128x128xi32>,
    } else {
    }
    %get3A = arith.constant 0 : index
    %get3A_2 = arith.constant 0 : index
    %get3A_3 = vector.load %arg2[%get3A, %get3A_2] : memref<128x32xf32, #tpu.memory_space<vmem>>, vector<128x32xf32>
    %get3A_4 = arith.constant 0 : index
    %get3A_5 = arith.constant 0 : index
    %get3A_6 = vector.load %arg3[%get3A_4, %get3A_5] : memref<32x2048xf32, #tpu.memory_space<vmem>>, vector<32x2048xf32>
    %mul3A = arith.mulf %get3A_3, %get3A_3 : vector<128x32xf32>
    %reduce_sum3A = arith.constant dense<0.000000e+00> : vector<128xf32>
    %reduce_sum3A_7 = vector.multi_reduction <add>, %mul3A, %reduce_sum3A [1] : vector<128x32xf32> to vector<128xf32>
    %broadcast_in_dim3A = vector.shape_cast %reduce_sum3A_7 : vector<128xf32> to vector<128x1xf32>
    %mul3A_8 = arith.mulf %get3A_6, %get3A_6 : vector<32x2048xf32>
    %reduce_sum3A_9 = arith.constant dense<0.000000e+00> : vector<2048xf32>
    %reduce_sum3A_10 = vector.multi_reduction <add>, %mul3A_8, %reduce_sum3A_9 [0] : vector<32x2048xf32> to vector<2048xf32>
    %broadcast_in_dim3A_11 = vector.shape_cast %reduce_sum3A_10 : vector<2048xf32> to vector<1x2048xf32>
    %dot_general3A = arith.constant dense<0.000000e+00> : vector<128x2048xf32>
    %dot_general3A_12 = tpu.matmul %get3A_3, %get3A_6, %dot_general3A {dimension_numbers = #tpu.dot_dimension_numbers<[1], [0], [0], [1], [0, 0, 1, 1], [], []>, transpose_lhs_hint = false} : vector<128x32xf32>, vector<32x2048xf32>, vector<128x2048xf32> -> vector<128x2048xf32>
    %add3A = vector.broadcast %broadcast_in_dim3A : vector<128x1xf32> to vector<128x2048xf32>
    %add3A_13 = vector.broadcast %broadcast_in_dim3A_11 : vector<1x2048xf32> to vector<128x2048xf32>
    %add3A_14 = arith.addf %add3A, %add3A_13 : vector<128x2048xf32>
    %mul3A_15 = arith.constant 2.000000e+00 : f32
    %mul3A_16 = vector.broadcast %mul3A_15 : f32 to vector<128x2048xf32>
    %mul3A_17 = arith.mulf %mul3A_16, %dot_general3A_12 : vector<128x2048xf32>
    %sub3A = arith.subf %add3A_14, %mul3A_17 : vector<128x2048xf32>
    %mul3A_18 = arith.constant 2048 : i32
    %mul3A_19 = arith.muli %arg1, %mul3A_18 : i32
    %iota3A = tpu.iota {dimensions = array<i32: 1>} : vector<128x2048xi32>
    %add3A_20 = vector.broadcast %mul3A_19 : i32 to vector<128x2048xi32>
    %add3A_21 = arith.addi %add3A_20, %iota3A : vector<128x2048xi32>
    %lt3A = arith.constant 10000 : i32
    %lt3A_22 = vector.broadcast %lt3A : i32 to vector<128x2048xi32>
    %lt3A_23 = arith.cmpi slt, %add3A_21, %lt3A_22 : vector<128x2048xi32>
    %jit3A = arith.constant 0x7F800000 : f32
    %broadcast_in_dim3A_24 = vector.broadcast %jit3A : f32 to vector<128x2048xf32>
    %select_n3A = arith.select %lt3A_23, %sub3A, %broadcast_in_dim3A_24 : vector<128x2048xi1>, vector<128x2048xf32>
    %swap3A = arith.constant 0 : index
    %swap3A_25 = arith.constant 0 : index
    %swap3A_26 = vector.load %arg6[%swap3A, %swap3A_25] : memref<128x2048xf32, #tpu.memory_space<vmem>>, vector<128x2048xf32>
    tpu.vector_store %arg6[%swap3A, %swap3A_25], %select_n3A {strides = array<i32>} : memref<128x2048xf32, #tpu.memory_space<vmem>>, vector<128x2048xf32>,
    %iota3A_27 = tpu.iota {dimensions = array<i32: 1>} : vector<128x128xi32>
    %get3A_28 = arith.constant 0 : index
    %get3A_29 = arith.constant 0 : index
    %get3A_30 = vector.load %arg7[%get3A_28, %get3A_29] : memref<128x128xf32, #tpu.memory_space<vmem>>, vector<128x128xf32>
    %get3A_31 = arith.constant 0 : index
    %get3A_32 = arith.constant 0 : index
    %get3A_33 = vector.load %arg8[%get3A_31, %get3A_32] : memref<128x128xi32, #tpu.memory_space<vmem>>, vector<128x128xi32>
    %broadcast_in_dim3A_34 = arith.constant 0x7F800000 : f32
    %broadcast_in_dim3A_35 = vector.broadcast %broadcast_in_dim3A_34 : f32 to vector<128x128xf32>
    %broadcast_in_dim3A_36 = arith.constant 0 : i32
    %broadcast_in_dim3A_37 = vector.broadcast %broadcast_in_dim3A_36 : i32 to vector<128x128xi32>
    %broadcast_in_dim3A_38 = arith.constant 0xFF800000 : f32
    %broadcast_in_dim3A_39 = vector.broadcast %broadcast_in_dim3A_38 : f32 to vector<128x1xf32>
    %broadcast_in_dim3A_40 = arith.constant -1 : i32
    %broadcast_in_dim3A_41 = vector.broadcast %broadcast_in_dim3A_40 : i32 to vector<128x1xi32>
    %get3A_42 = arith.constant 0 : index
    %get3A_43 = arith.constant 0 : index
    %get3A_44 = vector.load %arg6[%get3A_42, %get3A_43] : memref<128x2048xf32, #tpu.memory_space<vmem>>, vector<128x2048xf32>
    %gt3A = vector.broadcast %broadcast_in_dim3A_39 : vector<128x1xf32> to vector<128x2048xf32>
    %gt3A_45 = arith.cmpf ogt, %get3A_44, %gt3A : vector<128x2048xf32>
    %eq3A_46 = vector.broadcast %broadcast_in_dim3A_39 : vector<128x1xf32> to vector<128x2048xf32>
    %eq3A_47 = arith.cmpf oeq, %get3A_44, %eq3A_46 : vector<128x2048xf32>
    %gt3A_48 = vector.broadcast %broadcast_in_dim3A_41 : vector<128x1xi32> to vector<128x2048xi32>
    %gt3A_49 = arith.cmpi sgt, %add3A_21, %gt3A_48 : vector<128x2048xi32>
    %and3A = arith.andi %eq3A_47, %gt3A_49 : vector<128x2048xi1>
    %or3A = arith.ori %gt3A_45, %and3A : vector<128x2048xi1>
    %jit3A_50 = arith.constant 0x7F800000 : f32
    %broadcast_in_dim3A_51 = vector.broadcast %jit3A_50 : f32 to vector<128x2048xf32>
    %select_n3A_52 = arith.select %or3A, %get3A_44, %broadcast_in_dim3A_51 : vector<128x2048xi1>, vector<128x2048xf32>
    %gt3A_53 = vector.broadcast %broadcast_in_dim3A_39 : vector<128x1xf32> to vector<128x128xf32>
    %gt3A_54 = arith.cmpf ogt, %get3A_30, %gt3A_53 : vector<128x128xf32>
    %eq3A_55 = vector.broadcast %broadcast_in_dim3A_39 : vector<128x1xf32> to vector<128x128xf32>
    %eq3A_56 = arith.cmpf oeq, %get3A_30, %eq3A_55 : vector<128x128xf32>
    %gt3A_57 = vector.broadcast %broadcast_in_dim3A_41 : vector<128x1xi32> to vector<128x128xi32>
    %gt3A_58 = arith.cmpi sgt, %get3A_33, %gt3A_57 : vector<128x128xi32>
    %and3A_59 = arith.andi %eq3A_56, %gt3A_58 : vector<128x128xi1>
    %or3A_60 = arith.ori %gt3A_54, %and3A_59 : vector<128x128xi1>
    %jit3A_61 = arith.constant 0x7F800000 : f32
    %broadcast_in_dim3A_62 = vector.broadcast %jit3A_61 : f32 to vector<128x128xf32>
    %select_n3A_63 = arith.select %or3A_60, %get3A_30, %broadcast_in_dim3A_62 : vector<128x128xi1>, vector<128x128xf32>
    %reduce_min3A = arith.constant dense<0x7F800000> : vector<128xf32>
    %reduce_min3A_64 = vector.multi_reduction <minimumf>, %select_n3A_52, %reduce_min3A [1] : vector<128x2048xf32> to vector<128xf32>
    %broadcast_in_dim3A_65 = vector.shape_cast %reduce_min3A_64 : vector<128xf32> to vector<128x1xf32>
    %reduce_min3A_66 = arith.constant dense<0x7F800000> : vector<128xf32>
    %reduce_min3A_67 = vector.multi_reduction <minimumf>, %select_n3A_63, %reduce_min3A_66 [1] : vector<128x128xf32> to vector<128xf32>
    %broadcast_in_dim3A_68 = vector.shape_cast %reduce_min3A_67 : vector<128xf32> to vector<128x1xf32>
    %min3A = arith.minimumf %broadcast_in_dim3A_65, %broadcast_in_dim3A_68 : vector<128x1xf32>
    %eq3A_69 = vector.broadcast %min3A : vector<128x1xf32> to vector<128x2048xf32>
    %eq3A_70 = arith.cmpf oeq, %select_n3A_52, %eq3A_69 : vector<128x2048xf32>
    %jit3A_71 = arith.constant 2147483647 : i32
    %broadcast_in_dim3A_72 = vector.broadcast %jit3A_71 : i32 to vector<128x2048xi32>
    %select_n3A_73 = arith.select %eq3A_70, %add3A_21, %broadcast_in_dim3A_72 : vector<128x2048xi1>, vector<128x2048xi32>
    %reduce_min3A_74 = arith.constant dense<2147483647> : vector<128xi32>
    %reduce_min3A_75 = vector.multi_reduction <minsi>, %select_n3A_73, %reduce_min3A_74 [1] : vector<128x2048xi32> to vector<128xi32>
    %broadcast_in_dim3A_76 = vector.shape_cast %reduce_min3A_75 : vector<128xi32> to vector<128x1xi32>
    %eq3A_77 = vector.broadcast %min3A : vector<128x1xf32> to vector<128x128xf32>
    %eq3A_78 = arith.cmpf oeq, %select_n3A_63, %eq3A_77 : vector<128x128xf32>
    %jit3A_79 = arith.constant 2147483647 : i32
    %broadcast_in_dim3A_80 = vector.broadcast %jit3A_79 : i32 to vector<128x128xi32>
    %select_n3A_81 = arith.select %eq3A_78, %get3A_33, %broadcast_in_dim3A_80 : vector<128x128xi1>, vector<128x128xi32>
    %reduce_min3A_82 = arith.constant dense<2147483647> : vector<128xi32>
    %reduce_min3A_83 = vector.multi_reduction <minsi>, %select_n3A_81, %reduce_min3A_82 [1] : vector<128x128xi32> to vector<128xi32>
    %broadcast_in_dim3A_84 = vector.shape_cast %reduce_min3A_83 : vector<128xi32> to vector<128x1xi32>
    %min3A_85 = arith.minsi %broadcast_in_dim3A_76, %broadcast_in_dim3A_84 : vector<128x1xi32>
    %eq3A_86 = arith.constant 0 : i32
    %eq3A_87 = vector.broadcast %eq3A_86 : i32 to vector<128x128xi32>
    %eq3A_88 = arith.cmpi eq, %iota3A_27, %eq3A_87 : vector<128x128xi32>
    %broadcast_in_dim3A_89 = vector.shape_cast %min3A : vector<128x1xf32> to vector<128x1xf32>
    %broadcast_in_dim3A_90 = vector.broadcast %broadcast_in_dim3A_89 : vector<128x1xf32> to vector<128x128xf32>
    %select_n3A_91 = arith.select %eq3A_88, %broadcast_in_dim3A_90, %broadcast_in_dim3A_35 : vector<128x128xi1>, vector<128x128xf32>
    %eq3A_92 = arith.constant 0 : i32
    %eq3A_93 = vector.broadcast %eq3A_92 : i32 to vector<128x128xi32>
    %eq3A_94 = arith.cmpi eq, %iota3A_27, %eq3A_93 : vector<128x128xi32>
    %broadcast_in_dim3A_95 = vector.shape_cast %min3A_85 : vector<128x1xi32> to vector<128x1xi32>
    %broadcast_in_dim3A_96 = vector.broadcast %broadcast_in_dim3A_95 : vector<128x1xi32> to vector<128x128xi32>
    %select_n3A_97 = arith.select %eq3A_94, %broadcast_in_dim3A_96, %broadcast_in_dim3A_37 : vector<128x128xi1>, vector<128x128xi32>
    %get3A_98 = arith.constant 0 : index
    %get3A_99 = arith.constant 0 : index
    %get3A_100 = vector.load %arg6[%get3A_98, %get3A_99] : memref<128x2048xf32, #tpu.memory_space<vmem>>, vector<128x2048xf32>
    %gt3A_101 = vector.broadcast %min3A : vector<128x1xf32> to vector<128x2048xf32>
    %gt3A_102 = arith.cmpf ogt, %get3A_100, %gt3A_101 : vector<128x2048xf32>
    %eq3A_103 = vector.broadcast %min3A : vector<128x1xf32> to vector<128x2048xf32>
    %eq3A_104 = arith.cmpf oeq, %get3A_100, %eq3A_103 : vector<128x2048xf32>
    %gt3A_105 = vector.broadcast %min3A_85 : vector<128x1xi32> to vector<128x2048xi32>
    %gt3A_106 = arith.cmpi sgt, %add3A_21, %gt3A_105 : vector<128x2048xi32>
    %and3A_107 = arith.andi %eq3A_104, %gt3A_106 : vector<128x2048xi1>
    %or3A_108 = arith.ori %gt3A_102, %and3A_107 : vector<128x2048xi1>
    %jit3A_109 = arith.constant 0x7F800000 : f32
    %broadcast_in_dim3A_110 = vector.broadcast %jit3A_109 : f32 to vector<128x2048xf32>
    %select_n3A_111 = arith.select %or3A_108, %get3A_100, %broadcast_in_dim3A_110 : vector<128x2048xi1>, vector<128x2048xf32>
    %gt3A_112 = vector.broadcast %min3A : vector<128x1xf32> to vector<128x128xf32>
    %gt3A_113 = arith.cmpf ogt, %get3A_30, %gt3A_112 : vector<128x128xf32>
    %eq3A_114 = vector.broadcast %min3A : vector<128x1xf32> to vector<128x128xf32>
    %eq3A_115 = arith.cmpf oeq, %get3A_30, %eq3A_114 : vector<128x128xf32>
    %gt3A_116 = vector.broadcast %min3A_85 : vector<128x1xi32> to vector<128x128xi32>
    %gt3A_117 = arith.cmpi sgt, %get3A_33, %gt3A_116 : vector<128x128xi32>
    %and3A_118 = arith.andi %eq3A_115, %gt3A_117 : vector<128x128xi1>
    %or3A_119 = arith.ori %gt3A_113, %and3A_118 : vector<128x128xi1>
    %jit3A_120 = arith.constant 0x7F800000 : f32
    %broadcast_in_dim3A_121 = vector.broadcast %jit3A_120 : f32 to vector<128x128xf32>
    %select_n3A_122 = arith.select %or3A_119, %get3A_30, %broadcast_in_dim3A_121 : vector<128x128xi1>, vector<128x128xf32>
    %reduce_min3A_123 = arith.constant dense<0x7F800000> : vector<128xf32>
    %reduce_min3A_124 = vector.multi_reduction <minimumf>, %select_n3A_111, %reduce_min3A_123 [1] : vector<128x2048xf32> to vector<128xf32>
    %broadcast_in_dim3A_125 = vector.shape_cast %reduce_min3A_124 : vector<128xf32> to vector<128x1xf32>
    %reduce_min3A_126 = arith.constant dense<0x7F800000> : vector<128xf32>
    %reduce_min3A_127 = vector.multi_reduction <minimumf>, %select_n3A_122, %reduce_min3A_126 [1] : vector<128x128xf32> to vector<128xf32>
    %broadcast_in_dim3A_128 = vector.shape_cast %reduce_min3A_127 : vector<128xf32> to vector<128x1xf32>
    %min3A_129 = arith.minimumf %broadcast_in_dim3A_125, %broadcast_in_dim3A_128 : vector<128x1xf32>
    %eq3A_130 = vector.broadcast %min3A_129 : vector<128x1xf32> to vector<128x2048xf32>
    %eq3A_131 = arith.cmpf oeq, %select_n3A_111, %eq3A_130 : vector<128x2048xf32>
    %jit3A_132 = arith.constant 2147483647 : i32
    %broadcast_in_dim3A_133 = vector.broadcast %jit3A_132 : i32 to vector<128x2048xi32>
    %select_n3A_134 = arith.select %eq3A_131, %add3A_21, %broadcast_in_dim3A_133 : vector<128x2048xi1>, vector<128x2048xi32>
    %reduce_min3A_135 = arith.constant dense<2147483647> : vector<128xi32>
    %reduce_min3A_136 = vector.multi_reduction <minsi>, %select_n3A_134, %reduce_min3A_135 [1] : vector<128x2048xi32> to vector<128xi32>
    %broadcast_in_dim3A_137 = vector.shape_cast %reduce_min3A_136 : vector<128xi32> to vector<128x1xi32>
    %eq3A_138 = vector.broadcast %min3A_129 : vector<128x1xf32> to vector<128x128xf32>
    %eq3A_139 = arith.cmpf oeq, %select_n3A_122, %eq3A_138 : vector<128x128xf32>
    %jit3A_140 = arith.constant 2147483647 : i32
    %broadcast_in_dim3A_141 = vector.broadcast %jit3A_140 : i32 to vector<128x128xi32>
    %select_n3A_142 = arith.select %eq3A_139, %get3A_33, %broadcast_in_dim3A_141 : vector<128x128xi1>, vector<128x128xi32>
    %reduce_min3A_143 = arith.constant dense<2147483647> : vector<128xi32>
    %reduce_min3A_144 = vector.multi_reduction <minsi>, %select_n3A_142, %reduce_min3A_143 [1] : vector<128x128xi32> to vector<128xi32>
    %broadcast_in_dim3A_145 = vector.shape_cast %reduce_min3A_144 : vector<128xi32> to vector<128x1xi32>
    %min3A_146 = arith.minsi %broadcast_in_dim3A_137, %broadcast_in_dim3A_145 : vector<128x1xi32>
    %eq3A_147 = arith.constant 1 : i32
    %eq3A_148 = vector.broadcast %eq3A_147 : i32 to vector<128x128xi32>
    %eq3A_149 = arith.cmpi eq, %iota3A_27, %eq3A_148 : vector<128x128xi32>
    %broadcast_in_dim3A_150 = vector.shape_cast %min3A_129 : vector<128x1xf32> to vector<128x1xf32>
    %broadcast_in_dim3A_151 = vector.broadcast %broadcast_in_dim3A_150 : vector<128x1xf32> to vector<128x128xf32>
    %select_n3A_152 = arith.select %eq3A_149, %broadcast_in_dim3A_151, %select_n3A_91 : vector<128x128xi1>, vector<128x128xf32>
    %eq3A_153 = arith.constant 1 : i32
    %eq3A_154 = vector.broadcast %eq3A_153 : i32 to vector<128x128xi32>
    %eq3A_155 = arith.cmpi eq, %iota3A_27, %eq3A_154 : vector<128x128xi32>
    %broadcast_in_dim3A_156 = vector.shape_cast %min3A_146 : vector<128x1xi32> to vector<128x1xi32>
    %broadcast_in_dim3A_157 = vector.broadcast %broadcast_in_dim3A_156 : vector<128x1xi32> to vector<128x128xi32>
    %select_n3A_158 = arith.select %eq3A_155, %broadcast_in_dim3A_157, %select_n3A_97 : vector<128x128xi1>, vector<128x128xi32>
    %get3A_159 = arith.constant 0 : index
    %get3A_160 = arith.constant 0 : index
    %get3A_161 = vector.load %arg6[%get3A_159, %get3A_160] : memref<128x2048xf32, #tpu.memory_space<vmem>>, vector<128x2048xf32>
    %gt3A_162 = vector.broadcast %min3A_129 : vector<128x1xf32> to vector<128x2048xf32>
    %gt3A_163 = arith.cmpf ogt, %get3A_161, %gt3A_162 : vector<128x2048xf32>
    %eq3A_164 = vector.broadcast %min3A_129 : vector<128x1xf32> to vector<128x2048xf32>
    %eq3A_165 = arith.cmpf oeq, %get3A_161, %eq3A_164 : vector<128x2048xf32>
    %gt3A_166 = vector.broadcast %min3A_146 : vector<128x1xi32> to vector<128x2048xi32>
    %gt3A_167 = arith.cmpi sgt, %add3A_21, %gt3A_166 : vector<128x2048xi32>
    %and3A_168 = arith.andi %eq3A_165, %gt3A_167 : vector<128x2048xi1>
    %or3A_169 = arith.ori %gt3A_163, %and3A_168 : vector<128x2048xi1>
    %jit3A_170 = arith.constant 0x7F800000 : f32
    %broadcast_in_dim3A_171 = vector.broadcast %jit3A_170 : f32 to vector<128x2048xf32>
    %select_n3A_172 = arith.select %or3A_169, %get3A_161, %broadcast_in_dim3A_171 : vector<128x2048xi1>, vector<128x2048xf32>
    %gt3A_173 = vector.broadcast %min3A_129 : vector<128x1xf32> to vector<128x128xf32>
    %gt3A_174 = arith.cmpf ogt, %get3A_30, %gt3A_173 : vector<128x128xf32>
    %eq3A_175 = vector.broadcast %min3A_129 : vector<128x1xf32> to vector<128x128xf32>
    %eq3A_176 = arith.cmpf oeq, %get3A_30, %eq3A_175 : vector<128x128xf32>
    %gt3A_177 = vector.broadcast %min3A_146 : vector<128x1xi32> to vector<128x128xi32>
    %gt3A_178 = arith.cmpi sgt, %get3A_33, %gt3A_177 : vector<128x128xi32>
    %and3A_179 = arith.andi %eq3A_176, %gt3A_178 : vector<128x128xi1>
    %or3A_180 = arith.ori %gt3A_174, %and3A_179 : vector<128x128xi1>
    %jit3A_181 = arith.constant 0x7F800000 : f32
    %broadcast_in_dim3A_182 = vector.broadcast %jit3A_181 : f32 to vector<128x128xf32>
    %select_n3A_183 = arith.select %or3A_180, %get3A_30, %broadcast_in_dim3A_182 : vector<128x128xi1>, vector<128x128xf32>
    %reduce_min3A_184 = arith.constant dense<0x7F800000> : vector<128xf32>
    %reduce_min3A_185 = vector.multi_reduction <minimumf>, %select_n3A_172, %reduce_min3A_184 [1] : vector<128x2048xf32> to vector<128xf32>
    %broadcast_in_dim3A_186 = vector.shape_cast %reduce_min3A_185 : vector<128xf32> to vector<128x1xf32>
    %reduce_min3A_187 = arith.constant dense<0x7F800000> : vector<128xf32>
    %reduce_min3A_188 = vector.multi_reduction <minimumf>, %select_n3A_183, %reduce_min3A_187 [1] : vector<128x128xf32> to vector<128xf32>
    %broadcast_in_dim3A_189 = vector.shape_cast %reduce_min3A_188 : vector<128xf32> to vector<128x1xf32>
    %min3A_190 = arith.minimumf %broadcast_in_dim3A_186, %broadcast_in_dim3A_189 : vector<128x1xf32>
    %eq3A_191 = vector.broadcast %min3A_190 : vector<128x1xf32> to vector<128x2048xf32>
    %eq3A_192 = arith.cmpf oeq, %select_n3A_172, %eq3A_191 : vector<128x2048xf32>
    %jit3A_193 = arith.constant 2147483647 : i32
    %broadcast_in_dim3A_194 = vector.broadcast %jit3A_193 : i32 to vector<128x2048xi32>
    %select_n3A_195 = arith.select %eq3A_192, %add3A_21, %broadcast_in_dim3A_194 : vector<128x2048xi1>, vector<128x2048xi32>
    %reduce_min3A_196 = arith.constant dense<2147483647> : vector<128xi32>
    %reduce_min3A_197 = vector.multi_reduction <minsi>, %select_n3A_195, %reduce_min3A_196 [1] : vector<128x2048xi32> to vector<128xi32>
    %broadcast_in_dim3A_198 = vector.shape_cast %reduce_min3A_197 : vector<128xi32> to vector<128x1xi32>
    %eq3A_199 = vector.broadcast %min3A_190 : vector<128x1xf32> to vector<128x128xf32>
    %eq3A_200 = arith.cmpf oeq, %select_n3A_183, %eq3A_199 : vector<128x128xf32>
    %jit3A_201 = arith.constant 2147483647 : i32
    %broadcast_in_dim3A_202 = vector.broadcast %jit3A_201 : i32 to vector<128x128xi32>
    %select_n3A_203 = arith.select %eq3A_200, %get3A_33, %broadcast_in_dim3A_202 : vector<128x128xi1>, vector<128x128xi32>
    %reduce_min3A_204 = arith.constant dense<2147483647> : vector<128xi32>
    %reduce_min3A_205 = vector.multi_reduction <minsi>, %select_n3A_203, %reduce_min3A_204 [1] : vector<128x128xi32> to vector<128xi32>
    %broadcast_in_dim3A_206 = vector.shape_cast %reduce_min3A_205 : vector<128xi32> to vector<128x1xi32>
    %min3A_207 = arith.minsi %broadcast_in_dim3A_198, %broadcast_in_dim3A_206 : vector<128x1xi32>
    %eq3A_208 = arith.constant 2 : i32
    %eq3A_209 = vector.broadcast %eq3A_208 : i32 to vector<128x128xi32>
    %eq3A_210 = arith.cmpi eq, %iota3A_27, %eq3A_209 : vector<128x128xi32>
    %broadcast_in_dim3A_211 = vector.shape_cast %min3A_190 : vector<128x1xf32> to vector<128x1xf32>
    %broadcast_in_dim3A_212 = vector.broadcast %broadcast_in_dim3A_211 : vector<128x1xf32> to vector<128x128xf32>
    %select_n3A_213 = arith.select %eq3A_210, %broadcast_in_dim3A_212, %select_n3A_152 : vector<128x128xi1>, vector<128x128xf32>
    %eq3A_214 = arith.constant 2 : i32
    %eq3A_215 = vector.broadcast %eq3A_214 : i32 to vector<128x128xi32>
    %eq3A_216 = arith.cmpi eq, %iota3A_27, %eq3A_215 : vector<128x128xi32>
    %broadcast_in_dim3A_217 = vector.shape_cast %min3A_207 : vector<128x1xi32> to vector<128x1xi32>
    %broadcast_in_dim3A_218 = vector.broadcast %broadcast_in_dim3A_217 : vector<128x1xi32> to vector<128x128xi32>
    %select_n3A_219 = arith.select %eq3A_216, %broadcast_in_dim3A_218, %select_n3A_158 : vector<128x128xi1>, vector<128x128xi32>
    %get3A_220 = arith.constant 0 : index
    %get3A_221 = arith.constant 0 : index
    %get3A_222 = vector.load %arg6[%get3A_220, %get3A_221] : memref<128x2048xf32, #tpu.memory_space<vmem>>, vector<128x2048xf32>
    %gt3A_223 = vector.broadcast %min3A_190 : vector<128x1xf32> to vector<128x2048xf32>
    %gt3A_224 = arith.cmpf ogt, %get3A_222, %gt3A_223 : vector<128x2048xf32>
    %eq3A_225 = vector.broadcast %min3A_190 : vector<128x1xf32> to vector<128x2048xf32>
    %eq3A_226 = arith.cmpf oeq, %get3A_222, %eq3A_225 : vector<128x2048xf32>
    %gt3A_227 = vector.broadcast %min3A_207 : vector<128x1xi32> to vector<128x2048xi32>
    %gt3A_228 = arith.cmpi sgt, %add3A_21, %gt3A_227 : vector<128x2048xi32>
    %and3A_229 = arith.andi %eq3A_226, %gt3A_228 : vector<128x2048xi1>
    %or3A_230 = arith.ori %gt3A_224, %and3A_229 : vector<128x2048xi1>
    %jit3A_231 = arith.constant 0x7F800000 : f32
    %broadcast_in_dim3A_232 = vector.broadcast %jit3A_231 : f32 to vector<128x2048xf32>
    %select_n3A_233 = arith.select %or3A_230, %get3A_222, %broadcast_in_dim3A_232 : vector<128x2048xi1>, vector<128x2048xf32>
    %gt3A_234 = vector.broadcast %min3A_190 : vector<128x1xf32> to vector<128x128xf32>
    %gt3A_235 = arith.cmpf ogt, %get3A_30, %gt3A_234 : vector<128x128xf32>
    %eq3A_236 = vector.broadcast %min3A_190 : vector<128x1xf32> to vector<128x128xf32>
    %eq3A_237 = arith.cmpf oeq, %get3A_30, %eq3A_236 : vector<128x128xf32>
    %gt3A_238 = vector.broadcast %min3A_207 : vector<128x1xi32> to vector<128x128xi32>
    %gt3A_239 = arith.cmpi sgt, %get3A_33, %gt3A_238 : vector<128x128xi32>
    %and3A_240 = arith.andi %eq3A_237, %gt3A_239 : vector<128x128xi1>
    %or3A_241 = arith.ori %gt3A_235, %and3A_240 : vector<128x128xi1>
    %jit3A_242 = arith.constant 0x7F800000 : f32
    %broadcast_in_dim3A_243 = vector.broadcast %jit3A_242 : f32 to vector<128x128xf32>
    %select_n3A_244 = arith.select %or3A_241, %get3A_30, %broadcast_in_dim3A_243 : vector<128x128xi1>, vector<128x128xf32>
    %reduce_min3A_245 = arith.constant dense<0x7F800000> : vector<128xf32>
    %reduce_min3A_246 = vector.multi_reduction <minimumf>, %select_n3A_233, %reduce_min3A_245 [1] : vector<128x2048xf32> to vector<128xf32>
    %broadcast_in_dim3A_247 = vector.shape_cast %reduce_min3A_246 : vector<128xf32> to vector<128x1xf32>
    %reduce_min3A_248 = arith.constant dense<0x7F800000> : vector<128xf32>
    %reduce_min3A_249 = vector.multi_reduction <minimumf>, %select_n3A_244, %reduce_min3A_248 [1] : vector<128x128xf32> to vector<128xf32>
    %broadcast_in_dim3A_250 = vector.shape_cast %reduce_min3A_249 : vector<128xf32> to vector<128x1xf32>
    %min3A_251 = arith.minimumf %broadcast_in_dim3A_247, %broadcast_in_dim3A_250 : vector<128x1xf32>
    %eq3A_252 = vector.broadcast %min3A_251 : vector<128x1xf32> to vector<128x2048xf32>
    %eq3A_253 = arith.cmpf oeq, %select_n3A_233, %eq3A_252 : vector<128x2048xf32>
    %jit3A_254 = arith.constant 2147483647 : i32
    %broadcast_in_dim3A_255 = vector.broadcast %jit3A_254 : i32 to vector<128x2048xi32>
    %select_n3A_256 = arith.select %eq3A_253, %add3A_21, %broadcast_in_dim3A_255 : vector<128x2048xi1>, vector<128x2048xi32>
    %reduce_min3A_257 = arith.constant dense<2147483647> : vector<128xi32>
    %reduce_min3A_258 = vector.multi_reduction <minsi>, %select_n3A_256, %reduce_min3A_257 [1] : vector<128x2048xi32> to vector<128xi32>
    %broadcast_in_dim3A_259 = vector.shape_cast %reduce_min3A_258 : vector<128xi32> to vector<128x1xi32>
    %eq3A_260 = vector.broadcast %min3A_251 : vector<128x1xf32> to vector<128x128xf32>
    %eq3A_261 = arith.cmpf oeq, %select_n3A_244, %eq3A_260 : vector<128x128xf32>
    %jit3A_262 = arith.constant 2147483647 : i32
    %broadcast_in_dim3A_263 = vector.broadcast %jit3A_262 : i32 to vector<128x128xi32>
    %select_n3A_264 = arith.select %eq3A_261, %get3A_33, %broadcast_in_dim3A_263 : vector<128x128xi1>, vector<128x128xi32>
    %reduce_min3A_265 = arith.constant dense<2147483647> : vector<128xi32>
    %reduce_min3A_266 = vector.multi_reduction <minsi>, %select_n3A_264, %reduce_min3A_265 [1] : vector<128x128xi32> to vector<128xi32>
    %broadcast_in_dim3A_267 = vector.shape_cast %reduce_min3A_266 : vector<128xi32> to vector<128x1xi32>
    %min3A_268 = arith.minsi %broadcast_in_dim3A_259, %broadcast_in_dim3A_267 : vector<128x1xi32>
    %eq3A_269 = arith.constant 3 : i32
    %eq3A_270 = vector.broadcast %eq3A_269 : i32 to vector<128x128xi32>
    %eq3A_271 = arith.cmpi eq, %iota3A_27, %eq3A_270 : vector<128x128xi32>
    %broadcast_in_dim3A_272 = vector.shape_cast %min3A_251 : vector<128x1xf32> to vector<128x1xf32>
    %broadcast_in_dim3A_273 = vector.broadcast %broadcast_in_dim3A_272 : vector<128x1xf32> to vector<128x128xf32>
    %select_n3A_274 = arith.select %eq3A_271, %broadcast_in_dim3A_273, %select_n3A_213 : vector<128x128xi1>, vector<128x128xf32>
    %eq3A_275 = arith.constant 3 : i32
    %eq3A_276 = vector.broadcast %eq3A_275 : i32 to vector<128x128xi32>
    %eq3A_277 = arith.cmpi eq, %iota3A_27, %eq3A_276 : vector<128x128xi32>
    %broadcast_in_dim3A_278 = vector.shape_cast %min3A_268 : vector<128x1xi32> to vector<128x1xi32>
    %broadcast_in_dim3A_279 = vector.broadcast %broadcast_in_dim3A_278 : vector<128x1xi32> to vector<128x128xi32>
    %select_n3A_280 = arith.select %eq3A_277, %broadcast_in_dim3A_279, %select_n3A_219 : vector<128x128xi1>, vector<128x128xi32>
    %get3A_281 = arith.constant 0 : index
    %get3A_282 = arith.constant 0 : index
    %get3A_283 = vector.load %arg6[%get3A_281, %get3A_282] : memref<128x2048xf32, #tpu.memory_space<vmem>>, vector<128x2048xf32>
    %gt3A_284 = vector.broadcast %min3A_251 : vector<128x1xf32> to vector<128x2048xf32>
    %gt3A_285 = arith.cmpf ogt, %get3A_283, %gt3A_284 : vector<128x2048xf32>
    %eq3A_286 = vector.broadcast %min3A_251 : vector<128x1xf32> to vector<128x2048xf32>
    %eq3A_287 = arith.cmpf oeq, %get3A_283, %eq3A_286 : vector<128x2048xf32>
    %gt3A_288 = vector.broadcast %min3A_268 : vector<128x1xi32> to vector<128x2048xi32>
    %gt3A_289 = arith.cmpi sgt, %add3A_21, %gt3A_288 : vector<128x2048xi32>
    %and3A_290 = arith.andi %eq3A_287, %gt3A_289 : vector<128x2048xi1>
    %or3A_291 = arith.ori %gt3A_285, %and3A_290 : vector<128x2048xi1>
    %jit3A_292 = arith.constant 0x7F800000 : f32
    %broadcast_in_dim3A_293 = vector.broadcast %jit3A_292 : f32 to vector<128x2048xf32>
    %select_n3A_294 = arith.select %or3A_291, %get3A_283, %broadcast_in_dim3A_293 : vector<128x2048xi1>, vector<128x2048xf32>
    %gt3A_295 = vector.broadcast %min3A_251 : vector<128x1xf32> to vector<128x128xf32>
    %gt3A_296 = arith.cmpf ogt, %get3A_30, %gt3A_295 : vector<128x128xf32>
    %eq3A_297 = vector.broadcast %min3A_251 : vector<128x1xf32> to vector<128x128xf32>
    %eq3A_298 = arith.cmpf oeq, %get3A_30, %eq3A_297 : vector<128x128xf32>
    %gt3A_299 = vector.broadcast %min3A_268 : vector<128x1xi32> to vector<128x128xi32>
    %gt3A_300 = arith.cmpi sgt, %get3A_33, %gt3A_299 : vector<128x128xi32>
    %and3A_301 = arith.andi %eq3A_298, %gt3A_300 : vector<128x128xi1>
    %or3A_302 = arith.ori %gt3A_296, %and3A_301 : vector<128x128xi1>
    %jit3A_303 = arith.constant 0x7F800000 : f32
    %broadcast_in_dim3A_304 = vector.broadcast %jit3A_303 : f32 to vector<128x128xf32>
    %select_n3A_305 = arith.select %or3A_302, %get3A_30, %broadcast_in_dim3A_304 : vector<128x128xi1>, vector<128x128xf32>
    %reduce_min3A_306 = arith.constant dense<0x7F800000> : vector<128xf32>
    %reduce_min3A_307 = vector.multi_reduction <minimumf>, %select_n3A_294, %reduce_min3A_306 [1] : vector<128x2048xf32> to vector<128xf32>
    %broadcast_in_dim3A_308 = vector.shape_cast %reduce_min3A_307 : vector<128xf32> to vector<128x1xf32>
    %reduce_min3A_309 = arith.constant dense<0x7F800000> : vector<128xf32>
    %reduce_min3A_310 = vector.multi_reduction <minimumf>, %select_n3A_305, %reduce_min3A_309 [1] : vector<128x128xf32> to vector<128xf32>
    %broadcast_in_dim3A_311 = vector.shape_cast %reduce_min3A_310 : vector<128xf32> to vector<128x1xf32>
    %min3A_312 = arith.minimumf %broadcast_in_dim3A_308, %broadcast_in_dim3A_311 : vector<128x1xf32>
    %eq3A_313 = vector.broadcast %min3A_312 : vector<128x1xf32> to vector<128x2048xf32>
    %eq3A_314 = arith.cmpf oeq, %select_n3A_294, %eq3A_313 : vector<128x2048xf32>
    %jit3A_315 = arith.constant 2147483647 : i32
    %broadcast_in_dim3A_316 = vector.broadcast %jit3A_315 : i32 to vector<128x2048xi32>
    %select_n3A_317 = arith.select %eq3A_314, %add3A_21, %broadcast_in_dim3A_316 : vector<128x2048xi1>, vector<128x2048xi32>
    %reduce_min3A_318 = arith.constant dense<2147483647> : vector<128xi32>
    %reduce_min3A_319 = vector.multi_reduction <minsi>, %select_n3A_317, %reduce_min3A_318 [1] : vector<128x2048xi32> to vector<128xi32>
    %broadcast_in_dim3A_320 = vector.shape_cast %reduce_min3A_319 : vector<128xi32> to vector<128x1xi32>
    %eq3A_321 = vector.broadcast %min3A_312 : vector<128x1xf32> to vector<128x128xf32>
    %eq3A_322 = arith.cmpf oeq, %select_n3A_305, %eq3A_321 : vector<128x128xf32>
    %jit3A_323 = arith.constant 2147483647 : i32
    %broadcast_in_dim3A_324 = vector.broadcast %jit3A_323 : i32 to vector<128x128xi32>
    %select_n3A_325 = arith.select %eq3A_322, %get3A_33, %broadcast_in_dim3A_324 : vector<128x128xi1>, vector<128x128xi32>
    %reduce_min3A_326 = arith.constant dense<2147483647> : vector<128xi32>
    %reduce_min3A_327 = vector.multi_reduction <minsi>, %select_n3A_325, %reduce_min3A_326 [1] : vector<128x128xi32> to vector<128xi32>
    %broadcast_in_dim3A_328 = vector.shape_cast %reduce_min3A_327 : vector<128xi32> to vector<128x1xi32>
    %min3A_329 = arith.minsi %broadcast_in_dim3A_320, %broadcast_in_dim3A_328 : vector<128x1xi32>
    %eq3A_330 = arith.constant 4 : i32
    %eq3A_331 = vector.broadcast %eq3A_330 : i32 to vector<128x128xi32>
    %eq3A_332 = arith.cmpi eq, %iota3A_27, %eq3A_331 : vector<128x128xi32>
    %broadcast_in_dim3A_333 = vector.shape_cast %min3A_312 : vector<128x1xf32> to vector<128x1xf32>
    %broadcast_in_dim3A_334 = vector.broadcast %broadcast_in_dim3A_333 : vector<128x1xf32> to vector<128x128xf32>
    %select_n3A_335 = arith.select %eq3A_332, %broadcast_in_dim3A_334, %select_n3A_274 : vector<128x128xi1>, vector<128x128xf32>
    %eq3A_336 = arith.constant 4 : i32
    %eq3A_337 = vector.broadcast %eq3A_336 : i32 to vector<128x128xi32>
    %eq3A_338 = arith.cmpi eq, %iota3A_27, %eq3A_337 : vector<128x128xi32>
    %broadcast_in_dim3A_339 = vector.shape_cast %min3A_329 : vector<128x1xi32> to vector<128x1xi32>
    %broadcast_in_dim3A_340 = vector.broadcast %broadcast_in_dim3A_339 : vector<128x1xi32> to vector<128x128xi32>
    %select_n3A_341 = arith.select %eq3A_338, %broadcast_in_dim3A_340, %select_n3A_280 : vector<128x128xi1>, vector<128x128xi32>
    %get3A_342 = arith.constant 0 : index
    %get3A_343 = arith.constant 0 : index
    %get3A_344 = vector.load %arg6[%get3A_342, %get3A_343] : memref<128x2048xf32, #tpu.memory_space<vmem>>, vector<128x2048xf32>
    %gt3A_345 = vector.broadcast %min3A_312 : vector<128x1xf32> to vector<128x2048xf32>
    %gt3A_346 = arith.cmpf ogt, %get3A_344, %gt3A_345 : vector<128x2048xf32>
    %eq3A_347 = vector.broadcast %min3A_312 : vector<128x1xf32> to vector<128x2048xf32>
    %eq3A_348 = arith.cmpf oeq, %get3A_344, %eq3A_347 : vector<128x2048xf32>
    %gt3A_349 = vector.broadcast %min3A_329 : vector<128x1xi32> to vector<128x2048xi32>
    %gt3A_350 = arith.cmpi sgt, %add3A_21, %gt3A_349 : vector<128x2048xi32>
    %and3A_351 = arith.andi %eq3A_348, %gt3A_350 : vector<128x2048xi1>
    %or3A_352 = arith.ori %gt3A_346, %and3A_351 : vector<128x2048xi1>
    %jit3A_353 = arith.constant 0x7F800000 : f32
    %broadcast_in_dim3A_354 = vector.broadcast %jit3A_353 : f32 to vector<128x2048xf32>
    %select_n3A_355 = arith.select %or3A_352, %get3A_344, %broadcast_in_dim3A_354 : vector<128x2048xi1>, vector<128x2048xf32>
    %gt3A_356 = vector.broadcast %min3A_312 : vector<128x1xf32> to vector<128x128xf32>
    %gt3A_357 = arith.cmpf ogt, %get3A_30, %gt3A_356 : vector<128x128xf32>
    %eq3A_358 = vector.broadcast %min3A_312 : vector<128x1xf32> to vector<128x128xf32>
    %eq3A_359 = arith.cmpf oeq, %get3A_30, %eq3A_358 : vector<128x128xf32>
    %gt3A_360 = vector.broadcast %min3A_329 : vector<128x1xi32> to vector<128x128xi32>
    %gt3A_361 = arith.cmpi sgt, %get3A_33, %gt3A_360 : vector<128x128xi32>
    %and3A_362 = arith.andi %eq3A_359, %gt3A_361 : vector<128x128xi1>
    %or3A_363 = arith.ori %gt3A_357, %and3A_362 : vector<128x128xi1>
    %jit3A_364 = arith.constant 0x7F800000 : f32
    %broadcast_in_dim3A_365 = vector.broadcast %jit3A_364 : f32 to vector<128x128xf32>
    %select_n3A_366 = arith.select %or3A_363, %get3A_30, %broadcast_in_dim3A_365 : vector<128x128xi1>, vector<128x128xf32>
    %reduce_min3A_367 = arith.constant dense<0x7F800000> : vector<128xf32>
    %reduce_min3A_368 = vector.multi_reduction <minimumf>, %select_n3A_355, %reduce_min3A_367 [1] : vector<128x2048xf32> to vector<128xf32>
    %broadcast_in_dim3A_369 = vector.shape_cast %reduce_min3A_368 : vector<128xf32> to vector<128x1xf32>
    %reduce_min3A_370 = arith.constant dense<0x7F800000> : vector<128xf32>
    %reduce_min3A_371 = vector.multi_reduction <minimumf>, %select_n3A_366, %reduce_min3A_370 [1] : vector<128x128xf32> to vector<128xf32>
    %broadcast_in_dim3A_372 = vector.shape_cast %reduce_min3A_371 : vector<128xf32> to vector<128x1xf32>
    %min3A_373 = arith.minimumf %broadcast_in_dim3A_369, %broadcast_in_dim3A_372 : vector<128x1xf32>
    %eq3A_374 = vector.broadcast %min3A_373 : vector<128x1xf32> to vector<128x2048xf32>
    %eq3A_375 = arith.cmpf oeq, %select_n3A_355, %eq3A_374 : vector<128x2048xf32>
    %jit3A_376 = arith.constant 2147483647 : i32
    %broadcast_in_dim3A_377 = vector.broadcast %jit3A_376 : i32 to vector<128x2048xi32>
    %select_n3A_378 = arith.select %eq3A_375, %add3A_21, %broadcast_in_dim3A_377 : vector<128x2048xi1>, vector<128x2048xi32>
    %reduce_min3A_379 = arith.constant dense<2147483647> : vector<128xi32>
    %reduce_min3A_380 = vector.multi_reduction <minsi>, %select_n3A_378, %reduce_min3A_379 [1] : vector<128x2048xi32> to vector<128xi32>
    %broadcast_in_dim3A_381 = vector.shape_cast %reduce_min3A_380 : vector<128xi32> to vector<128x1xi32>
    %eq3A_382 = vector.broadcast %min3A_373 : vector<128x1xf32> to vector<128x128xf32>
    %eq3A_383 = arith.cmpf oeq, %select_n3A_366, %eq3A_382 : vector<128x128xf32>
    %jit3A_384 = arith.constant 2147483647 : i32
    %broadcast_in_dim3A_385 = vector.broadcast %jit3A_384 : i32 to vector<128x128xi32>
    %select_n3A_386 = arith.select %eq3A_383, %get3A_33, %broadcast_in_dim3A_385 : vector<128x128xi1>, vector<128x128xi32>
    %reduce_min3A_387 = arith.constant dense<2147483647> : vector<128xi32>
    %reduce_min3A_388 = vector.multi_reduction <minsi>, %select_n3A_386, %reduce_min3A_387 [1] : vector<128x128xi32> to vector<128xi32>
    %broadcast_in_dim3A_389 = vector.shape_cast %reduce_min3A_388 : vector<128xi32> to vector<128x1xi32>
    %min3A_390 = arith.minsi %broadcast_in_dim3A_381, %broadcast_in_dim3A_389 : vector<128x1xi32>
    %eq3A_391 = arith.constant 5 : i32
    %eq3A_392 = vector.broadcast %eq3A_391 : i32 to vector<128x128xi32>
    %eq3A_393 = arith.cmpi eq, %iota3A_27, %eq3A_392 : vector<128x128xi32>
    %broadcast_in_dim3A_394 = vector.shape_cast %min3A_373 : vector<128x1xf32> to vector<128x1xf32>
    %broadcast_in_dim3A_395 = vector.broadcast %broadcast_in_dim3A_394 : vector<128x1xf32> to vector<128x128xf32>
    %select_n3A_396 = arith.select %eq3A_393, %broadcast_in_dim3A_395, %select_n3A_335 : vector<128x128xi1>, vector<128x128xf32>
    %eq3A_397 = arith.constant 5 : i32
    %eq3A_398 = vector.broadcast %eq3A_397 : i32 to vector<128x128xi32>
    %eq3A_399 = arith.cmpi eq, %iota3A_27, %eq3A_398 : vector<128x128xi32>
    %broadcast_in_dim3A_400 = vector.shape_cast %min3A_390 : vector<128x1xi32> to vector<128x1xi32>
    %broadcast_in_dim3A_401 = vector.broadcast %broadcast_in_dim3A_400 : vector<128x1xi32> to vector<128x128xi32>
    %select_n3A_402 = arith.select %eq3A_399, %broadcast_in_dim3A_401, %select_n3A_341 : vector<128x128xi1>, vector<128x128xi32>
    %get3A_403 = arith.constant 0 : index
    %get3A_404 = arith.constant 0 : index
    %get3A_405 = vector.load %arg6[%get3A_403, %get3A_404] : memref<128x2048xf32, #tpu.memory_space<vmem>>, vector<128x2048xf32>
    %gt3A_406 = vector.broadcast %min3A_373 : vector<128x1xf32> to vector<128x2048xf32>
    %gt3A_407 = arith.cmpf ogt, %get3A_405, %gt3A_406 : vector<128x2048xf32>
    %eq3A_408 = vector.broadcast %min3A_373 : vector<128x1xf32> to vector<128x2048xf32>
    %eq3A_409 = arith.cmpf oeq, %get3A_405, %eq3A_408 : vector<128x2048xf32>
    %gt3A_410 = vector.broadcast %min3A_390 : vector<128x1xi32> to vector<128x2048xi32>
    %gt3A_411 = arith.cmpi sgt, %add3A_21, %gt3A_410 : vector<128x2048xi32>
    %and3A_412 = arith.andi %eq3A_409, %gt3A_411 : vector<128x2048xi1>
    %or3A_413 = arith.ori %gt3A_407, %and3A_412 : vector<128x2048xi1>
    %jit3A_414 = arith.constant 0x7F800000 : f32
    %broadcast_in_dim3A_415 = vector.broadcast %jit3A_414 : f32 to vector<128x2048xf32>
    %select_n3A_416 = arith.select %or3A_413, %get3A_405, %broadcast_in_dim3A_415 : vector<128x2048xi1>, vector<128x2048xf32>
    %gt3A_417 = vector.broadcast %min3A_373 : vector<128x1xf32> to vector<128x128xf32>
    %gt3A_418 = arith.cmpf ogt, %get3A_30, %gt3A_417 : vector<128x128xf32>
    %eq3A_419 = vector.broadcast %min3A_373 : vector<128x1xf32> to vector<128x128xf32>
    %eq3A_420 = arith.cmpf oeq, %get3A_30, %eq3A_419 : vector<128x128xf32>
    %gt3A_421 = vector.broadcast %min3A_390 : vector<128x1xi32> to vector<128x128xi32>
    %gt3A_422 = arith.cmpi sgt, %get3A_33, %gt3A_421 : vector<128x128xi32>
    %and3A_423 = arith.andi %eq3A_420, %gt3A_422 : vector<128x128xi1>
    %or3A_424 = arith.ori %gt3A_418, %and3A_423 : vector<128x128xi1>
    %jit3A_425 = arith.constant 0x7F800000 : f32
    %broadcast_in_dim3A_426 = vector.broadcast %jit3A_425 : f32 to vector<128x128xf32>
    %select_n3A_427 = arith.select %or3A_424, %get3A_30, %broadcast_in_dim3A_426 : vector<128x128xi1>, vector<128x128xf32>
    %reduce_min3A_428 = arith.constant dense<0x7F800000> : vector<128xf32>
    %reduce_min3A_429 = vector.multi_reduction <minimumf>, %select_n3A_416, %reduce_min3A_428 [1] : vector<128x2048xf32> to vector<128xf32>
    %broadcast_in_dim3A_430 = vector.shape_cast %reduce_min3A_429 : vector<128xf32> to vector<128x1xf32>
    %reduce_min3A_431 = arith.constant dense<0x7F800000> : vector<128xf32>
    %reduce_min3A_432 = vector.multi_reduction <minimumf>, %select_n3A_427, %reduce_min3A_431 [1] : vector<128x128xf32> to vector<128xf32>
    %broadcast_in_dim3A_433 = vector.shape_cast %reduce_min3A_432 : vector<128xf32> to vector<128x1xf32>
    %min3A_434 = arith.minimumf %broadcast_in_dim3A_430, %broadcast_in_dim3A_433 : vector<128x1xf32>
    %eq3A_435 = vector.broadcast %min3A_434 : vector<128x1xf32> to vector<128x2048xf32>
    %eq3A_436 = arith.cmpf oeq, %select_n3A_416, %eq3A_435 : vector<128x2048xf32>
    %jit3A_437 = arith.constant 2147483647 : i32
    %broadcast_in_dim3A_438 = vector.broadcast %jit3A_437 : i32 to vector<128x2048xi32>
    %select_n3A_439 = arith.select %eq3A_436, %add3A_21, %broadcast_in_dim3A_438 : vector<128x2048xi1>, vector<128x2048xi32>
    %reduce_min3A_440 = arith.constant dense<2147483647> : vector<128xi32>
    %reduce_min3A_441 = vector.multi_reduction <minsi>, %select_n3A_439, %reduce_min3A_440 [1] : vector<128x2048xi32> to vector<128xi32>
    %broadcast_in_dim3A_442 = vector.shape_cast %reduce_min3A_441 : vector<128xi32> to vector<128x1xi32>
    %eq3A_443 = vector.broadcast %min3A_434 : vector<128x1xf32> to vector<128x128xf32>
    %eq3A_444 = arith.cmpf oeq, %select_n3A_427, %eq3A_443 : vector<128x128xf32>
    %jit3A_445 = arith.constant 2147483647 : i32
    %broadcast_in_dim3A_446 = vector.broadcast %jit3A_445 : i32 to vector<128x128xi32>
    %select_n3A_447 = arith.select %eq3A_444, %get3A_33, %broadcast_in_dim3A_446 : vector<128x128xi1>, vector<128x128xi32>
    %reduce_min3A_448 = arith.constant dense<2147483647> : vector<128xi32>
    %reduce_min3A_449 = vector.multi_reduction <minsi>, %select_n3A_447, %reduce_min3A_448 [1] : vector<128x128xi32> to vector<128xi32>
    %broadcast_in_dim3A_450 = vector.shape_cast %reduce_min3A_449 : vector<128xi32> to vector<128x1xi32>
    %min3A_451 = arith.minsi %broadcast_in_dim3A_442, %broadcast_in_dim3A_450 : vector<128x1xi32>
    %eq3A_452 = arith.constant 6 : i32
    %eq3A_453 = vector.broadcast %eq3A_452 : i32 to vector<128x128xi32>
    %eq3A_454 = arith.cmpi eq, %iota3A_27, %eq3A_453 : vector<128x128xi32>
    %broadcast_in_dim3A_455 = vector.shape_cast %min3A_434 : vector<128x1xf32> to vector<128x1xf32>
    %broadcast_in_dim3A_456 = vector.broadcast %broadcast_in_dim3A_455 : vector<128x1xf32> to vector<128x128xf32>
    %select_n3A_457 = arith.select %eq3A_454, %broadcast_in_dim3A_456, %select_n3A_396 : vector<128x128xi1>, vector<128x128xf32>
    %eq3A_458 = arith.constant 6 : i32
    %eq3A_459 = vector.broadcast %eq3A_458 : i32 to vector<128x128xi32>
    %eq3A_460 = arith.cmpi eq, %iota3A_27, %eq3A_459 : vector<128x128xi32>
    %broadcast_in_dim3A_461 = vector.shape_cast %min3A_451 : vector<128x1xi32> to vector<128x1xi32>
    %broadcast_in_dim3A_462 = vector.broadcast %broadcast_in_dim3A_461 : vector<128x1xi32> to vector<128x128xi32>
    %select_n3A_463 = arith.select %eq3A_460, %broadcast_in_dim3A_462, %select_n3A_402 : vector<128x128xi1>, vector<128x128xi32>
    %get3A_464 = arith.constant 0 : index
    %get3A_465 = arith.constant 0 : index
    %get3A_466 = vector.load %arg6[%get3A_464, %get3A_465] : memref<128x2048xf32, #tpu.memory_space<vmem>>, vector<128x2048xf32>
    %gt3A_467 = vector.broadcast %min3A_434 : vector<128x1xf32> to vector<128x2048xf32>
    %gt3A_468 = arith.cmpf ogt, %get3A_466, %gt3A_467 : vector<128x2048xf32>
    %eq3A_469 = vector.broadcast %min3A_434 : vector<128x1xf32> to vector<128x2048xf32>
    %eq3A_470 = arith.cmpf oeq, %get3A_466, %eq3A_469 : vector<128x2048xf32>
    %gt3A_471 = vector.broadcast %min3A_451 : vector<128x1xi32> to vector<128x2048xi32>
    %gt3A_472 = arith.cmpi sgt, %add3A_21, %gt3A_471 : vector<128x2048xi32>
    %and3A_473 = arith.andi %eq3A_470, %gt3A_472 : vector<128x2048xi1>
    %or3A_474 = arith.ori %gt3A_468, %and3A_473 : vector<128x2048xi1>
    %jit3A_475 = arith.constant 0x7F800000 : f32
    %broadcast_in_dim3A_476 = vector.broadcast %jit3A_475 : f32 to vector<128x2048xf32>
    %select_n3A_477 = arith.select %or3A_474, %get3A_466, %broadcast_in_dim3A_476 : vector<128x2048xi1>, vector<128x2048xf32>
    %gt3A_478 = vector.broadcast %min3A_434 : vector<128x1xf32> to vector<128x128xf32>
    %gt3A_479 = arith.cmpf ogt, %get3A_30, %gt3A_478 : vector<128x128xf32>
    %eq3A_480 = vector.broadcast %min3A_434 : vector<128x1xf32> to vector<128x128xf32>
    %eq3A_481 = arith.cmpf oeq, %get3A_30, %eq3A_480 : vector<128x128xf32>
    %gt3A_482 = vector.broadcast %min3A_451 : vector<128x1xi32> to vector<128x128xi32>
    %gt3A_483 = arith.cmpi sgt, %get3A_33, %gt3A_482 : vector<128x128xi32>
    %and3A_484 = arith.andi %eq3A_481, %gt3A_483 : vector<128x128xi1>
    %or3A_485 = arith.ori %gt3A_479, %and3A_484 : vector<128x128xi1>
    %jit3A_486 = arith.constant 0x7F800000 : f32
    %broadcast_in_dim3A_487 = vector.broadcast %jit3A_486 : f32 to vector<128x128xf32>
    %select_n3A_488 = arith.select %or3A_485, %get3A_30, %broadcast_in_dim3A_487 : vector<128x128xi1>, vector<128x128xf32>
    %reduce_min3A_489 = arith.constant dense<0x7F800000> : vector<128xf32>
    %reduce_min3A_490 = vector.multi_reduction <minimumf>, %select_n3A_477, %reduce_min3A_489 [1] : vector<128x2048xf32> to vector<128xf32>
    %broadcast_in_dim3A_491 = vector.shape_cast %reduce_min3A_490 : vector<128xf32> to vector<128x1xf32>
    %reduce_min3A_492 = arith.constant dense<0x7F800000> : vector<128xf32>
    %reduce_min3A_493 = vector.multi_reduction <minimumf>, %select_n3A_488, %reduce_min3A_492 [1] : vector<128x128xf32> to vector<128xf32>
    %broadcast_in_dim3A_494 = vector.shape_cast %reduce_min3A_493 : vector<128xf32> to vector<128x1xf32>
    %min3A_495 = arith.minimumf %broadcast_in_dim3A_491, %broadcast_in_dim3A_494 : vector<128x1xf32>
    %eq3A_496 = vector.broadcast %min3A_495 : vector<128x1xf32> to vector<128x2048xf32>
    %eq3A_497 = arith.cmpf oeq, %select_n3A_477, %eq3A_496 : vector<128x2048xf32>
    %jit3A_498 = arith.constant 2147483647 : i32
    %broadcast_in_dim3A_499 = vector.broadcast %jit3A_498 : i32 to vector<128x2048xi32>
    %select_n3A_500 = arith.select %eq3A_497, %add3A_21, %broadcast_in_dim3A_499 : vector<128x2048xi1>, vector<128x2048xi32>
    %reduce_min3A_501 = arith.constant dense<2147483647> : vector<128xi32>
    %reduce_min3A_502 = vector.multi_reduction <minsi>, %select_n3A_500, %reduce_min3A_501 [1] : vector<128x2048xi32> to vector<128xi32>
    %broadcast_in_dim3A_503 = vector.shape_cast %reduce_min3A_502 : vector<128xi32> to vector<128x1xi32>
    %eq3A_504 = vector.broadcast %min3A_495 : vector<128x1xf32> to vector<128x128xf32>
    %eq3A_505 = arith.cmpf oeq, %select_n3A_488, %eq3A_504 : vector<128x128xf32>
    %jit3A_506 = arith.constant 2147483647 : i32
    %broadcast_in_dim3A_507 = vector.broadcast %jit3A_506 : i32 to vector<128x128xi32>
    %select_n3A_508 = arith.select %eq3A_505, %get3A_33, %broadcast_in_dim3A_507 : vector<128x128xi1>, vector<128x128xi32>
    %reduce_min3A_509 = arith.constant dense<2147483647> : vector<128xi32>
    %reduce_min3A_510 = vector.multi_reduction <minsi>, %select_n3A_508, %reduce_min3A_509 [1] : vector<128x128xi32> to vector<128xi32>
    %broadcast_in_dim3A_511 = vector.shape_cast %reduce_min3A_510 : vector<128xi32> to vector<128x1xi32>
    %min3A_512 = arith.minsi %broadcast_in_dim3A_503, %broadcast_in_dim3A_511 : vector<128x1xi32>
    %eq3A_513 = arith.constant 7 : i32
    %eq3A_514 = vector.broadcast %eq3A_513 : i32 to vector<128x128xi32>
    %eq3A_515 = arith.cmpi eq, %iota3A_27, %eq3A_514 : vector<128x128xi32>
    %broadcast_in_dim3A_516 = vector.shape_cast %min3A_495 : vector<128x1xf32> to vector<128x1xf32>
    %broadcast_in_dim3A_517 = vector.broadcast %broadcast_in_dim3A_516 : vector<128x1xf32> to vector<128x128xf32>
    %select_n3A_518 = arith.select %eq3A_515, %broadcast_in_dim3A_517, %select_n3A_457 : vector<128x128xi1>, vector<128x128xf32>
    %eq3A_519 = arith.constant 7 : i32
    %eq3A_520 = vector.broadcast %eq3A_519 : i32 to vector<128x128xi32>
    %eq3A_521 = arith.cmpi eq, %iota3A_27, %eq3A_520 : vector<128x128xi32>
    %broadcast_in_dim3A_522 = vector.shape_cast %min3A_512 : vector<128x1xi32> to vector<128x1xi32>
    %broadcast_in_dim3A_523 = vector.broadcast %broadcast_in_dim3A_522 : vector<128x1xi32> to vector<128x128xi32>
    %select_n3A_524 = arith.select %eq3A_521, %broadcast_in_dim3A_523, %select_n3A_463 : vector<128x128xi1>, vector<128x128xi32>
    %get3A_525 = arith.constant 0 : index
    %get3A_526 = arith.constant 0 : index
    %get3A_527 = vector.load %arg6[%get3A_525, %get3A_526] : memref<128x2048xf32, #tpu.memory_space<vmem>>, vector<128x2048xf32>
    %gt3A_528 = vector.broadcast %min3A_495 : vector<128x1xf32> to vector<128x2048xf32>
    %gt3A_529 = arith.cmpf ogt, %get3A_527, %gt3A_528 : vector<128x2048xf32>
    %eq3A_530 = vector.broadcast %min3A_495 : vector<128x1xf32> to vector<128x2048xf32>
    %eq3A_531 = arith.cmpf oeq, %get3A_527, %eq3A_530 : vector<128x2048xf32>
    %gt3A_532 = vector.broadcast %min3A_512 : vector<128x1xi32> to vector<128x2048xi32>
    %gt3A_533 = arith.cmpi sgt, %add3A_21, %gt3A_532 : vector<128x2048xi32>
    %and3A_534 = arith.andi %eq3A_531, %gt3A_533 : vector<128x2048xi1>
    %or3A_535 = arith.ori %gt3A_529, %and3A_534 : vector<128x2048xi1>
    %jit3A_536 = arith.constant 0x7F800000 : f32
    %broadcast_in_dim3A_537 = vector.broadcast %jit3A_536 : f32 to vector<128x2048xf32>
    %select_n3A_538 = arith.select %or3A_535, %get3A_527, %broadcast_in_dim3A_537 : vector<128x2048xi1>, vector<128x2048xf32>
    %gt3A_539 = vector.broadcast %min3A_495 : vector<128x1xf32> to vector<128x128xf32>
    %gt3A_540 = arith.cmpf ogt, %get3A_30, %gt3A_539 : vector<128x128xf32>
    %eq3A_541 = vector.broadcast %min3A_495 : vector<128x1xf32> to vector<128x128xf32>
    %eq3A_542 = arith.cmpf oeq, %get3A_30, %eq3A_541 : vector<128x128xf32>
    %gt3A_543 = vector.broadcast %min3A_512 : vector<128x1xi32> to vector<128x128xi32>
    %gt3A_544 = arith.cmpi sgt, %get3A_33, %gt3A_543 : vector<128x128xi32>
    %and3A_545 = arith.andi %eq3A_542, %gt3A_544 : vector<128x128xi1>
    %or3A_546 = arith.ori %gt3A_540, %and3A_545 : vector<128x128xi1>
    %jit3A_547 = arith.constant 0x7F800000 : f32
    %broadcast_in_dim3A_548 = vector.broadcast %jit3A_547 : f32 to vector<128x128xf32>
    %select_n3A_549 = arith.select %or3A_546, %get3A_30, %broadcast_in_dim3A_548 : vector<128x128xi1>, vector<128x128xf32>
    %reduce_min3A_550 = arith.constant dense<0x7F800000> : vector<128xf32>
    %reduce_min3A_551 = vector.multi_reduction <minimumf>, %select_n3A_538, %reduce_min3A_550 [1] : vector<128x2048xf32> to vector<128xf32>
    %broadcast_in_dim3A_552 = vector.shape_cast %reduce_min3A_551 : vector<128xf32> to vector<128x1xf32>
    %reduce_min3A_553 = arith.constant dense<0x7F800000> : vector<128xf32>
    %reduce_min3A_554 = vector.multi_reduction <minimumf>, %select_n3A_549, %reduce_min3A_553 [1] : vector<128x128xf32> to vector<128xf32>
    %broadcast_in_dim3A_555 = vector.shape_cast %reduce_min3A_554 : vector<128xf32> to vector<128x1xf32>
    %min3A_556 = arith.minimumf %broadcast_in_dim3A_552, %broadcast_in_dim3A_555 : vector<128x1xf32>
    %eq3A_557 = vector.broadcast %min3A_556 : vector<128x1xf32> to vector<128x2048xf32>
    %eq3A_558 = arith.cmpf oeq, %select_n3A_538, %eq3A_557 : vector<128x2048xf32>
    %jit3A_559 = arith.constant 2147483647 : i32
    %broadcast_in_dim3A_560 = vector.broadcast %jit3A_559 : i32 to vector<128x2048xi32>
    %select_n3A_561 = arith.select %eq3A_558, %add3A_21, %broadcast_in_dim3A_560 : vector<128x2048xi1>, vector<128x2048xi32>
    %reduce_min3A_562 = arith.constant dense<2147483647> : vector<128xi32>
    %reduce_min3A_563 = vector.multi_reduction <minsi>, %select_n3A_561, %reduce_min3A_562 [1] : vector<128x2048xi32> to vector<128xi32>
    %broadcast_in_dim3A_564 = vector.shape_cast %reduce_min3A_563 : vector<128xi32> to vector<128x1xi32>
    %eq3A_565 = vector.broadcast %min3A_556 : vector<128x1xf32> to vector<128x128xf32>
    %eq3A_566 = arith.cmpf oeq, %select_n3A_549, %eq3A_565 : vector<128x128xf32>
    %jit3A_567 = arith.constant 2147483647 : i32
    %broadcast_in_dim3A_568 = vector.broadcast %jit3A_567 : i32 to vector<128x128xi32>
    %select_n3A_569 = arith.select %eq3A_566, %get3A_33, %broadcast_in_dim3A_568 : vector<128x128xi1>, vector<128x128xi32>
    %reduce_min3A_570 = arith.constant dense<2147483647> : vector<128xi32>
    %reduce_min3A_571 = vector.multi_reduction <minsi>, %select_n3A_569, %reduce_min3A_570 [1] : vector<128x128xi32> to vector<128xi32>
    %broadcast_in_dim3A_572 = vector.shape_cast %reduce_min3A_571 : vector<128xi32> to vector<128x1xi32>
    %min3A_573 = arith.minsi %broadcast_in_dim3A_564, %broadcast_in_dim3A_572 : vector<128x1xi32>
    %eq3A_574 = arith.constant 8 : i32
    %eq3A_575 = vector.broadcast %eq3A_574 : i32 to vector<128x128xi32>
    %eq3A_576 = arith.cmpi eq, %iota3A_27, %eq3A_575 : vector<128x128xi32>
    %broadcast_in_dim3A_577 = vector.shape_cast %min3A_556 : vector<128x1xf32> to vector<128x1xf32>
    %broadcast_in_dim3A_578 = vector.broadcast %broadcast_in_dim3A_577 : vector<128x1xf32> to vector<128x128xf32>
    %select_n3A_579 = arith.select %eq3A_576, %broadcast_in_dim3A_578, %select_n3A_518 : vector<128x128xi1>, vector<128x128xf32>
    %eq3A_580 = arith.constant 8 : i32
    %eq3A_581 = vector.broadcast %eq3A_580 : i32 to vector<128x128xi32>
    %eq3A_582 = arith.cmpi eq, %iota3A_27, %eq3A_581 : vector<128x128xi32>
    %broadcast_in_dim3A_583 = vector.shape_cast %min3A_573 : vector<128x1xi32> to vector<128x1xi32>
    %broadcast_in_dim3A_584 = vector.broadcast %broadcast_in_dim3A_583 : vector<128x1xi32> to vector<128x128xi32>
    %select_n3A_585 = arith.select %eq3A_582, %broadcast_in_dim3A_584, %select_n3A_524 : vector<128x128xi1>, vector<128x128xi32>
    %get3A_586 = arith.constant 0 : index
    %get3A_587 = arith.constant 0 : index
    %get3A_588 = vector.load %arg6[%get3A_586, %get3A_587] : memref<128x2048xf32, #tpu.memory_space<vmem>>, vector<128x2048xf32>
    %gt3A_589 = vector.broadcast %min3A_556 : vector<128x1xf32> to vector<128x2048xf32>
    %gt3A_590 = arith.cmpf ogt, %get3A_588, %gt3A_589 : vector<128x2048xf32>
    %eq3A_591 = vector.broadcast %min3A_556 : vector<128x1xf32> to vector<128x2048xf32>
    %eq3A_592 = arith.cmpf oeq, %get3A_588, %eq3A_591 : vector<128x2048xf32>
    %gt3A_593 = vector.broadcast %min3A_573 : vector<128x1xi32> to vector<128x2048xi32>
    %gt3A_594 = arith.cmpi sgt, %add3A_21, %gt3A_593 : vector<128x2048xi32>
    %and3A_595 = arith.andi %eq3A_592, %gt3A_594 : vector<128x2048xi1>
    %or3A_596 = arith.ori %gt3A_590, %and3A_595 : vector<128x2048xi1>
    %jit3A_597 = arith.constant 0x7F800000 : f32
    %broadcast_in_dim3A_598 = vector.broadcast %jit3A_597 : f32 to vector<128x2048xf32>
    %select_n3A_599 = arith.select %or3A_596, %get3A_588, %broadcast_in_dim3A_598 : vector<128x2048xi1>, vector<128x2048xf32>
    %gt3A_600 = vector.broadcast %min3A_556 : vector<128x1xf32> to vector<128x128xf32>
    %gt3A_601 = arith.cmpf ogt, %get3A_30, %gt3A_600 : vector<128x128xf32>
    %eq3A_602 = vector.broadcast %min3A_556 : vector<128x1xf32> to vector<128x128xf32>
    %eq3A_603 = arith.cmpf oeq, %get3A_30, %eq3A_602 : vector<128x128xf32>
    %gt3A_604 = vector.broadcast %min3A_573 : vector<128x1xi32> to vector<128x128xi32>
    %gt3A_605 = arith.cmpi sgt, %get3A_33, %gt3A_604 : vector<128x128xi32>
    %and3A_606 = arith.andi %eq3A_603, %gt3A_605 : vector<128x128xi1>
    %or3A_607 = arith.ori %gt3A_601, %and3A_606 : vector<128x128xi1>
    %jit3A_608 = arith.constant 0x7F800000 : f32
    %broadcast_in_dim3A_609 = vector.broadcast %jit3A_608 : f32 to vector<128x128xf32>
    %select_n3A_610 = arith.select %or3A_607, %get3A_30, %broadcast_in_dim3A_609 : vector<128x128xi1>, vector<128x128xf32>
    %reduce_min3A_611 = arith.constant dense<0x7F800000> : vector<128xf32>
    %reduce_min3A_612 = vector.multi_reduction <minimumf>, %select_n3A_599, %reduce_min3A_611 [1] : vector<128x2048xf32> to vector<128xf32>
    %broadcast_in_dim3A_613 = vector.shape_cast %reduce_min3A_612 : vector<128xf32> to vector<128x1xf32>
    %reduce_min3A_614 = arith.constant dense<0x7F800000> : vector<128xf32>
    %reduce_min3A_615 = vector.multi_reduction <minimumf>, %select_n3A_610, %reduce_min3A_614 [1] : vector<128x128xf32> to vector<128xf32>
    %broadcast_in_dim3A_616 = vector.shape_cast %reduce_min3A_615 : vector<128xf32> to vector<128x1xf32>
    %min3A_617 = arith.minimumf %broadcast_in_dim3A_613, %broadcast_in_dim3A_616 : vector<128x1xf32>
    %eq3A_618 = vector.broadcast %min3A_617 : vector<128x1xf32> to vector<128x2048xf32>
    %eq3A_619 = arith.cmpf oeq, %select_n3A_599, %eq3A_618 : vector<128x2048xf32>
    %jit3A_620 = arith.constant 2147483647 : i32
    %broadcast_in_dim3A_621 = vector.broadcast %jit3A_620 : i32 to vector<128x2048xi32>
    %select_n3A_622 = arith.select %eq3A_619, %add3A_21, %broadcast_in_dim3A_621 : vector<128x2048xi1>, vector<128x2048xi32>
    %reduce_min3A_623 = arith.constant dense<2147483647> : vector<128xi32>
    %reduce_min3A_624 = vector.multi_reduction <minsi>, %select_n3A_622, %reduce_min3A_623 [1] : vector<128x2048xi32> to vector<128xi32>
    %broadcast_in_dim3A_625 = vector.shape_cast %reduce_min3A_624 : vector<128xi32> to vector<128x1xi32>
    %eq3A_626 = vector.broadcast %min3A_617 : vector<128x1xf32> to vector<128x128xf32>
    %eq3A_627 = arith.cmpf oeq, %select_n3A_610, %eq3A_626 : vector<128x128xf32>
    %jit3A_628 = arith.constant 2147483647 : i32
    %broadcast_in_dim3A_629 = vector.broadcast %jit3A_628 : i32 to vector<128x128xi32>
    %select_n3A_630 = arith.select %eq3A_627, %get3A_33, %broadcast_in_dim3A_629 : vector<128x128xi1>, vector<128x128xi32>
    %reduce_min3A_631 = arith.constant dense<2147483647> : vector<128xi32>
    %reduce_min3A_632 = vector.multi_reduction <minsi>, %select_n3A_630, %reduce_min3A_631 [1] : vector<128x128xi32> to vector<128xi32>
    %broadcast_in_dim3A_633 = vector.shape_cast %reduce_min3A_632 : vector<128xi32> to vector<128x1xi32>
    %min3A_634 = arith.minsi %broadcast_in_dim3A_625, %broadcast_in_dim3A_633 : vector<128x1xi32>
    %eq3A_635 = arith.constant 9 : i32
    %eq3A_636 = vector.broadcast %eq3A_635 : i32 to vector<128x128xi32>
    %eq3A_637 = arith.cmpi eq, %iota3A_27, %eq3A_636 : vector<128x128xi32>
    %broadcast_in_dim3A_638 = vector.shape_cast %min3A_617 : vector<128x1xf32> to vector<128x1xf32>
    %broadcast_in_dim3A_639 = vector.broadcast %broadcast_in_dim3A_638 : vector<128x1xf32> to vector<128x128xf32>
    %select_n3A_640 = arith.select %eq3A_637, %broadcast_in_dim3A_639, %select_n3A_579 : vector<128x128xi1>, vector<128x128xf32>
    %eq3A_641 = arith.constant 9 : i32
    %eq3A_642 = vector.broadcast %eq3A_641 : i32 to vector<128x128xi32>
    %eq3A_643 = arith.cmpi eq, %iota3A_27, %eq3A_642 : vector<128x128xi32>
    %broadcast_in_dim3A_644 = vector.shape_cast %min3A_634 : vector<128x1xi32> to vector<128x1xi32>
    %broadcast_in_dim3A_645 = vector.broadcast %broadcast_in_dim3A_644 : vector<128x1xi32> to vector<128x128xi32>
    %select_n3A_646 = arith.select %eq3A_643, %broadcast_in_dim3A_645, %select_n3A_585 : vector<128x128xi1>, vector<128x128xi32>
    %get3A_647 = arith.constant 0 : index
    %get3A_648 = arith.constant 0 : index
    %get3A_649 = vector.load %arg6[%get3A_647, %get3A_648] : memref<128x2048xf32, #tpu.memory_space<vmem>>, vector<128x2048xf32>
    %gt3A_650 = vector.broadcast %min3A_617 : vector<128x1xf32> to vector<128x2048xf32>
    %gt3A_651 = arith.cmpf ogt, %get3A_649, %gt3A_650 : vector<128x2048xf32>
    %eq3A_652 = vector.broadcast %min3A_617 : vector<128x1xf32> to vector<128x2048xf32>
    %eq3A_653 = arith.cmpf oeq, %get3A_649, %eq3A_652 : vector<128x2048xf32>
    %gt3A_654 = vector.broadcast %min3A_634 : vector<128x1xi32> to vector<128x2048xi32>
    %gt3A_655 = arith.cmpi sgt, %add3A_21, %gt3A_654 : vector<128x2048xi32>
    %and3A_656 = arith.andi %eq3A_653, %gt3A_655 : vector<128x2048xi1>
    %or3A_657 = arith.ori %gt3A_651, %and3A_656 : vector<128x2048xi1>
    %jit3A_658 = arith.constant 0x7F800000 : f32
    %broadcast_in_dim3A_659 = vector.broadcast %jit3A_658 : f32 to vector<128x2048xf32>
    %select_n3A_660 = arith.select %or3A_657, %get3A_649, %broadcast_in_dim3A_659 : vector<128x2048xi1>, vector<128x2048xf32>
    %gt3A_661 = vector.broadcast %min3A_617 : vector<128x1xf32> to vector<128x128xf32>
    %gt3A_662 = arith.cmpf ogt, %get3A_30, %gt3A_661 : vector<128x128xf32>
    %eq3A_663 = vector.broadcast %min3A_617 : vector<128x1xf32> to vector<128x128xf32>
    %eq3A_664 = arith.cmpf oeq, %get3A_30, %eq3A_663 : vector<128x128xf32>
    %gt3A_665 = vector.broadcast %min3A_634 : vector<128x1xi32> to vector<128x128xi32>
    %gt3A_666 = arith.cmpi sgt, %get3A_33, %gt3A_665 : vector<128x128xi32>
    %and3A_667 = arith.andi %eq3A_664, %gt3A_666 : vector<128x128xi1>
    %or3A_668 = arith.ori %gt3A_662, %and3A_667 : vector<128x128xi1>
    %jit3A_669 = arith.constant 0x7F800000 : f32
    %broadcast_in_dim3A_670 = vector.broadcast %jit3A_669 : f32 to vector<128x128xf32>
    %select_n3A_671 = arith.select %or3A_668, %get3A_30, %broadcast_in_dim3A_670 : vector<128x128xi1>, vector<128x128xf32>
    %reduce_min3A_672 = arith.constant dense<0x7F800000> : vector<128xf32>
    %reduce_min3A_673 = vector.multi_reduction <minimumf>, %select_n3A_660, %reduce_min3A_672 [1] : vector<128x2048xf32> to vector<128xf32>
    %broadcast_in_dim3A_674 = vector.shape_cast %reduce_min3A_673 : vector<128xf32> to vector<128x1xf32>
    %reduce_min3A_675 = arith.constant dense<0x7F800000> : vector<128xf32>
    %reduce_min3A_676 = vector.multi_reduction <minimumf>, %select_n3A_671, %reduce_min3A_675 [1] : vector<128x128xf32> to vector<128xf32>
    %broadcast_in_dim3A_677 = vector.shape_cast %reduce_min3A_676 : vector<128xf32> to vector<128x1xf32>
    %min3A_678 = arith.minimumf %broadcast_in_dim3A_674, %broadcast_in_dim3A_677 : vector<128x1xf32>
    %eq3A_679 = vector.broadcast %min3A_678 : vector<128x1xf32> to vector<128x2048xf32>
    %eq3A_680 = arith.cmpf oeq, %select_n3A_660, %eq3A_679 : vector<128x2048xf32>
    %jit3A_681 = arith.constant 2147483647 : i32
    %broadcast_in_dim3A_682 = vector.broadcast %jit3A_681 : i32 to vector<128x2048xi32>
    %select_n3A_683 = arith.select %eq3A_680, %add3A_21, %broadcast_in_dim3A_682 : vector<128x2048xi1>, vector<128x2048xi32>
    %reduce_min3A_684 = arith.constant dense<2147483647> : vector<128xi32>
    %reduce_min3A_685 = vector.multi_reduction <minsi>, %select_n3A_683, %reduce_min3A_684 [1] : vector<128x2048xi32> to vector<128xi32>
    %broadcast_in_dim3A_686 = vector.shape_cast %reduce_min3A_685 : vector<128xi32> to vector<128x1xi32>
    %eq3A_687 = vector.broadcast %min3A_678 : vector<128x1xf32> to vector<128x128xf32>
    %eq3A_688 = arith.cmpf oeq, %select_n3A_671, %eq3A_687 : vector<128x128xf32>
    %jit3A_689 = arith.constant 2147483647 : i32
    %broadcast_in_dim3A_690 = vector.broadcast %jit3A_689 : i32 to vector<128x128xi32>
    %select_n3A_691 = arith.select %eq3A_688, %get3A_33, %broadcast_in_dim3A_690 : vector<128x128xi1>, vector<128x128xi32>
    %reduce_min3A_692 = arith.constant dense<2147483647> : vector<128xi32>
    %reduce_min3A_693 = vector.multi_reduction <minsi>, %select_n3A_691, %reduce_min3A_692 [1] : vector<128x128xi32> to vector<128xi32>
    %broadcast_in_dim3A_694 = vector.shape_cast %reduce_min3A_693 : vector<128xi32> to vector<128x1xi32>
    %min3A_695 = arith.minsi %broadcast_in_dim3A_686, %broadcast_in_dim3A_694 : vector<128x1xi32>
    %eq3A_696 = arith.constant 10 : i32
    %eq3A_697 = vector.broadcast %eq3A_696 : i32 to vector<128x128xi32>
    %eq3A_698 = arith.cmpi eq, %iota3A_27, %eq3A_697 : vector<128x128xi32>
    %broadcast_in_dim3A_699 = vector.shape_cast %min3A_678 : vector<128x1xf32> to vector<128x1xf32>
    %broadcast_in_dim3A_700 = vector.broadcast %broadcast_in_dim3A_699 : vector<128x1xf32> to vector<128x128xf32>
    %select_n3A_701 = arith.select %eq3A_698, %broadcast_in_dim3A_700, %select_n3A_640 : vector<128x128xi1>, vector<128x128xf32>
    %eq3A_702 = arith.constant 10 : i32
    %eq3A_703 = vector.broadcast %eq3A_702 : i32 to vector<128x128xi32>
    %eq3A_704 = arith.cmpi eq, %iota3A_27, %eq3A_703 : vector<128x128xi32>
    %broadcast_in_dim3A_705 = vector.shape_cast %min3A_695 : vector<128x1xi32> to vector<128x1xi32>
    %broadcast_in_dim3A_706 = vector.broadcast %broadcast_in_dim3A_705 : vector<128x1xi32> to vector<128x128xi32>
    %select_n3A_707 = arith.select %eq3A_704, %broadcast_in_dim3A_706, %select_n3A_646 : vector<128x128xi1>, vector<128x128xi32>
    %get3A_708 = arith.constant 0 : index
    %get3A_709 = arith.constant 0 : index
    %get3A_710 = vector.load %arg6[%get3A_708, %get3A_709] : memref<128x2048xf32, #tpu.memory_space<vmem>>, vector<128x2048xf32>
    %gt3A_711 = vector.broadcast %min3A_678 : vector<128x1xf32> to vector<128x2048xf32>
    %gt3A_712 = arith.cmpf ogt, %get3A_710, %gt3A_711 : vector<128x2048xf32>
    %eq3A_713 = vector.broadcast %min3A_678 : vector<128x1xf32> to vector<128x2048xf32>
    %eq3A_714 = arith.cmpf oeq, %get3A_710, %eq3A_713 : vector<128x2048xf32>
    %gt3A_715 = vector.broadcast %min3A_695 : vector<128x1xi32> to vector<128x2048xi32>
    %gt3A_716 = arith.cmpi sgt, %add3A_21, %gt3A_715 : vector<128x2048xi32>
    %and3A_717 = arith.andi %eq3A_714, %gt3A_716 : vector<128x2048xi1>
    %or3A_718 = arith.ori %gt3A_712, %and3A_717 : vector<128x2048xi1>
    %jit3A_719 = arith.constant 0x7F800000 : f32
    %broadcast_in_dim3A_720 = vector.broadcast %jit3A_719 : f32 to vector<128x2048xf32>
    %select_n3A_721 = arith.select %or3A_718, %get3A_710, %broadcast_in_dim3A_720 : vector<128x2048xi1>, vector<128x2048xf32>
    %gt3A_722 = vector.broadcast %min3A_678 : vector<128x1xf32> to vector<128x128xf32>
    %gt3A_723 = arith.cmpf ogt, %get3A_30, %gt3A_722 : vector<128x128xf32>
    %eq3A_724 = vector.broadcast %min3A_678 : vector<128x1xf32> to vector<128x128xf32>
    %eq3A_725 = arith.cmpf oeq, %get3A_30, %eq3A_724 : vector<128x128xf32>
    %gt3A_726 = vector.broadcast %min3A_695 : vector<128x1xi32> to vector<128x128xi32>
    %gt3A_727 = arith.cmpi sgt, %get3A_33, %gt3A_726 : vector<128x128xi32>
    %and3A_728 = arith.andi %eq3A_725, %gt3A_727 : vector<128x128xi1>
    %or3A_729 = arith.ori %gt3A_723, %and3A_728 : vector<128x128xi1>
    %jit3A_730 = arith.constant 0x7F800000 : f32
    %broadcast_in_dim3A_731 = vector.broadcast %jit3A_730 : f32 to vector<128x128xf32>
    %select_n3A_732 = arith.select %or3A_729, %get3A_30, %broadcast_in_dim3A_731 : vector<128x128xi1>, vector<128x128xf32>
    %reduce_min3A_733 = arith.constant dense<0x7F800000> : vector<128xf32>
    %reduce_min3A_734 = vector.multi_reduction <minimumf>, %select_n3A_721, %reduce_min3A_733 [1] : vector<128x2048xf32> to vector<128xf32>
    %broadcast_in_dim3A_735 = vector.shape_cast %reduce_min3A_734 : vector<128xf32> to vector<128x1xf32>
    %reduce_min3A_736 = arith.constant dense<0x7F800000> : vector<128xf32>
    %reduce_min3A_737 = vector.multi_reduction <minimumf>, %select_n3A_732, %reduce_min3A_736 [1] : vector<128x128xf32> to vector<128xf32>
    %broadcast_in_dim3A_738 = vector.shape_cast %reduce_min3A_737 : vector<128xf32> to vector<128x1xf32>
    %min3A_739 = arith.minimumf %broadcast_in_dim3A_735, %broadcast_in_dim3A_738 : vector<128x1xf32>
    %eq3A_740 = vector.broadcast %min3A_739 : vector<128x1xf32> to vector<128x2048xf32>
    %eq3A_741 = arith.cmpf oeq, %select_n3A_721, %eq3A_740 : vector<128x2048xf32>
    %jit3A_742 = arith.constant 2147483647 : i32
    %broadcast_in_dim3A_743 = vector.broadcast %jit3A_742 : i32 to vector<128x2048xi32>
    %select_n3A_744 = arith.select %eq3A_741, %add3A_21, %broadcast_in_dim3A_743 : vector<128x2048xi1>, vector<128x2048xi32>
    %reduce_min3A_745 = arith.constant dense<2147483647> : vector<128xi32>
    %reduce_min3A_746 = vector.multi_reduction <minsi>, %select_n3A_744, %reduce_min3A_745 [1] : vector<128x2048xi32> to vector<128xi32>
    %broadcast_in_dim3A_747 = vector.shape_cast %reduce_min3A_746 : vector<128xi32> to vector<128x1xi32>
    %eq3A_748 = vector.broadcast %min3A_739 : vector<128x1xf32> to vector<128x128xf32>
    %eq3A_749 = arith.cmpf oeq, %select_n3A_732, %eq3A_748 : vector<128x128xf32>
    %jit3A_750 = arith.constant 2147483647 : i32
    %broadcast_in_dim3A_751 = vector.broadcast %jit3A_750 : i32 to vector<128x128xi32>
    %select_n3A_752 = arith.select %eq3A_749, %get3A_33, %broadcast_in_dim3A_751 : vector<128x128xi1>, vector<128x128xi32>
    %reduce_min3A_753 = arith.constant dense<2147483647> : vector<128xi32>
    %reduce_min3A_754 = vector.multi_reduction <minsi>, %select_n3A_752, %reduce_min3A_753 [1] : vector<128x128xi32> to vector<128xi32>
    %broadcast_in_dim3A_755 = vector.shape_cast %reduce_min3A_754 : vector<128xi32> to vector<128x1xi32>
    %min3A_756 = arith.minsi %broadcast_in_dim3A_747, %broadcast_in_dim3A_755 : vector<128x1xi32>
    %eq3A_757 = arith.constant 11 : i32
    %eq3A_758 = vector.broadcast %eq3A_757 : i32 to vector<128x128xi32>
    %eq3A_759 = arith.cmpi eq, %iota3A_27, %eq3A_758 : vector<128x128xi32>
    %broadcast_in_dim3A_760 = vector.shape_cast %min3A_739 : vector<128x1xf32> to vector<128x1xf32>
    %broadcast_in_dim3A_761 = vector.broadcast %broadcast_in_dim3A_760 : vector<128x1xf32> to vector<128x128xf32>
    %select_n3A_762 = arith.select %eq3A_759, %broadcast_in_dim3A_761, %select_n3A_701 : vector<128x128xi1>, vector<128x128xf32>
    %eq3A_763 = arith.constant 11 : i32
    %eq3A_764 = vector.broadcast %eq3A_763 : i32 to vector<128x128xi32>
    %eq3A_765 = arith.cmpi eq, %iota3A_27, %eq3A_764 : vector<128x128xi32>
    %broadcast_in_dim3A_766 = vector.shape_cast %min3A_756 : vector<128x1xi32> to vector<128x1xi32>
    %broadcast_in_dim3A_767 = vector.broadcast %broadcast_in_dim3A_766 : vector<128x1xi32> to vector<128x128xi32>
    %select_n3A_768 = arith.select %eq3A_765, %broadcast_in_dim3A_767, %select_n3A_707 : vector<128x128xi1>, vector<128x128xi32>
    %get3A_769 = arith.constant 0 : index
    %get3A_770 = arith.constant 0 : index
    %get3A_771 = vector.load %arg6[%get3A_769, %get3A_770] : memref<128x2048xf32, #tpu.memory_space<vmem>>, vector<128x2048xf32>
    %gt3A_772 = vector.broadcast %min3A_739 : vector<128x1xf32> to vector<128x2048xf32>
    %gt3A_773 = arith.cmpf ogt, %get3A_771, %gt3A_772 : vector<128x2048xf32>
    %eq3A_774 = vector.broadcast %min3A_739 : vector<128x1xf32> to vector<128x2048xf32>
    %eq3A_775 = arith.cmpf oeq, %get3A_771, %eq3A_774 : vector<128x2048xf32>
    %gt3A_776 = vector.broadcast %min3A_756 : vector<128x1xi32> to vector<128x2048xi32>
    %gt3A_777 = arith.cmpi sgt, %add3A_21, %gt3A_776 : vector<128x2048xi32>
    %and3A_778 = arith.andi %eq3A_775, %gt3A_777 : vector<128x2048xi1>
    %or3A_779 = arith.ori %gt3A_773, %and3A_778 : vector<128x2048xi1>
    %jit3A_780 = arith.constant 0x7F800000 : f32
    %broadcast_in_dim3A_781 = vector.broadcast %jit3A_780 : f32 to vector<128x2048xf32>
    %select_n3A_782 = arith.select %or3A_779, %get3A_771, %broadcast_in_dim3A_781 : vector<128x2048xi1>, vector<128x2048xf32>
    %gt3A_783 = vector.broadcast %min3A_739 : vector<128x1xf32> to vector<128x128xf32>
    %gt3A_784 = arith.cmpf ogt, %get3A_30, %gt3A_783 : vector<128x128xf32>
    %eq3A_785 = vector.broadcast %min3A_739 : vector<128x1xf32> to vector<128x128xf32>
    %eq3A_786 = arith.cmpf oeq, %get3A_30, %eq3A_785 : vector<128x128xf32>
    %gt3A_787 = vector.broadcast %min3A_756 : vector<128x1xi32> to vector<128x128xi32>
    %gt3A_788 = arith.cmpi sgt, %get3A_33, %gt3A_787 : vector<128x128xi32>
    %and3A_789 = arith.andi %eq3A_786, %gt3A_788 : vector<128x128xi1>
    %or3A_790 = arith.ori %gt3A_784, %and3A_789 : vector<128x128xi1>
    %jit3A_791 = arith.constant 0x7F800000 : f32
    %broadcast_in_dim3A_792 = vector.broadcast %jit3A_791 : f32 to vector<128x128xf32>
    %select_n3A_793 = arith.select %or3A_790, %get3A_30, %broadcast_in_dim3A_792 : vector<128x128xi1>, vector<128x128xf32>
    %reduce_min3A_794 = arith.constant dense<0x7F800000> : vector<128xf32>
    %reduce_min3A_795 = vector.multi_reduction <minimumf>, %select_n3A_782, %reduce_min3A_794 [1] : vector<128x2048xf32> to vector<128xf32>
    %broadcast_in_dim3A_796 = vector.shape_cast %reduce_min3A_795 : vector<128xf32> to vector<128x1xf32>
    %reduce_min3A_797 = arith.constant dense<0x7F800000> : vector<128xf32>
    %reduce_min3A_798 = vector.multi_reduction <minimumf>, %select_n3A_793, %reduce_min3A_797 [1] : vector<128x128xf32> to vector<128xf32>
    %broadcast_in_dim3A_799 = vector.shape_cast %reduce_min3A_798 : vector<128xf32> to vector<128x1xf32>
    %min3A_800 = arith.minimumf %broadcast_in_dim3A_796, %broadcast_in_dim3A_799 : vector<128x1xf32>
    %eq3A_801 = vector.broadcast %min3A_800 : vector<128x1xf32> to vector<128x2048xf32>
    %eq3A_802 = arith.cmpf oeq, %select_n3A_782, %eq3A_801 : vector<128x2048xf32>
    %jit3A_803 = arith.constant 2147483647 : i32
    %broadcast_in_dim3A_804 = vector.broadcast %jit3A_803 : i32 to vector<128x2048xi32>
    %select_n3A_805 = arith.select %eq3A_802, %add3A_21, %broadcast_in_dim3A_804 : vector<128x2048xi1>, vector<128x2048xi32>
    %reduce_min3A_806 = arith.constant dense<2147483647> : vector<128xi32>
    %reduce_min3A_807 = vector.multi_reduction <minsi>, %select_n3A_805, %reduce_min3A_806 [1] : vector<128x2048xi32> to vector<128xi32>
    %broadcast_in_dim3A_808 = vector.shape_cast %reduce_min3A_807 : vector<128xi32> to vector<128x1xi32>
    %eq3A_809 = vector.broadcast %min3A_800 : vector<128x1xf32> to vector<128x128xf32>
    %eq3A_810 = arith.cmpf oeq, %select_n3A_793, %eq3A_809 : vector<128x128xf32>
    %jit3A_811 = arith.constant 2147483647 : i32
    %broadcast_in_dim3A_812 = vector.broadcast %jit3A_811 : i32 to vector<128x128xi32>
    %select_n3A_813 = arith.select %eq3A_810, %get3A_33, %broadcast_in_dim3A_812 : vector<128x128xi1>, vector<128x128xi32>
    %reduce_min3A_814 = arith.constant dense<2147483647> : vector<128xi32>
    %reduce_min3A_815 = vector.multi_reduction <minsi>, %select_n3A_813, %reduce_min3A_814 [1] : vector<128x128xi32> to vector<128xi32>
    %broadcast_in_dim3A_816 = vector.shape_cast %reduce_min3A_815 : vector<128xi32> to vector<128x1xi32>
    %min3A_817 = arith.minsi %broadcast_in_dim3A_808, %broadcast_in_dim3A_816 : vector<128x1xi32>
    %eq3A_818 = arith.constant 12 : i32
    %eq3A_819 = vector.broadcast %eq3A_818 : i32 to vector<128x128xi32>
    %eq3A_820 = arith.cmpi eq, %iota3A_27, %eq3A_819 : vector<128x128xi32>
    %broadcast_in_dim3A_821 = vector.shape_cast %min3A_800 : vector<128x1xf32> to vector<128x1xf32>
    %broadcast_in_dim3A_822 = vector.broadcast %broadcast_in_dim3A_821 : vector<128x1xf32> to vector<128x128xf32>
    %select_n3A_823 = arith.select %eq3A_820, %broadcast_in_dim3A_822, %select_n3A_762 : vector<128x128xi1>, vector<128x128xf32>
    %eq3A_824 = arith.constant 12 : i32
    %eq3A_825 = vector.broadcast %eq3A_824 : i32 to vector<128x128xi32>
    %eq3A_826 = arith.cmpi eq, %iota3A_27, %eq3A_825 : vector<128x128xi32>
    %broadcast_in_dim3A_827 = vector.shape_cast %min3A_817 : vector<128x1xi32> to vector<128x1xi32>
    %broadcast_in_dim3A_828 = vector.broadcast %broadcast_in_dim3A_827 : vector<128x1xi32> to vector<128x128xi32>
    %select_n3A_829 = arith.select %eq3A_826, %broadcast_in_dim3A_828, %select_n3A_768 : vector<128x128xi1>, vector<128x128xi32>
    %get3A_830 = arith.constant 0 : index
    %get3A_831 = arith.constant 0 : index
    %get3A_832 = vector.load %arg6[%get3A_830, %get3A_831] : memref<128x2048xf32, #tpu.memory_space<vmem>>, vector<128x2048xf32>
    %gt3A_833 = vector.broadcast %min3A_800 : vector<128x1xf32> to vector<128x2048xf32>
    %gt3A_834 = arith.cmpf ogt, %get3A_832, %gt3A_833 : vector<128x2048xf32>
    %eq3A_835 = vector.broadcast %min3A_800 : vector<128x1xf32> to vector<128x2048xf32>
    %eq3A_836 = arith.cmpf oeq, %get3A_832, %eq3A_835 : vector<128x2048xf32>
    %gt3A_837 = vector.broadcast %min3A_817 : vector<128x1xi32> to vector<128x2048xi32>
    %gt3A_838 = arith.cmpi sgt, %add3A_21, %gt3A_837 : vector<128x2048xi32>
    %and3A_839 = arith.andi %eq3A_836, %gt3A_838 : vector<128x2048xi1>
    %or3A_840 = arith.ori %gt3A_834, %and3A_839 : vector<128x2048xi1>
    %jit3A_841 = arith.constant 0x7F800000 : f32
    %broadcast_in_dim3A_842 = vector.broadcast %jit3A_841 : f32 to vector<128x2048xf32>
    %select_n3A_843 = arith.select %or3A_840, %get3A_832, %broadcast_in_dim3A_842 : vector<128x2048xi1>, vector<128x2048xf32>
    %gt3A_844 = vector.broadcast %min3A_800 : vector<128x1xf32> to vector<128x128xf32>
    %gt3A_845 = arith.cmpf ogt, %get3A_30, %gt3A_844 : vector<128x128xf32>
    %eq3A_846 = vector.broadcast %min3A_800 : vector<128x1xf32> to vector<128x128xf32>
    %eq3A_847 = arith.cmpf oeq, %get3A_30, %eq3A_846 : vector<128x128xf32>
    %gt3A_848 = vector.broadcast %min3A_817 : vector<128x1xi32> to vector<128x128xi32>
    %gt3A_849 = arith.cmpi sgt, %get3A_33, %gt3A_848 : vector<128x128xi32>
    %and3A_850 = arith.andi %eq3A_847, %gt3A_849 : vector<128x128xi1>
    %or3A_851 = arith.ori %gt3A_845, %and3A_850 : vector<128x128xi1>
    %jit3A_852 = arith.constant 0x7F800000 : f32
    %broadcast_in_dim3A_853 = vector.broadcast %jit3A_852 : f32 to vector<128x128xf32>
    %select_n3A_854 = arith.select %or3A_851, %get3A_30, %broadcast_in_dim3A_853 : vector<128x128xi1>, vector<128x128xf32>
    %reduce_min3A_855 = arith.constant dense<0x7F800000> : vector<128xf32>
    %reduce_min3A_856 = vector.multi_reduction <minimumf>, %select_n3A_843, %reduce_min3A_855 [1] : vector<128x2048xf32> to vector<128xf32>
    %broadcast_in_dim3A_857 = vector.shape_cast %reduce_min3A_856 : vector<128xf32> to vector<128x1xf32>
    %reduce_min3A_858 = arith.constant dense<0x7F800000> : vector<128xf32>
    %reduce_min3A_859 = vector.multi_reduction <minimumf>, %select_n3A_854, %reduce_min3A_858 [1] : vector<128x128xf32> to vector<128xf32>
    %broadcast_in_dim3A_860 = vector.shape_cast %reduce_min3A_859 : vector<128xf32> to vector<128x1xf32>
    %min3A_861 = arith.minimumf %broadcast_in_dim3A_857, %broadcast_in_dim3A_860 : vector<128x1xf32>
    %eq3A_862 = vector.broadcast %min3A_861 : vector<128x1xf32> to vector<128x2048xf32>
    %eq3A_863 = arith.cmpf oeq, %select_n3A_843, %eq3A_862 : vector<128x2048xf32>
    %jit3A_864 = arith.constant 2147483647 : i32
    %broadcast_in_dim3A_865 = vector.broadcast %jit3A_864 : i32 to vector<128x2048xi32>
    %select_n3A_866 = arith.select %eq3A_863, %add3A_21, %broadcast_in_dim3A_865 : vector<128x2048xi1>, vector<128x2048xi32>
    %reduce_min3A_867 = arith.constant dense<2147483647> : vector<128xi32>
    %reduce_min3A_868 = vector.multi_reduction <minsi>, %select_n3A_866, %reduce_min3A_867 [1] : vector<128x2048xi32> to vector<128xi32>
    %broadcast_in_dim3A_869 = vector.shape_cast %reduce_min3A_868 : vector<128xi32> to vector<128x1xi32>
    %eq3A_870 = vector.broadcast %min3A_861 : vector<128x1xf32> to vector<128x128xf32>
    %eq3A_871 = arith.cmpf oeq, %select_n3A_854, %eq3A_870 : vector<128x128xf32>
    %jit3A_872 = arith.constant 2147483647 : i32
    %broadcast_in_dim3A_873 = vector.broadcast %jit3A_872 : i32 to vector<128x128xi32>
    %select_n3A_874 = arith.select %eq3A_871, %get3A_33, %broadcast_in_dim3A_873 : vector<128x128xi1>, vector<128x128xi32>
    %reduce_min3A_875 = arith.constant dense<2147483647> : vector<128xi32>
    %reduce_min3A_876 = vector.multi_reduction <minsi>, %select_n3A_874, %reduce_min3A_875 [1] : vector<128x128xi32> to vector<128xi32>
    %broadcast_in_dim3A_877 = vector.shape_cast %reduce_min3A_876 : vector<128xi32> to vector<128x1xi32>
    %min3A_878 = arith.minsi %broadcast_in_dim3A_869, %broadcast_in_dim3A_877 : vector<128x1xi32>
    %eq3A_879 = arith.constant 13 : i32
    %eq3A_880 = vector.broadcast %eq3A_879 : i32 to vector<128x128xi32>
    %eq3A_881 = arith.cmpi eq, %iota3A_27, %eq3A_880 : vector<128x128xi32>
    %broadcast_in_dim3A_882 = vector.shape_cast %min3A_861 : vector<128x1xf32> to vector<128x1xf32>
    %broadcast_in_dim3A_883 = vector.broadcast %broadcast_in_dim3A_882 : vector<128x1xf32> to vector<128x128xf32>
    %select_n3A_884 = arith.select %eq3A_881, %broadcast_in_dim3A_883, %select_n3A_823 : vector<128x128xi1>, vector<128x128xf32>
    %eq3A_885 = arith.constant 13 : i32
    %eq3A_886 = vector.broadcast %eq3A_885 : i32 to vector<128x128xi32>
    %eq3A_887 = arith.cmpi eq, %iota3A_27, %eq3A_886 : vector<128x128xi32>
    %broadcast_in_dim3A_888 = vector.shape_cast %min3A_878 : vector<128x1xi32> to vector<128x1xi32>
    %broadcast_in_dim3A_889 = vector.broadcast %broadcast_in_dim3A_888 : vector<128x1xi32> to vector<128x128xi32>
    %select_n3A_890 = arith.select %eq3A_887, %broadcast_in_dim3A_889, %select_n3A_829 : vector<128x128xi1>, vector<128x128xi32>
    %get3A_891 = arith.constant 0 : index
    %get3A_892 = arith.constant 0 : index
    %get3A_893 = vector.load %arg6[%get3A_891, %get3A_892] : memref<128x2048xf32, #tpu.memory_space<vmem>>, vector<128x2048xf32>
    %gt3A_894 = vector.broadcast %min3A_861 : vector<128x1xf32> to vector<128x2048xf32>
    %gt3A_895 = arith.cmpf ogt, %get3A_893, %gt3A_894 : vector<128x2048xf32>
    %eq3A_896 = vector.broadcast %min3A_861 : vector<128x1xf32> to vector<128x2048xf32>
    %eq3A_897 = arith.cmpf oeq, %get3A_893, %eq3A_896 : vector<128x2048xf32>
    %gt3A_898 = vector.broadcast %min3A_878 : vector<128x1xi32> to vector<128x2048xi32>
    %gt3A_899 = arith.cmpi sgt, %add3A_21, %gt3A_898 : vector<128x2048xi32>
    %and3A_900 = arith.andi %eq3A_897, %gt3A_899 : vector<128x2048xi1>
    %or3A_901 = arith.ori %gt3A_895, %and3A_900 : vector<128x2048xi1>
    %jit3A_902 = arith.constant 0x7F800000 : f32
    %broadcast_in_dim3A_903 = vector.broadcast %jit3A_902 : f32 to vector<128x2048xf32>
    %select_n3A_904 = arith.select %or3A_901, %get3A_893, %broadcast_in_dim3A_903 : vector<128x2048xi1>, vector<128x2048xf32>
    %gt3A_905 = vector.broadcast %min3A_861 : vector<128x1xf32> to vector<128x128xf32>
    %gt3A_906 = arith.cmpf ogt, %get3A_30, %gt3A_905 : vector<128x128xf32>
    %eq3A_907 = vector.broadcast %min3A_861 : vector<128x1xf32> to vector<128x128xf32>
    %eq3A_908 = arith.cmpf oeq, %get3A_30, %eq3A_907 : vector<128x128xf32>
    %gt3A_909 = vector.broadcast %min3A_878 : vector<128x1xi32> to vector<128x128xi32>
    %gt3A_910 = arith.cmpi sgt, %get3A_33, %gt3A_909 : vector<128x128xi32>
    %and3A_911 = arith.andi %eq3A_908, %gt3A_910 : vector<128x128xi1>
    %or3A_912 = arith.ori %gt3A_906, %and3A_911 : vector<128x128xi1>
    %jit3A_913 = arith.constant 0x7F800000 : f32
    %broadcast_in_dim3A_914 = vector.broadcast %jit3A_913 : f32 to vector<128x128xf32>
    %select_n3A_915 = arith.select %or3A_912, %get3A_30, %broadcast_in_dim3A_914 : vector<128x128xi1>, vector<128x128xf32>
    %reduce_min3A_916 = arith.constant dense<0x7F800000> : vector<128xf32>
    %reduce_min3A_917 = vector.multi_reduction <minimumf>, %select_n3A_904, %reduce_min3A_916 [1] : vector<128x2048xf32> to vector<128xf32>
    %broadcast_in_dim3A_918 = vector.shape_cast %reduce_min3A_917 : vector<128xf32> to vector<128x1xf32>
    %reduce_min3A_919 = arith.constant dense<0x7F800000> : vector<128xf32>
    %reduce_min3A_920 = vector.multi_reduction <minimumf>, %select_n3A_915, %reduce_min3A_919 [1] : vector<128x128xf32> to vector<128xf32>
    %broadcast_in_dim3A_921 = vector.shape_cast %reduce_min3A_920 : vector<128xf32> to vector<128x1xf32>
    %min3A_922 = arith.minimumf %broadcast_in_dim3A_918, %broadcast_in_dim3A_921 : vector<128x1xf32>
    %eq3A_923 = vector.broadcast %min3A_922 : vector<128x1xf32> to vector<128x2048xf32>
    %eq3A_924 = arith.cmpf oeq, %select_n3A_904, %eq3A_923 : vector<128x2048xf32>
    %jit3A_925 = arith.constant 2147483647 : i32
    %broadcast_in_dim3A_926 = vector.broadcast %jit3A_925 : i32 to vector<128x2048xi32>
    %select_n3A_927 = arith.select %eq3A_924, %add3A_21, %broadcast_in_dim3A_926 : vector<128x2048xi1>, vector<128x2048xi32>
    %reduce_min3A_928 = arith.constant dense<2147483647> : vector<128xi32>
    %reduce_min3A_929 = vector.multi_reduction <minsi>, %select_n3A_927, %reduce_min3A_928 [1] : vector<128x2048xi32> to vector<128xi32>
    %broadcast_in_dim3A_930 = vector.shape_cast %reduce_min3A_929 : vector<128xi32> to vector<128x1xi32>
    %eq3A_931 = vector.broadcast %min3A_922 : vector<128x1xf32> to vector<128x128xf32>
    %eq3A_932 = arith.cmpf oeq, %select_n3A_915, %eq3A_931 : vector<128x128xf32>
    %jit3A_933 = arith.constant 2147483647 : i32
    %broadcast_in_dim3A_934 = vector.broadcast %jit3A_933 : i32 to vector<128x128xi32>
    %select_n3A_935 = arith.select %eq3A_932, %get3A_33, %broadcast_in_dim3A_934 : vector<128x128xi1>, vector<128x128xi32>
    %reduce_min3A_936 = arith.constant dense<2147483647> : vector<128xi32>
    %reduce_min3A_937 = vector.multi_reduction <minsi>, %select_n3A_935, %reduce_min3A_936 [1] : vector<128x128xi32> to vector<128xi32>
    %broadcast_in_dim3A_938 = vector.shape_cast %reduce_min3A_937 : vector<128xi32> to vector<128x1xi32>
    %min3A_939 = arith.minsi %broadcast_in_dim3A_930, %broadcast_in_dim3A_938 : vector<128x1xi32>
    %eq3A_940 = arith.constant 14 : i32
    %eq3A_941 = vector.broadcast %eq3A_940 : i32 to vector<128x128xi32>
    %eq3A_942 = arith.cmpi eq, %iota3A_27, %eq3A_941 : vector<128x128xi32>
    %broadcast_in_dim3A_943 = vector.shape_cast %min3A_922 : vector<128x1xf32> to vector<128x1xf32>
    %broadcast_in_dim3A_944 = vector.broadcast %broadcast_in_dim3A_943 : vector<128x1xf32> to vector<128x128xf32>
    %select_n3A_945 = arith.select %eq3A_942, %broadcast_in_dim3A_944, %select_n3A_884 : vector<128x128xi1>, vector<128x128xf32>
    %eq3A_946 = arith.constant 14 : i32
    %eq3A_947 = vector.broadcast %eq3A_946 : i32 to vector<128x128xi32>
    %eq3A_948 = arith.cmpi eq, %iota3A_27, %eq3A_947 : vector<128x128xi32>
    %broadcast_in_dim3A_949 = vector.shape_cast %min3A_939 : vector<128x1xi32> to vector<128x1xi32>
    %broadcast_in_dim3A_950 = vector.broadcast %broadcast_in_dim3A_949 : vector<128x1xi32> to vector<128x128xi32>
    %select_n3A_951 = arith.select %eq3A_948, %broadcast_in_dim3A_950, %select_n3A_890 : vector<128x128xi1>, vector<128x128xi32>
    %get3A_952 = arith.constant 0 : index
    %get3A_953 = arith.constant 0 : index
    %get3A_954 = vector.load %arg6[%get3A_952, %get3A_953] : memref<128x2048xf32, #tpu.memory_space<vmem>>, vector<128x2048xf32>
    %gt3A_955 = vector.broadcast %min3A_922 : vector<128x1xf32> to vector<128x2048xf32>
    %gt3A_956 = arith.cmpf ogt, %get3A_954, %gt3A_955 : vector<128x2048xf32>
    %eq3A_957 = vector.broadcast %min3A_922 : vector<128x1xf32> to vector<128x2048xf32>
    %eq3A_958 = arith.cmpf oeq, %get3A_954, %eq3A_957 : vector<128x2048xf32>
    %gt3A_959 = vector.broadcast %min3A_939 : vector<128x1xi32> to vector<128x2048xi32>
    %gt3A_960 = arith.cmpi sgt, %add3A_21, %gt3A_959 : vector<128x2048xi32>
    %and3A_961 = arith.andi %eq3A_958, %gt3A_960 : vector<128x2048xi1>
    %or3A_962 = arith.ori %gt3A_956, %and3A_961 : vector<128x2048xi1>
    %jit3A_963 = arith.constant 0x7F800000 : f32
    %broadcast_in_dim3A_964 = vector.broadcast %jit3A_963 : f32 to vector<128x2048xf32>
    %select_n3A_965 = arith.select %or3A_962, %get3A_954, %broadcast_in_dim3A_964 : vector<128x2048xi1>, vector<128x2048xf32>
    %gt3A_966 = vector.broadcast %min3A_922 : vector<128x1xf32> to vector<128x128xf32>
    %gt3A_967 = arith.cmpf ogt, %get3A_30, %gt3A_966 : vector<128x128xf32>
    %eq3A_968 = vector.broadcast %min3A_922 : vector<128x1xf32> to vector<128x128xf32>
    %eq3A_969 = arith.cmpf oeq, %get3A_30, %eq3A_968 : vector<128x128xf32>
    %gt3A_970 = vector.broadcast %min3A_939 : vector<128x1xi32> to vector<128x128xi32>
    %gt3A_971 = arith.cmpi sgt, %get3A_33, %gt3A_970 : vector<128x128xi32>
    %and3A_972 = arith.andi %eq3A_969, %gt3A_971 : vector<128x128xi1>
    %or3A_973 = arith.ori %gt3A_967, %and3A_972 : vector<128x128xi1>
    %jit3A_974 = arith.constant 0x7F800000 : f32
    %broadcast_in_dim3A_975 = vector.broadcast %jit3A_974 : f32 to vector<128x128xf32>
    %select_n3A_976 = arith.select %or3A_973, %get3A_30, %broadcast_in_dim3A_975 : vector<128x128xi1>, vector<128x128xf32>
    %reduce_min3A_977 = arith.constant dense<0x7F800000> : vector<128xf32>
    %reduce_min3A_978 = vector.multi_reduction <minimumf>, %select_n3A_965, %reduce_min3A_977 [1] : vector<128x2048xf32> to vector<128xf32>
    %broadcast_in_dim3A_979 = vector.shape_cast %reduce_min3A_978 : vector<128xf32> to vector<128x1xf32>
    %reduce_min3A_980 = arith.constant dense<0x7F800000> : vector<128xf32>
    %reduce_min3A_981 = vector.multi_reduction <minimumf>, %select_n3A_976, %reduce_min3A_980 [1] : vector<128x128xf32> to vector<128xf32>
    %broadcast_in_dim3A_982 = vector.shape_cast %reduce_min3A_981 : vector<128xf32> to vector<128x1xf32>
    %min3A_983 = arith.minimumf %broadcast_in_dim3A_979, %broadcast_in_dim3A_982 : vector<128x1xf32>
    %eq3A_984 = vector.broadcast %min3A_983 : vector<128x1xf32> to vector<128x2048xf32>
    %eq3A_985 = arith.cmpf oeq, %select_n3A_965, %eq3A_984 : vector<128x2048xf32>
    %jit3A_986 = arith.constant 2147483647 : i32
    %broadcast_in_dim3A_987 = vector.broadcast %jit3A_986 : i32 to vector<128x2048xi32>
    %select_n3A_988 = arith.select %eq3A_985, %add3A_21, %broadcast_in_dim3A_987 : vector<128x2048xi1>, vector<128x2048xi32>
    %reduce_min3A_989 = arith.constant dense<2147483647> : vector<128xi32>
    %reduce_min3A_990 = vector.multi_reduction <minsi>, %select_n3A_988, %reduce_min3A_989 [1] : vector<128x2048xi32> to vector<128xi32>
    %broadcast_in_dim3A_991 = vector.shape_cast %reduce_min3A_990 : vector<128xi32> to vector<128x1xi32>
    %eq3A_992 = vector.broadcast %min3A_983 : vector<128x1xf32> to vector<128x128xf32>
    %eq3A_993 = arith.cmpf oeq, %select_n3A_976, %eq3A_992 : vector<128x128xf32>
    %jit3A_994 = arith.constant 2147483647 : i32
    %broadcast_in_dim3A_995 = vector.broadcast %jit3A_994 : i32 to vector<128x128xi32>
    %select_n3A_996 = arith.select %eq3A_993, %get3A_33, %broadcast_in_dim3A_995 : vector<128x128xi1>, vector<128x128xi32>
    %reduce_min3A_997 = arith.constant dense<2147483647> : vector<128xi32>
    %reduce_min3A_998 = vector.multi_reduction <minsi>, %select_n3A_996, %reduce_min3A_997 [1] : vector<128x128xi32> to vector<128xi32>
    %broadcast_in_dim3A_999 = vector.shape_cast %reduce_min3A_998 : vector<128xi32> to vector<128x1xi32>
    %min3A_1000 = arith.minsi %broadcast_in_dim3A_991, %broadcast_in_dim3A_999 : vector<128x1xi32>
    %eq3A_1001 = arith.constant 15 : i32
    %eq3A_1002 = vector.broadcast %eq3A_1001 : i32 to vector<128x128xi32>
    %eq3A_1003 = arith.cmpi eq, %iota3A_27, %eq3A_1002 : vector<128x128xi32>
    %broadcast_in_dim3A_1004 = vector.shape_cast %min3A_983 : vector<128x1xf32> to vector<128x1xf32>
    %broadcast_in_dim3A_1005 = vector.broadcast %broadcast_in_dim3A_1004 : vector<128x1xf32> to vector<128x128xf32>
    %select_n3A_1006 = arith.select %eq3A_1003, %broadcast_in_dim3A_1005, %select_n3A_945 : vector<128x128xi1>, vector<128x128xf32>
    %eq3A_1007 = arith.constant 15 : i32
    %eq3A_1008 = vector.broadcast %eq3A_1007 : i32 to vector<128x128xi32>
    %eq3A_1009 = arith.cmpi eq, %iota3A_27, %eq3A_1008 : vector<128x128xi32>
    %broadcast_in_dim3A_1010 = vector.shape_cast %min3A_1000 : vector<128x1xi32> to vector<128x1xi32>
    %broadcast_in_dim3A_1011 = vector.broadcast %broadcast_in_dim3A_1010 : vector<128x1xi32> to vector<128x128xi32>
    %select_n3A_1012 = arith.select %eq3A_1009, %broadcast_in_dim3A_1011, %select_n3A_951 : vector<128x128xi1>, vector<128x128xi32>
    %get3A_1013 = arith.constant 0 : index
    %get3A_1014 = arith.constant 0 : index
    %get3A_1015 = vector.load %arg6[%get3A_1013, %get3A_1014] : memref<128x2048xf32, #tpu.memory_space<vmem>>, vector<128x2048xf32>
    %gt3A_1016 = vector.broadcast %min3A_983 : vector<128x1xf32> to vector<128x2048xf32>
    %gt3A_1017 = arith.cmpf ogt, %get3A_1015, %gt3A_1016 : vector<128x2048xf32>
    %eq3A_1018 = vector.broadcast %min3A_983 : vector<128x1xf32> to vector<128x2048xf32>
    %eq3A_1019 = arith.cmpf oeq, %get3A_1015, %eq3A_1018 : vector<128x2048xf32>
    %gt3A_1020 = vector.broadcast %min3A_1000 : vector<128x1xi32> to vector<128x2048xi32>
    %gt3A_1021 = arith.cmpi sgt, %add3A_21, %gt3A_1020 : vector<128x2048xi32>
    %and3A_1022 = arith.andi %eq3A_1019, %gt3A_1021 : vector<128x2048xi1>
    %or3A_1023 = arith.ori %gt3A_1017, %and3A_1022 : vector<128x2048xi1>
    %jit3A_1024 = arith.constant 0x7F800000 : f32
    %broadcast_in_dim3A_1025 = vector.broadcast %jit3A_1024 : f32 to vector<128x2048xf32>
    %select_n3A_1026 = arith.select %or3A_1023, %get3A_1015, %broadcast_in_dim3A_1025 : vector<128x2048xi1>, vector<128x2048xf32>
    %gt3A_1027 = vector.broadcast %min3A_983 : vector<128x1xf32> to vector<128x128xf32>
    %gt3A_1028 = arith.cmpf ogt, %get3A_30, %gt3A_1027 : vector<128x128xf32>
    %eq3A_1029 = vector.broadcast %min3A_983 : vector<128x1xf32> to vector<128x128xf32>
    %eq3A_1030 = arith.cmpf oeq, %get3A_30, %eq3A_1029 : vector<128x128xf32>
    %gt3A_1031 = vector.broadcast %min3A_1000 : vector<128x1xi32> to vector<128x128xi32>
    %gt3A_1032 = arith.cmpi sgt, %get3A_33, %gt3A_1031 : vector<128x128xi32>
    %and3A_1033 = arith.andi %eq3A_1030, %gt3A_1032 : vector<128x128xi1>
    %or3A_1034 = arith.ori %gt3A_1028, %and3A_1033 : vector<128x128xi1>
    %jit3A_1035 = arith.constant 0x7F800000 : f32
    %broadcast_in_dim3A_1036 = vector.broadcast %jit3A_1035 : f32 to vector<128x128xf32>
    %select_n3A_1037 = arith.select %or3A_1034, %get3A_30, %broadcast_in_dim3A_1036 : vector<128x128xi1>, vector<128x128xf32>
    %reduce_min3A_1038 = arith.constant dense<0x7F800000> : vector<128xf32>
    %reduce_min3A_1039 = vector.multi_reduction <minimumf>, %select_n3A_1026, %reduce_min3A_1038 [1] : vector<128x2048xf32> to vector<128xf32>
    %broadcast_in_dim3A_1040 = vector.shape_cast %reduce_min3A_1039 : vector<128xf32> to vector<128x1xf32>
    %reduce_min3A_1041 = arith.constant dense<0x7F800000> : vector<128xf32>
    %reduce_min3A_1042 = vector.multi_reduction <minimumf>, %select_n3A_1037, %reduce_min3A_1041 [1] : vector<128x128xf32> to vector<128xf32>
    %broadcast_in_dim3A_1043 = vector.shape_cast %reduce_min3A_1042 : vector<128xf32> to vector<128x1xf32>
    %min3A_1044 = arith.minimumf %broadcast_in_dim3A_1040, %broadcast_in_dim3A_1043 : vector<128x1xf32>
    %eq3A_1045 = vector.broadcast %min3A_1044 : vector<128x1xf32> to vector<128x2048xf32>
    %eq3A_1046 = arith.cmpf oeq, %select_n3A_1026, %eq3A_1045 : vector<128x2048xf32>
    %jit3A_1047 = arith.constant 2147483647 : i32
    %broadcast_in_dim3A_1048 = vector.broadcast %jit3A_1047 : i32 to vector<128x2048xi32>
    %select_n3A_1049 = arith.select %eq3A_1046, %add3A_21, %broadcast_in_dim3A_1048 : vector<128x2048xi1>, vector<128x2048xi32>
    %reduce_min3A_1050 = arith.constant dense<2147483647> : vector<128xi32>
    %reduce_min3A_1051 = vector.multi_reduction <minsi>, %select_n3A_1049, %reduce_min3A_1050 [1] : vector<128x2048xi32> to vector<128xi32>
    %broadcast_in_dim3A_1052 = vector.shape_cast %reduce_min3A_1051 : vector<128xi32> to vector<128x1xi32>
    %eq3A_1053 = vector.broadcast %min3A_1044 : vector<128x1xf32> to vector<128x128xf32>
    %eq3A_1054 = arith.cmpf oeq, %select_n3A_1037, %eq3A_1053 : vector<128x128xf32>
    %jit3A_1055 = arith.constant 2147483647 : i32
    %broadcast_in_dim3A_1056 = vector.broadcast %jit3A_1055 : i32 to vector<128x128xi32>
    %select_n3A_1057 = arith.select %eq3A_1054, %get3A_33, %broadcast_in_dim3A_1056 : vector<128x128xi1>, vector<128x128xi32>
    %reduce_min3A_1058 = arith.constant dense<2147483647> : vector<128xi32>
    %reduce_min3A_1059 = vector.multi_reduction <minsi>, %select_n3A_1057, %reduce_min3A_1058 [1] : vector<128x128xi32> to vector<128xi32>
    %broadcast_in_dim3A_1060 = vector.shape_cast %reduce_min3A_1059 : vector<128xi32> to vector<128x1xi32>
    %min3A_1061 = arith.minsi %broadcast_in_dim3A_1052, %broadcast_in_dim3A_1060 : vector<128x1xi32>
    %eq3A_1062 = arith.constant 16 : i32
    %eq3A_1063 = vector.broadcast %eq3A_1062 : i32 to vector<128x128xi32>
    %eq3A_1064 = arith.cmpi eq, %iota3A_27, %eq3A_1063 : vector<128x128xi32>
    %broadcast_in_dim3A_1065 = vector.shape_cast %min3A_1044 : vector<128x1xf32> to vector<128x1xf32>
    %broadcast_in_dim3A_1066 = vector.broadcast %broadcast_in_dim3A_1065 : vector<128x1xf32> to vector<128x128xf32>
    %select_n3A_1067 = arith.select %eq3A_1064, %broadcast_in_dim3A_1066, %select_n3A_1006 : vector<128x128xi1>, vector<128x128xf32>
    %eq3A_1068 = arith.constant 16 : i32
    %eq3A_1069 = vector.broadcast %eq3A_1068 : i32 to vector<128x128xi32>
    %eq3A_1070 = arith.cmpi eq, %iota3A_27, %eq3A_1069 : vector<128x128xi32>
    %broadcast_in_dim3A_1071 = vector.shape_cast %min3A_1061 : vector<128x1xi32> to vector<128x1xi32>
    %broadcast_in_dim3A_1072 = vector.broadcast %broadcast_in_dim3A_1071 : vector<128x1xi32> to vector<128x128xi32>
    %select_n3A_1073 = arith.select %eq3A_1070, %broadcast_in_dim3A_1072, %select_n3A_1012 : vector<128x128xi1>, vector<128x128xi32>
    %swap3A_1074 = arith.constant 0 : index
    %swap3A_1075 = arith.constant 0 : index
    %swap3A_1076 = vector.load %arg7[%swap3A_1074, %swap3A_1075] : memref<128x128xf32, #tpu.memory_space<vmem>>, vector<128x128xf32>
    tpu.vector_store %arg7[%swap3A_1074, %swap3A_1075], %select_n3A_1067 {strides = array<i32>} : memref<128x128xf32, #tpu.memory_space<vmem>>, vector<128x128xf32>,
    %swap3A_1077 = arith.constant 0 : index
    %swap3A_1078 = arith.constant 0 : index
    %swap3A_1079 = vector.load %arg8[%swap3A_1077, %swap3A_1078] : memref<128x128xi32, #tpu.memory_space<vmem>>, vector<128x128xi32>
    tpu.vector_store %arg8[%swap3A_1077, %swap3A_1078], %select_n3A_1073 {strides = array<i32>} : memref<128x128xi32, #tpu.memory_space<vmem>>, vector<128x128xi32>,
    %eq3A_1080 = arith.constant 4 : i32
    %eq3A_1081 = arith.cmpi eq, %arg1, %eq3A_1080 : i32
    %convert_element_type3A_1082 = arith.extui %eq3A_1081 : i1 to i32
    %cond3A_1083 = arith.constant 0 : i32
    %cond3A_1084 = arith.cmpi ne, %convert_element_type3A_1082, %cond3A_1083 : i32
    scf.if %cond3A_1084 {
      %swap3A_1085 = arith.constant 0 : index
      %swap3A_1086 = arith.constant 0 : index
      %swap3A_1087 = vector.load %arg4[%swap3A_1085, %swap3A_1086] : memref<128x128xf32, #tpu.memory_space<vmem>>, vector<128x128xf32>
      tpu.vector_store %arg4[%swap3A_1085, %swap3A_1086], %select_n3A_1067 {strides = array<i32>} : memref<128x128xf32, #tpu.memory_space<vmem>>, vector<128x128xf32>,
      %swap3A_1088 = arith.constant 0 : index
      %swap3A_1089 = arith.constant 0 : index
      %swap3A_1090 = vector.load %arg5[%swap3A_1088, %swap3A_1089] : memref<128x128xi32, #tpu.memory_space<vmem>>, vector<128x128xi32>
      tpu.vector_store %arg5[%swap3A_1088, %swap3A_1089], %select_n3A_1073 {strides = array<i32>} : memref<128x128xi32, #tpu.memory_space<vmem>>, vector<128x128xi32>,
    } else {
    }
    return
  }
  func.func @transform_0(%arg0: i32, %arg1: i32) -> (i32, i32) {
    %c0_i32 = arith.constant 0 : i32
    %c0_i32_0 = arith.constant 0 : i32
    return %arg0, %c0_i32 : i32, i32
  }
  func.func @transform_1(%arg0: i32, %arg1: i32) -> (i32, i32) {
    %c0_i32 = arith.constant 0 : i32
    %c0_i32_0 = arith.constant 0 : i32
    return %c0_i32, %arg1 : i32, i32
  }
  func.func @transform_2(%arg0: i32, %arg1: i32) -> (i32, i32) {
    %c0_i32 = arith.constant 0 : i32
    %c0_i32_0 = arith.constant 0 : i32
    return %arg0, %c0_i32 : i32, i32
  }
  func.func @transform_3(%arg0: i32, %arg1: i32) -> (i32, i32) {
    %c0_i32 = arith.constant 0 : i32
    %c0_i32_0 = arith.constant 0 : i32
    return %arg0, %c0_i32 : i32, i32
  }
}

</mosaic_0001>

<sc_bundles>
// kernel: scatter_offload_async_start.1
scs
__scs_entry_jumppad:
0x0: {  	(pc) =	sbr.rel $0x88, $3  }
0x1: {  	(tag) =	ssettag $0x0;
	lr =	simm.s32 $0x1  }
0x2: {  	[smem:$0x3F9C] =	sst lr;
	_ =	strace $0xD0000000  }
0x3: {  	_ = 	snop  }
0x4: {  	_ = 	snop  }
0x5: {  	_ = 	snop  }
0x6: {  	_ = 	snop  }
0x7: {  	_ = 	snop  }
__scs_overlays_trampoline_lowered:
0x8: {  	[smem:$0x3FAB] =	sst s0  }
0x9: {  	[smem:$0x3FAC] =	sst s1  }
0xa: {  	[smem:$0x3FAD] =	sst s2  }
0xb: {  	[smem:$0x3FAE] =	sst s3  }
0xc: {  	[smem:$0x3FAF] =	sst s4  }
0xd: {  	[smem:$0x3FB0] =	sst s5  }
0xe: {  	[smem:$0x3FB1] =	sst s6  }
0xf: {  	[smem:$0x3FB2] =	sst s7  }
0x10: {  	[smem:$0x3FB3] =	sst s8  }
0x11: {  	[smem:$0x3FB4] =	sst s9;
	s0 =	simm.s32 @!p0 $0x0  }
0x12: {  	s1 =	sld [smem:$0x3F9A];
	s0 =	simm.s32 @p0 $0x1  }
0x13: {  	[smem:$0x3FB5] =	sst s0;
	s0 =	simm.s32 @!p1 $0x0  }
0x14: {  	s2 =	sld [smem:$0x3F99];
	s0 =	simm.s32 @p1 $0x1  }
0x15: {  	[smem:$0x3FB6] =	sst s0;
	s0 =	simm.s32 @!p2 $0x0  }
0x16: {  	s3 =	sld [smem:$0x3FDB];
	s0 =	simm.s32 @p2 $0x1  }
0x17: {  	s4 =	simm.s32 $0x1BF5;
	[smem:$0x3FB8] =	sst s0  }
0x18: {  	s0 =	sld [smem:$0x3F9B];
	_ =	swait.ge [sflag:s4], $0x0  }
0x19: {  	s7 =	sld [smem:$0x3F9C]  }
0x1a: {  	s8 =	sadd.s32 $0xFFFFE003, lr  }
0x1b: {  	s9 =	sadd.s32 $0xFFFFFEF7, lr;
	s5 =	simm.s32 $0xFFFFFFFF;
	p2 =	slt.u32 s8, $0xFFFFF086  }
0x1c: {  	p1 =	slt.u32 s9, $0xF7A;
	s5 =	simm.s32 @!p2 $0x0  }
0x1d: {  	s5 =	simm.s32 @p1 $0x1;
	p0 =	seq.s32 s7, s2  }
0x1e: {  	s7 =	smul.u32 @!p0 $0xF7A, s2;
	p2 =	seq.s32 @!p0 s5, $0x0  }
0x1f: {  	s9 =	smul.u32 $0xF7A, s1;
	s8 =	simm.s32 @!p0 $0x1BF5;
	p2 =	por !p2, p0  }
0x20: {  	[sflag:s8] =	ssyncset.s32 @!p0 $0xFFFFF086;
	s6 =	sadd.s32 @!p0 s3, s7;
	s7 =	simm.s32 @!p0 $0x108  }
0x21: {  	s3 =	sadd.s32 s3, s9;
	s6 =	sadd.s32 @!p0 $0x88, s6;
	s7 =	simm.s32 @p2 $0x1082  }
0x22: {  	[simem:s7], [sflag:s8] =	dma.local @!p0 [hbm:s6], $0xF7A  }
0x23: {  	s9 =	sor.u32 $0xD0000000, s2;
	s6 =	simm.s32 $0x108;
	_ =	swait.ge @!p0 [sflag:s8], $0x0  }
0x24: {  	s3 =	sadd.s32 $0x88, s3;
	s6 =	simm.s32 @!p1 $0x1082;
	[sflag:s4] =	ssyncset.s32 $0xFFFFF086  }
0x25: {  	[simem:s6], [sflag:s4] =	dma.local [hbm:s3], $0xF7A  }
0x26: {  	[smem:$0x3F9C] =	sst s1;
	(tag) =	ssettag s2;
	_ =	strace s9  }
0x27: {  	s1 =	sld [smem:$0x3FAC]  }
0x28: {  	s2 =	sld [smem:$0x3FAD]  }
0x29: {  	s4 =	sld [smem:$0x3FAF]  }
0x2a: {  	p0 =	seq.s32 s5, $0x0;
	s5 =	sld [smem:$0x3FB0]  }
0x2b: {  	s6 =	sld [smem:$0x3FB1]  }
0x2c: {  	s7 =	sld [smem:$0x3FB2]  }
0x2d: {  	s3 =	simm.s32 $0x108;
	s8 =	sld [smem:$0x3FB3]  }
0x2e: {  	s3 =	simm.s32 @!p0 $0x1082;
	s9 =	sld [smem:$0x3FB4]  }
0x2f: {  	lr =	sadd.s32 s0, s3;
	s0 =	sld [smem:$0x3FAB]  }
0x30: {  	s3 =	sld [smem:$0x3FAE]  }
0x31: {  	[smem:$0x3FB7] =	sst s10  }
0x32: {  	s10 =	sld [smem:$0x3FB5];
	_ =	sdelay $0x3  }
0x33: {  	p0 =	seq.s32 s10, $0x1;
	s10 =	sld [smem:$0x3FB7];
	_ =	sdelay $0x3  }
0x34: {  	[smem:$0x3FB7] =	sst s10  }
0x35: {  	s10 =	sld [smem:$0x3FB6];
	_ =	sdelay $0x3  }
0x36: {  	p1 =	seq.s32 s10, $0x1;
	s10 =	sld [smem:$0x3FB7];
	_ =	sdelay $0x3  }
0x37: {  	[smem:$0x3FB7] =	sst s10  }
0x38: {  	s10 =	sld [smem:$0x3FB8]  }
0x39: {  	_ = 	snop;
	(pc) =	sbr.ind lr, $3  }
0x3a: {  	_ = 	snop  }
0x3b: {  	_ = 	snop  }
0x3c: {  	p2 =	seq.s32 s10, $0x1;
	s10 =	sld [smem:$0x3FB7]  }
0x3d: {  	_ =	shalt  }
0x3e: {  	_ =	shalt  }
0x3f: {  	_ =	shalt  }
0x40: {  	_ =	shalt  }
0x41: {  	_ =	shalt  }
0x42: {  	_ =	shalt  }
0x43: {  	_ =	shalt  }
0x44: {  	_ =	shalt  }
0x45: {  	_ =	shalt  }
0x46: {  	_ =	shalt  }
0x47: {  	_ =	shalt  }
0x48: {  	_ =	shalt  }
0x49: {  	_ =	shalt  }
0x4a: {  	_ =	shalt  }
0x4b: {  	_ =	shalt  }
0x4c: {  	_ =	shalt  }
0x4d: {  	_ =	shalt  }
0x4e: {  	_ =	shalt  }
0x4f: {  	_ =	shalt  }
0x50: {  	_ =	shalt  }
0x51: {  	_ =	shalt  }
0x52: {  	_ =	shalt  }
0x53: {  	_ =	shalt  }
0x54: {  	_ =	shalt  }
0x55: {  	_ =	shalt  }
0x56: {  	_ =	shalt  }
0x57: {  	_ =	shalt  }
0x58: {  	_ =	shalt  }
0x59: {  	_ =	shalt  }
0x5a: {  	_ =	shalt  }
0x5b: {  	_ =	shalt  }
0x5c: {  	_ =	shalt  }
0x5d: {  	_ =	shalt  }
0x5e: {  	_ =	shalt  }
0x5f: {  	_ =	shalt  }
0x60: {  	_ =	shalt  }
0x61: {  	_ =	shalt  }
0x62: {  	_ =	shalt  }
0x63: {  	_ =	shalt  }
0x64: {  	_ =	shalt  }
0x65: {  	_ =	shalt  }
0x66: {  	_ =	shalt  }
0x67: {  	_ =	shalt  }
0x68: {  	_ =	shalt  }
0x69: {  	_ =	shalt  }
0x6a: {  	_ =	shalt  }
0x6b: {  	_ =	shalt  }
0x6c: {  	_ =	shalt  }
0x6d: {  	_ =	shalt  }
0x6e: {  	_ =	shalt  }
0x6f: {  	_ =	shalt  }
0x70: {  	_ =	shalt  }
0x71: {  	_ =	shalt  }
0x72: {  	_ =	shalt  }
0x73: {  	_ =	shalt  }
0x74: {  	_ =	shalt  }
0x75: {  	_ =	shalt  }
0x76: {  	_ =	shalt  }
0x77: {  	_ =	shalt  }
0x78: {  	_ =	shalt  }
0x79: {  	_ =	shalt  }
0x7a: {  	_ =	shalt  }
0x7b: {  	_ =	shalt  }
0x7c: {  	_ =	shalt  }
0x7d: {  	_ =	shalt  }
0x7e: {  	_ =	shalt  }
0x7f: {  	_ =	shalt  }
0x80: {  	_ =	shalt  }
0x81: {  	_ =	shalt  }
0x82: {  	_ =	shalt  }
0x83: {  	_ =	shalt  }
0x84: {  	_ =	shalt  }
0x85: {  	_ =	shalt  }
0x86: {  	_ =	shalt  }
0x87: {  	_ =	shalt  }
.Lfunc_end0:
.L_simem_size_0:
called_computation.1_lowered:
.L_overlay_start_0:
0x88: {  	s2 =	sld [smem:$0x3FD9]  }
0x89: {  	s3 =	sld [smem:$0x3FFE];
	_ =	sdelay $0x1  }
0x8a: {  	s1 =	srdreg.scid  }
0x8b: {  	s0 =	sand.u32 $0x1, s1  }
0x8c: {  	s13 =	sshll.u32 s0, $0xA;
	s2 =	sadd.s32 s3, s2  }
0x8d: {  	s2 =	sadd.s32 s2, s13  }
0x8e: {  	[smem:$0x3FC3] =	sst s2  }
0x8f: {  	_ = 	snop  }
0x90: {  	s2 =	sld [smem:$0x3FD0];
	_ =	sdelay $0x2  }
0x91: {  	s14 =	simm.s32 $0xD;
	s4 =	simm.s32 $0x10  }
0x92: {  	[smem:s4], [sflag:s14] =	dma.local [hbm:s2], $0x1  }
0x93: {  	_ =	swait.eq [sflag:s14], $0x1  }
0x94: {  	[sflag:s14] =	ssyncset.done $0x0  }
0x95: {  	[sflag:s14] =	ssyncadd.s32 $0xFFFFFFFF  }
0x96: {  	s15 =	sld [smem:$0x16];
	(tm) =	ssettm $0x1  }
0x97: {  	s16 =	sld [smem:$0x3FFB];
	_ =	sdelay $0x3  }
0x98: {  	_ =	strace s16  }
0x99: {  	s3 =	sld [smem:$0x3FFC];
	_ =	sdelay $0x3  }
0x9a: {  	_ =	strace s3  }
0x9b: {  	s3 =	sld [smem:$0x3FFD];
	_ =	sdelay $0x3  }
0x9c: {  	_ =	strace s3  }
0x9d: {  	_ =	strace $0x8FFFFFFF  }
0x9e: {  	s17 =	sld [smem:$0x3FDB];
	_ =	sdelay $0x1  }
0x9f: {  	s18 =	simm.s32 $_scs_section_size  }
0xa0: {  	s5 =	simm.s32 $_size__tile_overlayer_lowered;
	s6 =	simm.s32 $_tile_overlayer_lowered  }
0xa1: {  	s21 =	simm.s32 $0x1BFF;
	s20 =	sshll.u32 s6, $0x1;
	s3 =	sadd.s32 s18, s17  }
0xa2: {  	s7 =	simm.s32 $0x0;
	s19 =	sshll.u32 s5, $0x1;
	s5 =	sadd.s32 s20, s3  }
0xa3: {  	[timem:s7], [sflag:s21] =	dma.local [hbm:s5], s19  }
0xa4: {  	_ =	swait.ge [sflag:s21], s19  }
0xa5: {  	s4 =	ssub.s32 $0x0, s19;
	[sflag:s21] =	ssyncset.done $0x0  }
0xa6: {  	[sflag:s21] =	ssyncadd.s32 s4;
	_ =	sdelay $0x1  }
0xa7: {  	s22 =	simm.s32 $0x1B8B  }
0xa8: {  	_ =	swait.ge [sflag:s22], $0x1  }
0xa9: {  	[sflag:s22] =	ssyncset.done $0x0  }
0xaa: {  	s23 =	sld [smem:$0x3FFE];
	[sflag:s22] =	ssyncadd.s32 $0xFFFFFFFF  }
0xab: {  	s25 =	simm.s32 $0x1B8E;
	s24 =	sld [smem:$0x0]  }
0xac: {  	s26 =	simm.s32 $execute0_lowered;
	[smem:$0x3FD2] =	sst s25  }
0xad: {  	s6 =	sshll.u32 s26, $0x1;
	_ =	strace $0x80000055;
	[dreg:$0x1] =	wrdreg $0xFFFFFFFF  }
0xae: {  	s28 =	simm.s32 $_size_execute0_lowered;
	s3 =	sadd.s32 s3, s6;
	[dreg:$0x0] =	wrdreg $0x0  }
0xaf: {  	s6 =	sshll.u32 s28, $0x1;
	[dreg:$0x2] =	wrdreg s3  }
0xb0: {  	[dreg:$0x3] =	wrdreg s6  }
0xb1: {  	[dreg:$0x4] =	wrdreg $0xC0  }
0xb2: {  	_ =	task [dreg:s7], $0x5FFFF  }
0xb3: {  	[dreg:$0x1] =	wrdreg $0xFFFFFFFF  }
0xb4: {  	[dreg:$0x0] =	wrdreg $0x60  }
0xb5: {  	[dreg:$0x2] =	wrdreg s23  }
0xb6: {  	[dreg:$0x3] =	wrdreg s15  }
0xb7: {  	[dreg:$0x4] =	wrdreg s1  }
0xb8: {  	[dreg:$0x5] =	wrdreg s24  }
0xb9: {  	[dreg:$0x6] =	wrdreg $0x9  }
0xba: {  	_ =	task.clear_ibuf [dreg:s7], $0x7FFFF;
	_ =	strace $0x90000055  }
0xbb: {  	s29 =	simm.s32 $0x9;
	_ =	strace $0x80000057  }
0xbc: {  	_ =	swait.ge [sflag:s29], $0x1  }
0xbd: {  	[sflag:s29] =	ssyncadd.s32 $0xFFFFFFFF  }
0xbe: {  	_ =	strace $0x90000057  }
0xbf: {  	_ =	sfence  }
0xc0: {  	s30 =	sld [smem:$0x0];
	_ =	sdelay $0x2  }
0xc1: {  	s31 =	sshll.u32 s1, $0xD;
	s1 =	sshrl.u32 s1, $0x2  }
0xc2: {  	s3 =	sand.u32 $0x4000, s31;
	s1 =	sadd.s32 s1, s30  }
0xc3: {  	s0 =	sor.u32 s3, s0;
	s1 =	sshll.u32 s1, $0x11  }
0xc4: {  	s0 =	sor.u32 s1, s0  }
0xc5: {  	s0 =	sadd.s32 $0x8F2B, s0  }
0xc6: {  	[sflag:s0] =	ssyncadd.remote.s32 $0x1  }
0xc7: {  	_ =	sfence.sel $0xFFFF  }
0xc8: {  	[dreg:$0x0] =	wrdreg $0xFFFFFFFF;
	(pc) =	sbr.abs _section_cstart, $3  }
0xc9: {  	[dreg:$0x1] =	wrdreg $0xFFFFFFFF  }
0xca: {  	_ =	task.clear_ibuf [dreg:s7], $0x2FFFF;
	_ =	strace $0x9FFFFFFF  }
0xcb: {  	(tm) =	ssettm $0x7FFFFFFF  }
tec
execute0_lowered:
.L_overlay_start_1:
0x0: {  	(tag) =	ssettag $0x1  }
0x1: {  	s2 =	rddreg [dreg:$0x0]  }
0x2: {  	s9 =	rddreg [dreg:$0x1]  }
0x3: {  	s3 =	rddreg [dreg:$0x2];
	_ =	strace $0x80000056;
	s0 =	simm.s32 $0x1  }
0x4: {  	v0 =	vimm.s32 $0x0;
	[sflag:s0] =	ssyncpa.u1 $0x0;
	s0 =	simm.s32 $0x108  }
0x5: {  	[tilespmem:s0+$0x70] =	vst v0  }
0x6: {  	[tilespmem:s0+$0x60] =	vst v0  }
0x7: {  	[tilespmem:s0+$0x50] =	vst v0  }
0x8: {  	[tilespmem:s0+$0x40] =	vst v0  }
0x9: {  	[tilespmem:s0+$0x30] =	vst v0  }
0xa: {  	s1 =	sadd.s32 $0x8B200, s2;
	s15 =	sadd.s32 $0x76600, s2;
	[tilespmem:s0+$0x20] =	vst v0  }
0xb: {  	s14 =	sadd.s32 $0xB2400, s2;
	s5 =	sand.u32 $0x1, s3;
	s3 =	simm.s32 $0x40;
	[tilespmem:s0+$0x10] =	vst v0  }
.LBB2_1:
0xc: {  	s3 =	sadd.s32 $0x40, s3;
	[tilespmem:s0+$0x0] =	vst v0;
	s0 =	sadd.s32 $0x80, s0  }
0xd: {  	p0 =	slt.u32 s3, $0x3C40;
	[tilespmem:s0+$0x70] =	vst v0  }
0xe: {  	[tilespmem:s0+$0x60] =	vst v0  }
.Ltmp0:
0xf: {  	[tilespmem:s0+$0x50] =	vst v0;
	(pc) =	sbr.rel @p0 .LBB2_1-.Ltmp0, $4  }
0x10: {  	[tilespmem:s0+$0x40] =	vst v0  }
0x11: {  	[tilespmem:s0+$0x30] =	vst v0  }
0x12: {  	[tilespmem:s0+$0x20] =	vst v0  }
0x13: {  	[tilespmem:s0+$0x10] =	vst v0  }
0x14: {  	s6 =	stileid.u32  }
0x15: {  	s2 =	smul.u32 $0x14, s6  }
0x16: {  	s3 =	smin.u32 s6, $0xE  }
0x17: {  	s2 =	sadd.s32 s3, s2  }
0x18: {  	p0 =	slt.u32 s6, $0xE;
	s7 =	smul.u32 $0xF0, s2;
	s2 =	simm.s32 $0x13B0  }
0x19: {  	s2 =	simm.s32 @!p0 $0x12C0  }
0x1a: {  	s2 =	sadd.s32 s2, s7  }
0x1b: {  	s8 =	smin.u32 s2, $0x13880  }
0x1c: {  	s2 =	ssub.s32 s8, s7  }
0x1d: {  	p0 =	sgt.s32 s2, $0x0  }
0x1e: {  	s29 =	simm.s32 $0x2;
	s10 =	simm.s32 $0x9;
	s2 =	simm.s32 @!p0 $0x0  }
0x1f: {  	s4 =	simm.s32 $0xA;
	s11 =	simm.s32 $0xB;
	s28 =	smulhi.u32 $0x88888889, s2  }
0x20: {  	[dreg:$0x5] =	wrdreg s5;
	s31 =	smul.u32 $0x2710, s5;
	s12 =	simm.s32 $0x1  }
0x21: {  	s22 =	simm.s32 $0x0;
	s18 =	simm.s32 $0xC;
	s30 =	sshrl.u32 s28, $0x7  }
0x22: {  	s20 =	simm.s32 $0x0;
	s21 =	simm.s32 $0x0;
	s3 =	smul.u32 $0xF0, s30  }
.Ltmp1:
0x23: {  	[tilespmem:s0+$0x0] =	vst v0;
	v0 =	vimm.s32 $0xFFFFFFFF;
	[sflag:s29] =	ssyncpa.u1 $0x0;
	s16 =	sshll.u32 s6, $0x8;
	(pc) =	sbr.rel .LBB2_3-.Ltmp1, $4  }
0x24: {  	[tilespmem:$0xF208] =	vst v0;
	[sflag:s10] =	ssyncpa.u1 $0x0;
	p0 =	sne.s32 s2, s3;
	s2 =	simm.s32 $0x1  }
0x25: {  	s14 =	sadd.s32 s31, s14;
	[sflag:s4] =	ssyncpa.u1 $0x0;
	s2 =	simm.s32 @!p0 $0x0  }
0x26: {  	s15 =	sadd.s32 s31, s15;
	[sflag:s11] =	ssyncpa.u1 $0x0;
	s13 =	sadd.s32 s2, s30  }
0x27: {  	v0 =	vlaneseq.u32;
	s19 =	smov.u32 s7;
	p0 =	por $0x0, $0x0;
	s17 =	sadd.s32 $0x1, s13  }
.LBB2_18:
0x28: {  	s0 =	sshrl.u32 s31, $0x2  }
.LBB2_20:
0x29: {  	_ =	swait.ge [sflag:s18], s0  }
0x2a: {  	s31 =	ssub.s32 $0x0, s0;
	v1 =	vmov s24;
	vm0 =	veq.s32 v0, $0x0;
	[sflag:s18] =	ssyncset.done $0x0  }
0x2b: {  	vm15 =	veq.s32 v0, $0x2;
	v1 =	vsel vm0, s30, v1;
	[sflag:s18] =	ssyncadd.s32 s31  }
0x2c: {  	v1 =	vsel vm15, s22, v1;
	[sflag:s18] =	ssyncpa.u1 $0x1  }
0x2d: {  	[tilespmem:$0xF208] =	vst v1  }
.LBB2_21:
0x2e: {  	s0 =	sadd.s32 $0xF0, s19  }
0x2f: {  	s2 =	smov.u32 s7;
	p1 =	slt.s32 s0, s8  }
0x30: {  	s2 =	smov.u32 @p1 s0;
	p1 =	sne.s32 s21, s17  }
.Ltmp2:
0x31: {  	_ = 	snop;
	(pc) =	sbr.rel @!p1 .LBB2_22-.Ltmp2, $3  }
0x32: {  	_ =	sdelay $0x1  }
0x33: {  	s22 =	smov.u32 s20;
	s31 =	sadd.s32 $0x1, s21;
	s20 =	smov.u32 s19  }
0x34: {  	p0 =	por !p0, !p0;
	s21 =	smov.u32 s31;
	s19 =	smov.u32 s2  }
.LBB2_3:
0x35: {  	p1 =	sge.u32 s21, s13  }
0x36: {  	s0 =	smulhi.u32 @!p1 $0xAAAAAAAB, s21  }
0x37: {  	s2 =	smov.u32 s19;
	p2 =	sgt.s32 @!p1 s19, $0x13790  }
0x38: {  	s3 =	sshra.s32 @!p1 s19, $0x1F;
	p2 =	por !p2, p1;
	s0 =	sshrl.u32 @!p1 s0, $0x1  }
0x39: {  	s3 =	sand.u32 @!p1 s3, s19;
	s2 =	simm.s32 @p2 $0x13790;
	s0 =	smul.u32 @!p1 $0x3, s0  }
0x3a: {  	s2 =	ssub.s32 @!p1 s2, s3  }
0x3b: {  	s2 =	sadd.s32 @!p1 $0xFFFEC870, s2;
	s0 =	ssub.s32 @!p1 s21, s0  }
0x3c: {  	s3 =	sshll.u32 @!p1 s2, $0x2;
	p2 =	sgt.s32 @!p1 s2, $0xEF;
	s0 =	smul.u32 @!p1 $0x3C0, s0  }
0x3d: {  	s4 =	sand.u32 @!p1 $0x7, s19;
	s2 =	ssub.s32 @!p1 $0x3C0, s3;
	p2 =	por !p2, p1  }
0x3e: {  	s3 =	sshrl.u32 @!p1 s19, $0x3;
	s2 =	sshrl.u32 @!p1 s2, $0x2;
	s0 =	sshrl.u32 @!p1 s0, $0x2  }
0x3f: {  	s3 =	sadd.s32 @!p1 s3, s14;
	s2 =	simm.s32 @!p2 $0x0;
	s0 =	sadd.s32 @!p1 $0x10248, s0  }
0x40: {  	[tilespmem:s0], [sflag:$0xA] =	stream.linear.gather @!p1 [hbm4b:s3+s4], s2, $0x38;
	[tilespmem:$0x1F6F8] =	vst v63  }
0x41: {  	s0 =	sadd.s32 $0xFFFFFFFF, s21  }
0x42: {  	p1 =	sge.u32 s0, s13  }
0x43: {  	p2 =	sgt.s32 @!p1 s20, $0x13790  }
0x44: {  	s2 =	smov.u32 s20;
	s3 =	sshra.s32 @!p1 s20, $0x1F;
	p2 =	por !p2, p1  }
0x45: {  	s3 =	sand.u32 @!p1 s3, s20;
	s2 =	simm.s32 @p2 $0x13790  }
0x46: {  	s2 =	ssub.s32 @!p1 s2, s3  }
0x47: {  	s2 =	sadd.s32 @!p1 $0xFFFEC870, s2  }
0x48: {  	s4 =	sand.u32 @!p1 $0x1, s0;
	s3 =	sshll.u32 @!p1 s2, $0x2  }
0x49: {  	p2 =	sgt.s32 @!p1 s2, $0xEF;
	s2 =	ssub.s32 @!p1 $0x3C0, s3;
	s3 =	smulhi.u32 @!p1 $0xAAAAAAAB, s0  }
0x4a: {  	s23 =	smul.u32 @!p1 $0x3C0, s4;
	p2 =	por !p2, p1;
	s2 =	sshrl.u32 @!p1 s2, $0x2  }
0x4b: {  	s5 =	simm.s32 @!p1 $0xA;
	s2 =	simm.s32 @!p2 $0x0;
	s3 =	sshrl.u32 @!p1 s3, $0x1  }
0x4c: {  	s23 =	sshrl.u32 @!p1 s23, $0x2;
	_ =	swait.ge @!p1 [sflag:s5], s2;
	s3 =	smul.u32 @!p1 $0x3, s3  }
0x4d: {  	s23 =	sadd.s32 @!p1 $0x10518, s23;
	s24 =	ssub.s32 @!p1 $0x0, s2;
	[sflag:s5] =	ssyncset.done @!p1 $0x0  }
0x4e: {  	[sflag:s5] =	ssyncadd.s32 @!p1 s24;
	s5 =	sshrl.u32 @!p1 s20, $0x3;
	s0 =	ssub.s32 @!p1 s0, s3  }
0x4f: {  	s24 =	sand.u32 @!p1 $0x7, s20;
	s5 =	sadd.s32 @!p1 s5, s15;
	s0 =	smul.u32 @!p1 $0x3C0, s0  }
0x50: {  	[tilespmem:s23], [sflag:$0xB] =	stream.linear.gather @!p1 [hbm4b:s5+s24], s2, $0x38;
	[tilespmem:$0x1F6F8] =	vst v63  }
0x51: {  	s3 =	ssub.s32 @!p1 $0x13880, s20;
	s2 =	smul.u32 @!p1 $0x1E000, s4  }
0x52: {  	p2 =	slt.s32 @!p1 s3, $0xF0  }
0x53: {  	p2 =	por !p2, p1;
	s0 =	sshrl.u32 @!p1 s0, $0x2;
	s2 =	sshrl.u32 @!p1 s2, $0x2  }
0x54: {  	s3 =	simm.s32 @p2 $0xF0;
	s0 =	sadd.s32 @!p1 $0x10248, s0;
	s2 =	sor.u32 @!p1 $0x106F8, s2  }
0x55: {  	[tilespmem:s2], [sflag:$0x9] =	stream.indirect.gather @!p1 [hbm4b:s9+s3], $0x80, s0, s3, $0xb8;
	[tilespmem:$0x1F6F8] =	vst v63  }
0x56: {  	p1 =	slt.u32 s21, $0x2  }
.Ltmp3:
0x57: {  	_ = 	snop;
	(pc) =	sbr.rel @p1 .LBB2_21-.Ltmp3, $1  }
0x58: {  	_ =	sdelay $0x3  }
0x59: {  	p1 =	sgt.s32 s22, $0x13790  }
0x5a: {  	s0 =	smov.u32 s22;
	s2 =	sshra.s32 s22, $0x1F;
	s3 =	ssub.s32 $0x13880, s22  }
0x5b: {  	s0 =	simm.s32 @!p1 $0x13790;
	s2 =	sand.u32 s2, s22;
	p1 =	slt.s32 s3, $0xF0  }
0x5c: {  	s0 =	ssub.s32 s0, s2;
	s3 =	simm.s32 @!p1 $0xF0  }
0x5d: {  	s0 =	sadd.s32 $0xFFFEC870, s0;
	s25 =	sshll.u32 s3, $0x7  }
0x5e: {  	s26 =	sshll.u32 s0, $0x2;
	s2 =	sand.u32 $0x3FFFFF80, s25  }
0x5f: {  	p1 =	sgt.s32 s0, $0xEF;
	s29 =	ssub.s32 $0x3C0, s26;
	_ =	swait.ge [sflag:s10], s2  }
0x60: {  	s2 =	ssub.s32 $0x0, s2;
	[sflag:s10] =	ssyncset.done $0x0;
	s0 =	sshrl.u32 s29, $0x2  }
0x61: {  	[sflag:s10] =	ssyncadd.s32 s2;
	s0 =	simm.s32 @p1 $0x0  }
0x62: {  	_ =	swait.ge [sflag:s11], s0  }
0x63: {  	s0 =	ssub.s32 $0x0, s0;
	[sflag:s11] =	ssyncset.done $0x0  }
0x64: {  	[sflag:s11] =	ssyncadd.s32 s0  }
0x65: {  	v1 =	vld [tilespmem:$0xF208];
	_ =	sdelay $0x4  }
0x66: {  	(v2sf) =	vpush v1, $0x0  }
0x67: {  	(v2sf) =	vpush v1, $0x1  }
0x68: {  	(v2sf) =	vpush v1, $0x2;
	_ =	sdelay $0x3  }
0x69: {  	s0 =	sadd.s32 $0xF0, s22  }
0x6a: {  	s2 =	ssub.s32 $0x27100, s22;
	p1 =	slt.s32 s8, s0  }
0x6b: {  	s0 =	smov.u32 @p1 s8;
	p1 =	sgt.s32 s2, $0x0  }
0x6c: {  	s26 =	ssub.s32 s0, s22;
	s2 =	simm.s32 @!p1 $0x0  }
0x6d: {  	p1 =	slt.s32 s2, s26  }
0x6e: {  	s26 =	smov.u32 @p1 s2  }
0x6f: {  	s25 =	simm.s32 $0x1;
	p1 =	slt.s32 s26, $0x1  }
.Ltmp4:
0x70: {  	s25 =	simm.s32 @!p0 $0x0;
	(pc) =	sbr.rel @p1 .LBB2_8-.Ltmp4, $4  }
0x71: {  	s31 =	smul.u32 $0x3C0, s25  }
0x72: {  	s28 =	spop (v2sf)  }
0x73: {  	s0 =	sshrl.u32 s31, $0x2;
	s30 =	spop (v2sf)  }
0x74: {  	s23 =	sadd.s32 $0x10518, s0;
	s22 =	spop (v2sf)  }
0x75: {  	s0 =	smin.u32 s26, $0x10  }
0x76: {  	v1 =	vmov s0  }
0x77: {  	p2 =	sgt.s32 s26, $0x10;
	vm1 =	vgt.u32 v1, v0  }
.Ltmp5:
0x78: {  	_ = 	snop;
	(pc) =	sbr.rel @!p2 .LBB2_7-.Ltmp5, $2  }
0x79: {  	_ =	sdelay $0x2  }
0x7a: {  	s4 =	simm.s32 $0x10;
	s24 =	sadd.s32 $0xFFFFFFF0, s26;
	s0 =	smov.u32 s23;
	vm0 =	vmmov vm1  }
.LBB2_6:
0x7b: {  	s2 =	smin.u32 s24, $0x10;
	s4 =	sadd.s32 $0x10, s4;
	v1 =	vld.msk [tilespmem:s0+$0x0 ss:$0x1], vm1  }
0x7c: {  	v2 =	vmov s2;
	p2 =	slt.s32 s4, s26  }
0x7d: {  	vm1 =	vgt.u32 v2, v0  }
.Ltmp6:
0x7e: {  	(pc) =	sbr.rel @p2 .LBB2_6-.Ltmp6, $3  }
0x7f: {  	_ =	sdelay $0x1  }
0x80: {  	v1 =	vshll.u32 v1, $0x4  }
0x81: {  	s24 =	sadd.s32 $0xFFFFFFF0, s24;
	[tilespmem:s0+$0x0] =	vst.msk vm0, v1;
	s0 =	sadd.s32 $0x10, s0;
	vm0 =	vmmov vm1  }
.LBB2_7:
0x82: {  	_ =	sdelay $0x4  }
0x83: {  	v1 =	vld.msk [tilespmem:s0+$0x0 ss:$0x1], vm1;
	_ =	sdelay $0x4  }
0x84: {  	v1 =	vshll.u32 v1, $0x4  }
0x85: {  	[tilespmem:s0+$0x0] =	vst.msk vm0, v1  }
.LBB2_8:
0x86: {  	s0 =	sand.u32 $0x1, s21  }
0x87: {  	s0 =	smul.u32 $0xF0, s0  }
0x88: {  	p2 =	sne.s32 s30, $0xFFFFFFFF  }
0x89: {  	v1 =	vld.msk @!p2 [tilespmem:s0+$0x10518], $0x1;
	_ =	sdelay $0x4  }
0x8a: {  	(v2sf) =	vpush @!p2 v1, $0x0;
	_ =	sdelay $0xc  }
.Ltmp7:
0x8b: {  	_ = 	snop;
	(pc) =	sbr.rel @p1 .LBB2_19-.Ltmp7, $4  }
0x8c: {  	_ = 	snop  }
0x8d: {  	s29 =	spop @!p2 (v2sf)  }
0x8e: {  	s22 =	simm.s32 @!p2 $0x0;
	s24 =	smov.u32 s29  }
0x8f: {  	[sflag:s18] =	ssyncpa.u1 $0x0;
	s29 =	smov.u32 @p2 s28;
	s24 =	smov.u32 @p2 s30  }
0x90: {  	v1 =	vld.msk [tilespmem:s23+$0x0], $0x1;
	_ =	sdelay $0x4  }
0x91: {  	(v2sf) =	vpush v1, $0x0;
	_ =	sdelay $0xe  }
0x92: {  	s2 =	smul.u32 $0x1E000, s25;
	s0 =	spop (v2sf)  }
0x93: {  	s26 =	ssub.s32 $0x0, s26;
	p1 =	seq.s32 s29, s0  }
0x94: {  	s30 =	sadd.s32 $0x1, s26;
	s2 =	sshrl.u32 s2, $0x2;
	p2 =	sgt.s32 @!p1 s29, $0x0  }
0x95: {  	s25 =	sor.u32 $0x10738, s2;
	s2 =	smov.u32 s29;
	p2 =	por !p2, p1  }
0x96: {  	s2 =	simm.s32 @p2 $0x0;
	p2 =	seq.s32 s30, $0x0  }
.Ltmp8:
0x97: {  	_ = 	snop;
	(pc) =	sbr.rel @p2 .LBB2_11-.Ltmp8, $4  }
0x98: {  	_ = 	snop  }
0x99: {  	s28 =	simm.s32 $0x0;
	s31 =	sadd.s32 $0x1, s23;
	s2 =	smin.u32 @!p1 s2, $0x270F0  }
0x9a: {  	s4 =	simm.s32 @!p1 $0x1;
	s5 =	simm.s32 @!p1 $0x7988;
	s3 =	sand.u32 @!p1 $0x3FFF8, s2  }
0x9b: {  	s4 =	smov.u32 @p1 s28;
	s2 =	sand.u32 @!p1 $0x7, s2;
	s3 =	sadd.s32 @!p1 s1, s3  }
.LBB2_10:
0x9c: {  	s6 =	smov.u32 s4  }
0x9d: {  	[tilespmem:s5], [sflag:$0x2] =	stream.linear.gather @!p1 [hbm4b:s3+s2], $0x80, $0x38;
	[tilespmem:$0x1F6F8] =	vst v63  }
0x9e: {  	s30 =	sadd.s32 $0x1, s30;
	s2 =	smov.u32 s0;
	v1 =	vld.msk [tilespmem:s31+$0x0], $0x1  }
0x9f: {  	p2 =	seq.s32 s30, $0x0;
	_ =	sdelay $0x3  }
0xa0: {  	(v2sf) =	vpush v1, $0x0;
	_ =	sdelay $0xe  }
0xa1: {  	s0 =	spop (v2sf)  }
0xa2: {  	p1 =	seq.s32 s2, s0  }
0xa3: {  	p3 =	sgt.s32 @!p1 s2, $0x0;
	s3 =	sshll.u32 @!p1 s4, $0x9;
	s4 =	sadd.s32 @!p1 $0x1, s4  }
.Ltmp9:
0xa4: {  	p3 =	por !p3, p1;
	s3 =	sshra.s32 @!p1 s3, $0x2;
	(pc) =	sbr.rel @!p2 .LBB2_10-.Ltmp9, $4  }
0xa5: {  	s4 =	smov.u32 @p1 s6;
	s2 =	simm.s32 @p3 $0x0;
	s5 =	sadd.s32 @!p1 $0x7988, s3  }
0xa6: {  	s2 =	smin.u32 @!p1 s2, $0x270F0  }
0xa7: {  	s3 =	sand.u32 @!p1 $0x3FFF8, s2;
	s2 =	sand.u32 @!p1 $0x7, s2  }
0xa8: {  	s31 =	sadd.s32 $0x1, s31;
	s3 =	sadd.s32 @!p1 s1, s3  }
.LBB2_11:
0xa9: {  	[tilespmem:s5], [sflag:$0x2] =	stream.linear.gather @!p1 [hbm4b:s3+s2], $0x80, $0x38;
	[tilespmem:$0x1F6F8] =	vst v63  }
.Ltmp10:
0xaa: {  	s0 =	sshll.u32 s4, $0x7;
	(pc) =	sbr.rel .LBB2_12-.Ltmp10, $4  }
0xab: {  	s30 =	simm.s32 $0x2;
	s0 =	sand.u32 $0x3FFFFF80, s0  }
0xac: {  	_ =	swait.ge [sflag:s30], s0  }
0xad: {  	s0 =	ssub.s32 $0x0, s0;
	[sflag:s30] =	ssyncset.done $0x0  }
0xae: {  	s31 =	simm.s32 $0x0;
	[sflag:s30] =	ssyncadd.s32 s0  }
.LBB2_13:
0xaf: {  	v1 =	vld [tilespmem:s25+$0xFFFFFFC0];
	_ =	sdelay $0x3  }
0xb0: {  	s0 =	sshra.s32 s0, $0x2  }
0xb1: {  	[tilespmem:s0+$0x108] =	vst.add.f32.msk $0xffff, v1  }
0xb2: {  	v1 =	vld [tilespmem:s25+$0xFFFFFFD0];
	_ =	sdelay $0x4  }
0xb3: {  	[tilespmem:s0+$0x118] =	vst.add.f32.msk $0xffff, v1  }
0xb4: {  	v1 =	vld [tilespmem:s25+$0xFFFFFFE0];
	_ =	sdelay $0x4  }
0xb5: {  	[tilespmem:s0+$0x128] =	vst.add.f32.msk $0xffff, v1  }
0xb6: {  	v1 =	vld [tilespmem:s25+$0xFFFFFFF0];
	_ =	sdelay $0x4  }
0xb7: {  	[tilespmem:s0+$0x138] =	vst.add.f32.msk $0xffff, v1  }
0xb8: {  	v1 =	vld [tilespmem:s25+$0x0];
	_ =	sdelay $0x4  }
0xb9: {  	[tilespmem:s0+$0x148] =	vst.add.f32.msk $0xffff, v1  }
0xba: {  	v1 =	vld [tilespmem:s25+$0x10];
	_ =	sdelay $0x4  }
0xbb: {  	[tilespmem:s0+$0x158] =	vst.add.f32.msk $0xffff, v1  }
0xbc: {  	v1 =	vld [tilespmem:s25+$0x20];
	_ =	sdelay $0x4  }
0xbd: {  	[tilespmem:s0+$0x168] =	vst.add.f32.msk $0xffff, v1  }
0xbe: {  	v1 =	vld [tilespmem:s25+$0x30];
	_ =	sdelay $0x4  }
0xbf: {  	[tilespmem:s0+$0x178] =	vst.add.f32.msk $0xffff, v1  }
.LBB2_17:
0xc0: {  	s26 =	sadd.s32 $0x1, s26  }
0xc1: {  	p1 =	seq.s32 s26, $0x0  }
.Ltmp11:
0xc2: {  	_ = 	snop;
	(pc) =	sbr.rel @p1 .LBB2_18-.Ltmp11, $2  }
0xc3: {  	_ =	sdelay $0x2  }
0xc4: {  	s23 =	sadd.s32 $0x1, s23;
	s25 =	sadd.s32 $0x80, s25;
	s29 =	smov.u32 s30  }
.LBB2_12:
0xc5: {  	v1 =	vld.msk [tilespmem:s23+$0x0], $0x1;
	_ =	sdelay $0x4  }
0xc6: {  	(v2sf) =	vpush v1, $0x0;
	_ =	sdelay $0xe  }
0xc7: {  	s30 =	spop (v2sf)  }
0xc8: {  	p1 =	sne.s32 s29, s30  }
.Ltmp12:
0xc9: {  	_ = 	snop;
	(pc) =	sbr.rel @!p1 .LBB2_13-.Ltmp12, $2  }
0xca: {  	_ =	sdelay $0x2  }
0xcb: {  	s0 =	sshll.u32 s22, $0x9  }
0xcc: {  	p1 =	seq.s32 s29, s24  }
.Ltmp13:
0xcd: {  	_ = 	snop;
	(pc) =	sbr.rel @!p1 .LBB2_15-.Ltmp13, $1  }
0xce: {  	_ =	sdelay $0x3  }
0xcf: {  	s0 =	sshra.s32 s0, $0x2  }
.Ltmp14:
0xd0: {  	s0 =	sadd.s32 $0x108, s0;
	(pc) =	sbr.rel .LBB2_16-.Ltmp14, $4  }
0xd1: {  	[spmem:s16] =	stream.linear.scatter [tilespmem:s0], [sflag:$0x1], $0x80, $0x38;
	[tilespmem:$0x1F6F8] =	vst v63  }
0xd2: {  	_ =	swait.ge [sflag:s12], $0x80  }
0xd3: {  	[sflag:s12] =	ssyncset.done $0x0  }
0xd4: {  	[sflag:s12] =	ssyncadd.s32 $0xFFFFFF80  }
.LBB2_15:
0xd5: {  	s2 =	sshll.u32 s28, $0x9  }
0xd6: {  	s2 =	sshra.s32 s2, $0x2  }
0xd7: {  	v1 =	vld [tilespmem:s2+$0x7988];
	_ =	sdelay $0x3  }
0xd8: {  	s0 =	sshra.s32 s0, $0x2  }
0xd9: {  	[tilespmem:s0+$0x108] =	vst.add.f32.msk $0xffff, v1  }
0xda: {  	v1 =	vld [tilespmem:s2+$0x7998];
	_ =	sdelay $0x4  }
0xdb: {  	[tilespmem:s0+$0x118] =	vst.add.f32.msk $0xffff, v1  }
0xdc: {  	v1 =	vld [tilespmem:s2+$0x79A8];
	_ =	sdelay $0x4  }
0xdd: {  	[tilespmem:s0+$0x128] =	vst.add.f32.msk $0xffff, v1  }
0xde: {  	v1 =	vld [tilespmem:s2+$0x79B8];
	_ =	sdelay $0x4  }
0xdf: {  	[tilespmem:s0+$0x138] =	vst.add.f32.msk $0xffff, v1  }
0xe0: {  	v1 =	vld [tilespmem:s2+$0x79C8];
	_ =	sdelay $0x4  }
0xe1: {  	[tilespmem:s0+$0x148] =	vst.add.f32.msk $0xffff, v1  }
0xe2: {  	v1 =	vld [tilespmem:s2+$0x79D8];
	_ =	sdelay $0x4  }
0xe3: {  	[tilespmem:s0+$0x158] =	vst.add.f32.msk $0xffff, v1  }
0xe4: {  	v1 =	vld [tilespmem:s2+$0x79E8];
	_ =	sdelay $0x4  }
0xe5: {  	[tilespmem:s0+$0x168] =	vst.add.f32.msk $0xffff, v1  }
0xe6: {  	v1 =	vld [tilespmem:s2+$0x79F8];
	_ =	sdelay $0x2  }
0xe7: {  	p1 =	sgt.u32 s29, $0x270F0  }
0xe8: {  	s2 =	sand.u32 @!p1 $0x3FFF8, s29  }
0xe9: {  	s3 =	sadd.s32 $0x108, s0;
	[tilespmem:s0+$0x178] =	vst.add.f32.msk $0xffff, v1;
	s0 =	sadd.s32 @!p1 s1, s2;
	s2 =	sand.u32 @!p1 $0x7, s29  }
0xea: {  	[hbm4b:s0+s2] =	stream.linear.scatter @!p1 [tilespmem:s3], [sflag:$0xC], $0x80, $0x38;
	[tilespmem:$0x1F6F8] =	vst v63  }
0xeb: {  	s0 =	simm.s32 $0x0  }
0xec: {  	s0 =	simm.s32 @!p1 $0x200  }
0xed: {  	s31 =	sadd.s32 s0, s31  }
.LBB2_16:
0xee: {  	s0 =	sadd.s32 $0x1, s22  }
0xef: {  	s2 =	smulhi.u32 $0x88888889, s0;
	_ =	sdelay $0x1  }
0xf0: {  	v1 =	vld [tilespmem:s25+$0xFFFFFFC0];
	s2 =	sshrl.u32 s2, $0x7  }
0xf1: {  	s2 =	smul.u32 $0xF0, s2;
	_ =	sdelay $0x1  }
0xf2: {  	s22 =	ssub.s32 s0, s2  }
0xf3: {  	s0 =	sshll.u32 s22, $0x7  }
0xf4: {  	[tilespmem:s0+$0x108] =	vst v1  }
0xf5: {  	v1 =	vld [tilespmem:s25+$0xFFFFFFD0];
	_ =	sdelay $0x4  }
0xf6: {  	[tilespmem:s0+$0x118] =	vst v1  }
0xf7: {  	v1 =	vld [tilespmem:s25+$0xFFFFFFE0];
	_ =	sdelay $0x4  }
0xf8: {  	[tilespmem:s0+$0x128] =	vst v1  }
0xf9: {  	v1 =	vld [tilespmem:s25+$0xFFFFFFF0];
	_ =	sdelay $0x4  }
0xfa: {  	[tilespmem:s0+$0x138] =	vst v1  }
0xfb: {  	v1 =	vld [tilespmem:s25+$0x0];
	_ =	sdelay $0x4  }
0xfc: {  	[tilespmem:s0+$0x148] =	vst v1  }
0xfd: {  	v1 =	vld [tilespmem:s25+$0x10];
	_ =	sdelay $0x4  }
0xfe: {  	[tilespmem:s0+$0x158] =	vst v1  }
0xff: {  	v1 =	vld [tilespmem:s25+$0x20];
	_ =	sdelay $0x4  }
0x100: {  	[tilespmem:s0+$0x168] =	vst v1  }
0x101: {  	v1 =	vld [tilespmem:s25+$0x30]  }
.Ltmp15:
0x102: {  	_ = 	snop;
	(pc) =	sbr.rel .LBB2_17-.Ltmp15, $2  }
0x103: {  	_ =	sdelay $0x2  }
0x104: {  	s28 =	sadd.s32 $0x1, s28;
	[tilespmem:s0+$0x178] =	vst v1  }
.LBB2_19:
.Ltmp16:
0x105: {  	(pc) =	sbr.rel .LBB2_20-.Ltmp16, $4  }
0x106: {  	_ = 	snop  }
0x107: {  	s0 =	simm.s32 $0x2  }
0x108: {  	_ =	swait.ge [sflag:s0], $0x0  }
0x109: {  	s30 =	smov.u32 s29;
	[sflag:s0] =	ssyncset.done $0x0;
	s0 =	simm.s32 $0x0  }
.LBB2_22:
0x10a: {  	_ =	sfence.sel $0x180000  }
0x10b: {  	s0 =	simm.s32 $0x9;
	[bflag:$0x0] =	sbarrier.arrive $0xFFFF  }
0x10c: {  	s24 =	simm.s32 $0xA;
	[sflag:s0] =	ssyncpa.u1 $0x1  }
0x10d: {  	s25 =	simm.s32 $0xB;
	[sflag:s24] =	ssyncpa.u1 $0x1  }
0x10e: {  	s26 =	simm.s32 $0x2;
	[sflag:s25] =	ssyncpa.u1 $0x1  }
0x10f: {  	[sflag:s26] =	ssyncpa.u1 $0x1  }
0x110: {  	v0 =	vld [tilespmem:$0xF208];
	_ =	sdelay $0x4  }
0x111: {  	(v2sf) =	vpush v0, $0x0  }
0x112: {  	(v2sf) =	vpush v0, $0x1;
	_ =	sdelay $0x1  }
0x113: {  	(v2sf) =	vpush v0, $0x2;
	_ =	sdelay $0xb  }
0x114: {  	s0 =	spop (v2sf)  }
0x115: {  	s2 =	spop (v2sf)  }
0x116: {  	s3 =	smov.u32 s0;
	p0 =	sne.s32 s0, s2  }
0x117: {  	s4 =	spop (v2sf);
	s3 =	simm.s32 @!p0 $0xFFFFFFFF  }
0x118: {  	v2 =	vimm.s32 $0x1;
	v3 =	vlaneseq.u32;
	p0 =	seq.s32 s4, $0xFFFFFFFF;
	v1 =	vmov s3  }
0x119: {  	s16 =	stileid.u32;
	v0 =	vperm.xlane v0, v2;
	p1 =	sne.s32 @!p0 s0, s2;
	v1 =	vperm.xlane v1, v3  }
0x11a: {  	vm0 =	vcmask $0x3F04;
	s6 =	simm.s32 $0xF208;
	s0 =	simm.s32 @!p0 $0x1;
	p1 =	por !p1, p0  }
0x11b: {  	s3 =	sshll.u32 s16, $0x1;
	s2 =	sshll.u32 @!p0 s4, $0x9;
	s0 =	simm.s32 @p1 $0x0;
	v0 =	vsel vm0, v1, v0  }
0x11c: {  	s5 =	sor.u32 $0x1000, s3;
	s2 =	sshra.s32 @!p0 s2, $0x2;
	s0 =	sor.u32 @!p0 s0, s3;
	[tilespmem:$0xF208] =	vst v0  }
0x11d: {  	[spmem:s5] =	stream.linear.scatter [tilespmem:s6], [sflag:$0x1], $0x2, $0x38;
	[tilespmem:$0x1F6F8] =	vst v63  }
0x11e: {  	s2 =	sadd.s32 @!p0 $0x108, s2;
	s0 =	sshll.u32 @!p0 s0, $0x7  }
0x11f: {  	[spmem:s0] =	stream.linear.scatter @!p0 [tilespmem:s2], [sflag:$0x1], $0x80, $0x38;
	[tilespmem:$0x1F6F8] =	vst v63  }
0x120: {  	s0 =	simm.s32 @!p0 $0x82  }
0x121: {  	s28 =	simm.s32 $0x1;
	s0 =	simm.s32 @p0 $0x2  }
0x122: {  	_ =	swait.ge [sflag:s28], s0  }
0x123: {  	s0 =	ssub.s32 $0x0, s0;
	[sflag:s28] =	ssyncset.done $0x0  }
0x124: {  	p0 =	sne.s32 s16, $0x0;
	[sflag:s28] =	ssyncadd.s32 s0  }
.Ltmp17:
0x125: {  	_ =	sfence.stream.spmem;
	(pc) =	sbr.rel @p0 .LBB2_39-.Ltmp17, $4  }
0x126: {  	s29 =	simm.s32 $0x3;
	[bflag:$0x0] =	sbarrier.arrive $0xFFFF  }
0x127: {  	s30 =	simm.s32 $0x4;
	[sflag:s29] =	ssyncpa.u1 $0x1  }
0x128: {  	s31 =	simm.s32 $0x3C;
	[sflag:s30] =	ssyncpa.u1 $0x1  }
0x129: {  	s15 =	rddreg [dreg:$0x5];
	[sflag:s31] =	ssyncpa.u1 $0x1  }
0x12a: {  	_ =	sfence.stream.spmem;
	s0 =	simm.s32 $0x5  }
0x12b: {  	s2 =	simm.s32 $0x1000;
	s3 =	simm.s32 $0xF218;
	[sflag:s0] =	ssyncpa.u1 $0x0  }
0x12c: {  	[tilespmem:s3], [sflag:$0x5] =	stream.linear.gather [spmem:s2], $0x20, $0x38;
	[tilespmem:$0x1F6F8] =	vst v63  }
0x12d: {  	s26 =	simm.s32 $0x0;
	s28 =	simm.s32 $0xF238  }
0x12e: {  	[tilespmem:s28], [sflag:$0x5] =	stream.linear.gather [spmem:s26], $0x1000, $0x38;
	[tilespmem:$0x1F6F8] =	vst v63  }
0x12f: {  	_ =	swait.ge [sflag:s0], $0x1020  }
0x130: {  	[sflag:s0] =	ssyncset.done $0x0  }
0x131: {  	s29 =	simm.s32 $0x0;
	[sflag:s0] =	ssyncadd.s32 $0xFFFFEFE0  }
0x132: {  	v0 =	vld.msk [tilespmem:s29+$0xF218], $0x1;
	_ =	sdelay $0x1  }
0x133: {  	s30 =	simm.s32 $0x1  }
0x134: {  	v1 =	vld.msk [tilespmem:s30+$0xF218], $0x1;
	_ =	sdelay $0x1  }
0x135: {  	(v2sf) =	vpush v0, $0x0;
	_ =	sdelay $0x2  }
0x136: {  	(v2sf) =	vpush v1, $0x0;
	_ =	sdelay $0x2  }
0x137: {  	s31 =	simm.s32 $0x2  }
0x138: {  	v0 =	vld.msk [tilespmem:s31+$0xF218], $0x1;
	_ =	sdelay $0x2  }
0x139: {  	s4 =	simm.s32 $0xFFFFFFFF;
	s5 =	simm.s32 $0xFFFFFFFF;
	s0 =	simm.s32 $0xC  }
.LBB2_24:
0x13a: {  	s2 =	smov.u32 s5;
	s3 =	smov.u32 s4  }
0x13b: {  	s4 =	sshra.s32 s0, $0x2;
	p1 =	sne.s32 s0, $0x7C;
	s0 =	sadd.s32 $0x4, s0;
	(v2sf) =	vpush v0, $0x0  }
0x13c: {  	v0 =	vld.msk [tilespmem:s4+$0xF218], $0x1  }
.Ltmp18:
0x13d: {  	(pc) =	sbr.rel @p1 .LBB2_24-.Ltmp18, $4  }
0x13e: {  	s5 =	spop (v2sf)  }
0x13f: {  	p2 =	sne.s32 s3, $0xFFFFFFFF;
	s4 =	smov.u32 s5  }
0x140: {  	p3 =	seq.s32 s5, $0xFFFFFFFF;
	s4 =	smov.u32 @p2 s3  }
0x141: {  	s5 =	smov.u32 @p3 s2;
	s4 =	smov.u32 @p3 s3  }
0x142: {  	(v2sf) =	vpush v0, $0x0;
	_ =	sdelay $0x8  }
0x143: {  	s0 =	spop (v2sf)  }
0x144: {  	p1 =	sne.s32 s4, $0xFFFFFFFF;
	s2 =	smov.u32 s0  }
0x145: {  	s9 =	simm.s32 $0x6;
	p2 =	seq.s32 s0, $0xFFFFFFFF;
	s2 =	smov.u32 @p1 s4  }
0x146: {  	s6 =	simm.s32 $0x0;
	s2 =	smov.u32 @p2 s4;
	s3 =	spop (v2sf)  }
0x147: {  	s0 =	smov.u32 @p2 s5;
	p1 =	sne.s32 s2, $0xFFFFFFFF;
	s4 =	smov.u32 s3  }
.Ltmp19:
0x148: {  	p2 =	seq.s32 s3, $0xFFFFFFFF;
	s4 =	smov.u32 @p1 s2;
	(pc) =	sbr.rel .LBB2_26-.Ltmp19, $4  }
0x149: {  	s10 =	simm.s32 $0xF188;
	s4 =	smov.u32 @p2 s2;
	s7 =	spop (v2sf)  }
0x14a: {  	s11 =	simm.s32 $0x0;
	p1 =	sne.s32 s4, $0xFFFFFFFF;
	s8 =	smov.u32 s7  }
0x14b: {  	s3 =	smov.u32 @p2 s0;
	p2 =	seq.s32 s7, $0xFFFFFFFF;
	s8 =	smov.u32 @p1 s4  }
0x14c: {  	[sflag:s9] =	ssyncpa.u1 $0x0;
	s7 =	smov.u32 @p2 s3;
	s8 =	smov.u32 @p2 s4  }
.LBB2_32:
0x14d: {  	p1 =	sgt.u32 s12, $0x270F0  }
0x14e: {  	p2 =	seq.s32 @!p1 s12, s8  }
0x14f: {  	p1 =	por p1, p2  }
0x150: {  	p2 =	sne.s32 @!p1 s12, s7  }
0x151: {  	p1 =	por p1, !p2  }
0x152: {  	s0 =	sshll.u32 @p1 s11, $0x9  }
0x153: {  	s0 =	sand.u32 @!p1 $0x3FFF8, s12  }
0x154: {  	s2 =	sand.u32 @!p1 $0x7, s12;
	s0 =	sadd.s32 @!p1 s1, s0  }
0x155: {  	[tilespmem:s10], [sflag:$0x6] =	stream.linear.gather @!p1 [hbm4b:s0+s2], $0x80, $0x38;
	[tilespmem:$0x1F6F8] =	vst v63  }
0x156: {  	_ =	swait.ge @!p1 [sflag:s9], $0x80  }
0x157: {  	[sflag:s9] =	ssyncset.done @!p1 $0x0  }
0x158: {  	[sflag:s9] =	ssyncadd.s32 @!p1 $0xFFFFFF80  }
0x159: {  	v1 =	vld @!p1 [tilespmem:$0xF188];
	_ =	sdelay $0x2  }
0x15a: {  	s0 =	sshll.u32 @!p1 s11, $0x9  }
0x15b: {  	s2 =	sshrl.u32 @!p1 s0, $0x2  }
0x15c: {  	[tilespmem:s2+$0xF238] =	vst.add.f32.msk @!p1 $0xffff, v1  }
0x15d: {  	v1 =	vld @!p1 [tilespmem:$0xF198];
	_ =	sdelay $0x4  }
0x15e: {  	[tilespmem:s2+$0xF248] =	vst.add.f32.msk @!p1 $0xffff, v1  }
0x15f: {  	v1 =	vld @!p1 [tilespmem:$0xF1A8];
	_ =	sdelay $0x4  }
0x160: {  	[tilespmem:s2+$0xF258] =	vst.add.f32.msk @!p1 $0xffff, v1  }
0x161: {  	v1 =	vld @!p1 [tilespmem:$0xF1B8];
	_ =	sdelay $0x4  }
0x162: {  	[tilespmem:s2+$0xF268] =	vst.add.f32.msk @!p1 $0xffff, v1  }
0x163: {  	v1 =	vld @!p1 [tilespmem:$0xF1C8];
	_ =	sdelay $0x4  }
0x164: {  	[tilespmem:s2+$0xF278] =	vst.add.f32.msk @!p1 $0xffff, v1  }
0x165: {  	v1 =	vld @!p1 [tilespmem:$0xF1D8];
	_ =	sdelay $0x4  }
0x166: {  	[tilespmem:s2+$0xF288] =	vst.add.f32.msk @!p1 $0xffff, v1  }
0x167: {  	v1 =	vld @!p1 [tilespmem:$0xF1E8];
	_ =	sdelay $0x4  }
0x168: {  	[tilespmem:s2+$0xF298] =	vst.add.f32.msk @!p1 $0xffff, v1  }
0x169: {  	v1 =	vld @!p1 [tilespmem:$0xF1F8];
	_ =	sdelay $0x4  }
0x16a: {  	[tilespmem:s2+$0xF2A8] =	vst.add.f32.msk @!p1 $0xffff, v1  }
0x16b: {  	s0 =	sshrl.u32 s0, $0x2;
	[tilespmem:s6+$0xF218] =	vst.msk $0x1, v0  }
0x16c: {  	v0 =	vld [tilespmem:s0+$0xF238];
	_ =	sdelay $0x2  }
0x16d: {  	s31 =	sshll.u32 s6, $0x9  }
0x16e: {  	s2 =	sshra.s32 s31, $0x2  }
0x16f: {  	[tilespmem:s2+$0xF238] =	vst v0  }
0x170: {  	v0 =	vld [tilespmem:s0+$0xF248];
	_ =	sdelay $0x4  }
0x171: {  	[tilespmem:s2+$0xF248] =	vst v0  }
0x172: {  	v0 =	vld [tilespmem:s0+$0xF258];
	_ =	sdelay $0x4  }
0x173: {  	[tilespmem:s2+$0xF258] =	vst v0  }
0x174: {  	v0 =	vld [tilespmem:s0+$0xF268];
	_ =	sdelay $0x4  }
0x175: {  	[tilespmem:s2+$0xF268] =	vst v0  }
0x176: {  	v0 =	vld [tilespmem:s0+$0xF278];
	_ =	sdelay $0x4  }
0x177: {  	[tilespmem:s2+$0xF278] =	vst v0  }
0x178: {  	v0 =	vld [tilespmem:s0+$0xF288];
	_ =	sdelay $0x4  }
0x179: {  	[tilespmem:s2+$0xF288] =	vst v0  }
0x17a: {  	v0 =	vld [tilespmem:s0+$0xF298];
	_ =	sdelay $0x4  }
0x17b: {  	[tilespmem:s2+$0xF298] =	vst v0  }
0x17c: {  	v0 =	vld [tilespmem:s0+$0xF2A8];
	_ =	sdelay $0x4  }
0x17d: {  	s6 =	sadd.s32 $0x1, s6;
	[tilespmem:s2+$0xF2A8] =	vst v0  }
.LBB2_33:
0x17e: {  	s11 =	sadd.s32 $0x1, s11  }
0x17f: {  	p1 =	sne.s32 s11, $0x20  }
.Ltmp20:
0x180: {  	_ = 	snop;
	(pc) =	sbr.rel @!p1 .LBB2_34-.Ltmp20, $1  }
0x181: {  	_ =	sdelay $0x3  }
.LBB2_26:
0x182: {  	v0 =	vld.msk [tilespmem:s11+$0xF218], $0x1;
	_ =	sdelay $0x4  }
0x183: {  	(v2sf) =	vpush v0, $0x0;
	_ =	sdelay $0xe  }
0x184: {  	s12 =	spop (v2sf)  }
0x185: {  	p1 =	seq.s32 s12, $0xFFFFFFFF  }
.Ltmp21:
0x186: {  	_ = 	snop;
	(pc) =	sbr.rel @p1 .LBB2_33-.Ltmp21, $1  }
0x187: {  	_ =	sdelay $0x3  }
0x188: {  	p1 =	slt.s32 s6, $0x1  }
.Ltmp22:
0x189: {  	_ = 	snop;
	(pc) =	sbr.rel @p1 .LBB2_32-.Ltmp22, $1  }
0x18a: {  	_ =	sdelay $0x3  }
0x18b: {  	s13 =	simm.s32 $0xF218;
	p1 =	por $0x0, $0x0  }
0x18c: {  	v1 =	vld.msk @!p1 [tilespmem:s13+$0x0], $0x1;
	_ =	sdelay $0x4  }
0x18d: {  	(v2sf) =	vpush @!p1 v1, $0x0;
	_ =	sdelay $0xd  }
0x18e: {  	p3 =	sne.s32 s6, $0x1  }
.Ltmp23:
0x18f: {  	s0 =	spop @!p1 (v2sf);
	(pc) =	sbr.rel @!p3 .LBB2_30-.Ltmp23, $4  }
0x190: {  	p2 =	seq.s32 @!p1 s12, s0  }
0x191: {  	s14 =	simm.s32 $0x0;
	p2 =	por !p2, p1  }
0x192: {  	s2 =	simm.s32 $0xFFFFFFFF;
	s14 =	simm.s32 @p2 $0xFFFFFFFF  }
0x193: {  	s0 =	simm.s32 $0x1;
	s14 =	smov.u32 @p1 s2  }
.LBB2_29:
0x194: {  	s2 =	smov.u32 s14;
	p1 =	sne.s32 s14, $0xFFFFFFFF  }
0x195: {  	s13 =	sadd.s32 $0x1, s13;
	s14 =	smov.u32 s0;
	s0 =	sadd.s32 $0x1, s0  }
0x196: {  	p2 =	sne.s32 s6, s0;
	v1 =	vld.msk @!p1 [tilespmem:s13+$0x0], $0x1;
	_ =	sdelay $0x4  }
0x197: {  	(v2sf) =	vpush @!p1 v1, $0x0;
	_ =	sdelay $0xe  }
.Ltmp24:
0x198: {  	s3 =	spop @!p1 (v2sf);
	(pc) =	sbr.rel @p2 .LBB2_29-.Ltmp24, $4  }
0x199: {  	p3 =	seq.s32 @!p1 s12, s3  }
0x19a: {  	p3 =	por !p3, p1  }
0x19b: {  	s14 =	simm.s32 @p3 $0xFFFFFFFF  }
0x19c: {  	s14 =	smov.u32 @p1 s2  }
.LBB2_30:
0x19d: {  	p1 =	seq.s32 s14, $0xFFFFFFFF  }
.Ltmp25:
0x19e: {  	_ = 	snop;
	(pc) =	sbr.rel @p1 .LBB2_32-.Ltmp25, $1  }
0x19f: {  	_ =	sdelay $0x3  }
0x1a0: {  	s0 =	sshll.u32 s11, $0x7  }
0x1a1: {  	s0 =	sand.u32 $0x3FFFFF80, s0  }
0x1a2: {  	v0 =	vld [tilespmem:s0+$0xF238];
	_ =	sdelay $0x2  }
0x1a3: {  	s2 =	sshll.u32 s14, $0x9  }
0x1a4: {  	s2 =	sshra.s32 s2, $0x2  }
0x1a5: {  	[tilespmem:s2+$0xF238] =	vst.add.f32.msk $0xffff, v0  }
0x1a6: {  	v0 =	vld [tilespmem:s0+$0xF248];
	_ =	sdelay $0x4  }
0x1a7: {  	[tilespmem:s2+$0xF248] =	vst.add.f32.msk $0xffff, v0  }
0x1a8: {  	v0 =	vld [tilespmem:s0+$0xF258];
	_ =	sdelay $0x4  }
0x1a9: {  	[tilespmem:s2+$0xF258] =	vst.add.f32.msk $0xffff, v0  }
0x1aa: {  	v0 =	vld [tilespmem:s0+$0xF268];
	_ =	sdelay $0x4  }
0x1ab: {  	[tilespmem:s2+$0xF268] =	vst.add.f32.msk $0xffff, v0  }
0x1ac: {  	v0 =	vld [tilespmem:s0+$0xF278];
	_ =	sdelay $0x4  }
0x1ad: {  	[tilespmem:s2+$0xF278] =	vst.add.f32.msk $0xffff, v0  }
0x1ae: {  	v0 =	vld [tilespmem:s0+$0xF288];
	_ =	sdelay $0x4  }
0x1af: {  	[tilespmem:s2+$0xF288] =	vst.add.f32.msk $0xffff, v0  }
0x1b0: {  	v0 =	vld [tilespmem:s0+$0xF298];
	_ =	sdelay $0x4  }
0x1b1: {  	[tilespmem:s2+$0xF298] =	vst.add.f32.msk $0xffff, v0  }
0x1b2: {  	v0 =	vld [tilespmem:s0+$0xF2A8]  }
.Ltmp26:
0x1b3: {  	_ = 	snop;
	(pc) =	sbr.rel .LBB2_33-.Ltmp26, $2  }
0x1b4: {  	_ =	sdelay $0x2  }
0x1b5: {  	[tilespmem:s2+$0xF2A8] =	vst.add.f32.msk $0xffff, v0  }
.LBB2_34:
0x1b6: {  	s0 =	simm.s32 $0x6;
	p1 =	seq.s32 s6, $0x0  }
0x1b7: {  	[sflag:s0] =	ssyncpa.u1 $0x1;
	v0 =	vimm.s32 @p1 $0xFFFFFFFF  }
0x1b8: {  	s9 =	sadd.s32 $0xFFFFFFFF, s6;
	[tilespmem:$0x10238] =	vst @p1 v0  }
0x1b9: {  	v0 =	vld.msk @!p1 [tilespmem:s9+$0xF218], $0x1;
	_ =	sdelay $0x1  }
0x1ba: {  	v1 =	vld.msk @!p1 [tilespmem:$0xF218], $0x1;
	_ =	sdelay $0x2  }
0x1bb: {  	p2 =	seq.s32 @!p1 s9, $0x0;
	v0 =	vbroadcast @!p1 v0, $0x0  }
0x1bc: {  	vm0 =	vmmov @!p1 $0x1;
	p2 =	por !p2, p1  }
0x1bd: {  	v1 =	vnsel @!p1 vm0, $0xFFFFFFFF, v1;
	vm0 =	vcmask @!p1 $0x308;
	v0 =	vpsel !p2, $0xFFFFFFFF, v0  }
0x1be: {  	p2 =	sne.s32 @!p1 s8, s7;
	v0 =	vsel @!p1 vm0, v1, v0  }
0x1bf: {  	s0 =	simm.s32 @!p1 $0xF238;
	s2 =	simm.s32 @!p1 $0x0;
	p3 =	por !p2, p1;
	[tilespmem:$0x10238] =	vst @!p1 v0  }
0x1c0: {  	[spmem:s2] =	stream.linear.scatter @!p1 [tilespmem:s0], [sflag:$0x1], $0x80, $0x38;
	[tilespmem:$0x1F6F8] =	vst v63  }
0x1c1: {  	s0 =	sshll.u32 @!p3 s9, $0x9  }
0x1c2: {  	s0 =	sshra.s32 @!p3 s0, $0x2  }
0x1c3: {  	s2 =	simm.s32 @!p3 $0x80;
	s0 =	sadd.s32 @!p3 $0xF238, s0  }
0x1c4: {  	[spmem:s2] =	stream.linear.scatter @!p3 [tilespmem:s0], [sflag:$0x1], $0x80, $0x38;
	[tilespmem:$0x1F6F8] =	vst v63  }
0x1c5: {  	s0 =	simm.s32 @!p3 $0x1  }
0x1c6: {  	_ =	swait.ge @!p3 [sflag:s0], $0x100  }
0x1c7: {  	p1 =	por p2, p1;
	[sflag:s0] =	ssyncset.done @!p3 $0x0  }
0x1c8: {  	[sflag:s0] =	ssyncadd.s32 @!p3 $0xFFFFFF00;
	s0 =	simm.s32 @!p1 $0x1  }
0x1c9: {  	_ =	swait.ge @!p1 [sflag:s0], $0x80  }
0x1ca: {  	s29 =	simm.s32 $0x10238;
	[sflag:s0] =	ssyncset.done @!p1 $0x0  }
0x1cb: {  	s30 =	simm.s32 $0x1000;
	s31 =	simm.s32 $0x1;
	[sflag:s0] =	ssyncadd.s32 @!p1 $0xFFFFFF80  }
0x1cc: {  	[spmem:s30] =	stream.linear.scatter [tilespmem:s29], [sflag:$0x1], $0x10, $0x38;
	[tilespmem:$0x1F6F8] =	vst v63  }
0x1cd: {  	_ =	swait.ge [sflag:s31], $0x10  }
0x1ce: {  	[sflag:s31] =	ssyncset.done $0x0  }
0x1cf: {  	p1 =	seq.s32 s15, $0x0;
	s8 =	rddreg [dreg:$0x2];
	[sflag:s31] =	ssyncadd.s32 $0xFFFFFFF0  }
0x1d0: {  	s2 =	sshll.u32 @p1 s8, $0xE;
	s7 =	rddreg [dreg:$0x3]  }
0x1d1: {  	s0 =	sadd.s32 @p1 $0x15C3C, s2;
	s2 =	sshll.u32 @p1 s7, $0x11  }
0x1d2: {  	_ =	sfence.stream.spmem;
	s0 =	sor.u32 @p1 s2, s0  }
0x1d3: {  	[sflag:s0] =	ssyncadd.remote.s32 @p1 $0x1;
	s0 =	simm.s32 @p1 $0x4  }
0x1d4: {  	s3 =	simm.s32 @!p1 $0x3C;
	s2 =	sand.u32 $0xFFFFFFFE, s8;
	_ =	swait.ge @p1 [sflag:s0], $0x22  }
0x1d5: {  	s4 =	simm.s32 @!p1 $0x0;
	s2 =	sadd.s32 @!p1 $0x4, s2;
	[sflag:s0] =	ssyncset.done @p1 $0x0  }
0x1d6: {  	s5 =	simm.s32 @!p1 $0x100;
	[sflag:s0] =	ssyncadd.s32 @p1 $0xFFFFFFDE;
	s0 =	sshll.u32 @!p1 s2, $0x1A  }
0x1d7: {  	s2 =	sshll.u32 @!p1 s2, $0xD;
	s0 =	sor.u32 @!p1 s0, s7;
	_ =	swait.eq @!p1 [sflag:s3], $0x1  }
0x1d8: {  	s2 =	sor.u32 @!p1 $0x1C04, s2;
	s3 =	simm.s32 @!p1 $0x1C03;
	s0 =	sor.u32 @!p1 $0x80004000, s0  }
0x1d9: {  	[spmem:s5], [sflag:s2] =	dma.general @!p1 [spmem:s4], [sflag:s3], length:$0x20, [dreg:$0x0], stride_count:$0x0, ici_dest:s0, dma_misc:DstOpCode:WRITE  }
0x1da: {  	p2 =	slt.s32 s9, $0x2;
	s4 =	simm.s32 @!p1 $0x200;
	s5 =	simm.s32 @!p1 $0x202  }
0x1db: {  	[spmem:s5], [sflag:s2] =	dma.general @!p1 [spmem:s4], [sflag:s3], length:$0x2, [dreg:$0x0], stride_count:$0x0, ici_dest:s0, dma_misc:DstOpCode:WRITE  }
.Ltmp27:
0x1dc: {  	s0 =	simm.s32 @!p1 $0x3;
	(pc) =	sbr.rel @p2 .LBB2_38-.Ltmp27, $4  }
0x1dd: {  	s2 =	sshll.u32 @!p1 s8, $0xE;
	_ =	swait.ge @!p1 [sflag:s0], $0x22  }
0x1de: {  	s3 =	sshll.u32 @!p1 s7, $0x11;
	s2 =	sadd.s32 @!p1 $0x11C3C, s2;
	[sflag:s0] =	ssyncset.done @!p1 $0x0  }
0x1df: {  	[sflag:s0] =	ssyncadd.s32 @!p1 $0xFFFFFFDE;
	s0 =	sor.u32 @!p1 s3, s2  }
0x1e0: {  	[sflag:s0] =	ssyncadd.remote.s32 @!p1 $0xFFFFFFFF;
	s0 =	simm.s32 $0x0  }
0x1e1: {  	s0 =	simm.s32 $0xF219  }
0x1e2: {  	v0 =	vld.msk [tilespmem:s0+$0x0], $0x1;
	_ =	sdelay $0x4  }
0x1e3: {  	(v2sf) =	vpush v0, $0x0;
	_ =	sdelay $0xb  }
0x1e4: {  	s31 =	sadd.s32 $0xFFFFFFFE, s6  }
0x1e5: {  	s0 =	sadd.s32 $0xFFFFFFFF, s31  }
0x1e6: {  	p2 =	sne.s32 s0, $0x0  }
.Ltmp28:
0x1e7: {  	s2 =	spop (v2sf);
	(pc) =	sbr.rel @!p2 .LBB2_37-.Ltmp28, $4  }
0x1e8: {  	s4 =	simm.s32 $0xF2B8;
	s7 =	simm.s32 $0x0;
	p1 =	sgt.u32 s2, $0x270F0  }
0x1e9: {  	s5 =	simm.s32 $0x0;
	s6 =	simm.s32 $0xF21A;
	s3 =	sand.u32 @!p1 $0x3FFF8, s2  }
0x1ea: {  	s2 =	sand.u32 @!p1 $0x7, s2;
	s7 =	simm.s32 @!p1 $0x200;
	s3 =	sadd.s32 @!p1 s1, s3  }
0x1eb: {  	[hbm4b:s3+s2] =	stream.linear.scatter @!p1 [tilespmem:s4], [sflag:$0x5], $0x80, $0x38;
	[tilespmem:$0x1F6F8] =	vst v63  }
.LBB2_36:
0x1ec: {  	v0 =	vld.msk [tilespmem:s6+$0x0], $0x1;
	s0 =	sadd.s32 $0xFFFFFFFF, s0;
	s5 =	sadd.s32 s5, s7  }
0x1ed: {  	p1 =	sne.s32 s0, $0x0;
	_ =	sdelay $0x3  }
0x1ee: {  	(v2sf) =	vpush v0, $0x0;
	_ =	sdelay $0xe  }
.Ltmp29:
0x1ef: {  	s2 =	spop (v2sf);
	(pc) =	sbr.rel @p1 .LBB2_36-.Ltmp29, $4  }
0x1f0: {  	s7 =	simm.s32 $0x0;
	p2 =	sgt.u32 s2, $0x270F0  }
0x1f1: {  	s4 =	sadd.s32 $0x80, s4;
	s7 =	simm.s32 @!p2 $0x200;
	s3 =	sand.u32 @!p2 $0x3FFF8, s2  }
0x1f2: {  	s6 =	sadd.s32 $0x1, s6;
	s2 =	sand.u32 @!p2 $0x7, s2;
	s3 =	sadd.s32 @!p2 s1, s3  }
0x1f3: {  	[hbm4b:s3+s2] =	stream.linear.scatter @!p2 [tilespmem:s4], [sflag:$0x5], $0x80, $0x38;
	[tilespmem:$0x1F6F8] =	vst v63  }
.LBB2_37:
0x1f4: {  	s0 =	sadd.s32 s5, s7  }
0x1f5: {  	s0 =	sshrl.u32 s0, $0x2  }
.LBB2_38:
0x1f6: {  	s2 =	simm.s32 $0x5  }
0x1f7: {  	_ =	swait.ge [sflag:s2], s0  }
0x1f8: {  	s31 =	ssub.s32 $0x0, s0;
	[sflag:s2] =	ssyncset.done $0x0  }
0x1f9: {  	[sflag:s2] =	ssyncadd.s32 s31  }
0x1fa: {  	[sflag:s2] =	ssyncpa.u1 $0x1  }
.LBB2_39:
0x1fb: {  	s0 =	sor.u32 s15, s16  }
0x1fc: {  	p1 =	sne.s32 s0, $0x0  }
.Ltmp30:
0x1fd: {  	_ = 	snop;
	(pc) =	sbr.rel @p1 .LBB2_54-.Ltmp30, $3  }
0x1fe: {  	_ =	sdelay $0x1  }
0x1ff: {  	[bflag:$0x0] =	sbarrier.arrive $0xFFFF  }
0x200: {  	_ =	sfence  }
0x201: {  	s0 =	simm.s32 $0x7  }
0x202: {  	s2 =	simm.s32 $0x1000;
	s3 =	simm.s32 $0xF218;
	[sflag:s0] =	ssyncpa.u1 $0x0  }
0x203: {  	[tilespmem:s3], [sflag:$0x7] =	stream.linear.gather [spmem:s2], $0x20, $0x38;
	[tilespmem:$0x1F6F8] =	vst v63  }
0x204: {  	s30 =	simm.s32 $0xF238;
	s2 =	simm.s32 $0x0  }
0x205: {  	[tilespmem:s30], [sflag:$0x7] =	stream.linear.gather [spmem:s2], $0x1000, $0x38;
	[tilespmem:$0x1F6F8] =	vst v63  }
.Ltmp31:
0x206: {  	_ = 	snop;
	(pc) =	sbr.rel .LBB2_41-.Ltmp31, $4  }
0x207: {  	_ =	swait.ge [sflag:s0], $0x1020  }
0x208: {  	[sflag:s0] =	ssyncset.done $0x0  }
0x209: {  	s31 =	simm.s32 $0x8;
	[sflag:s0] =	ssyncadd.s32 $0xFFFFEFE0  }
0x20a: {  	s3 =	simm.s32 $0x0;
	[sflag:s31] =	ssyncpa.u1 $0x0  }
.LBB2_47:
0x20b: {  	p1 =	slt.u32 s4, $0x270F1  }
0x20c: {  	s0 =	sand.u32 @p1 $0x3FFF8, s4  }
0x20d: {  	s4 =	sand.u32 @p1 $0x7, s4;
	s5 =	simm.s32 @p1 $0xF188;
	s0 =	sadd.s32 @p1 s1, s0  }
0x20e: {  	[tilespmem:s5], [sflag:$0x8] =	stream.linear.gather @p1 [hbm4b:s0+s4], $0x80, $0x38;
	[tilespmem:$0x1F6F8] =	vst v63  }
0x20f: {  	s0 =	simm.s32 @p1 $0x8  }
0x210: {  	_ =	swait.ge @p1 [sflag:s0], $0x80  }
0x211: {  	[sflag:s0] =	ssyncset.done @p1 $0x0  }
0x212: {  	[sflag:s0] =	ssyncadd.s32 @p1 $0xFFFFFF80  }
0x213: {  	v1 =	vld @p1 [tilespmem:$0xF188];
	_ =	sdelay $0x2  }
0x214: {  	s0 =	sshll.u32 @p1 s3, $0x9  }
0x215: {  	s4 =	sshrl.u32 @p1 s0, $0x2  }
0x216: {  	[tilespmem:s4+$0xF238] =	vst.add.f32.msk @p1 $0xffff, v1  }
0x217: {  	v1 =	vld @p1 [tilespmem:$0xF198];
	_ =	sdelay $0x4  }
0x218: {  	[tilespmem:s4+$0xF248] =	vst.add.f32.msk @p1 $0xffff, v1  }
0x219: {  	v1 =	vld @p1 [tilespmem:$0xF1A8];
	_ =	sdelay $0x4  }
0x21a: {  	[tilespmem:s4+$0xF258] =	vst.add.f32.msk @p1 $0xffff, v1  }
0x21b: {  	v1 =	vld @p1 [tilespmem:$0xF1B8];
	_ =	sdelay $0x4  }
0x21c: {  	[tilespmem:s4+$0xF268] =	vst.add.f32.msk @p1 $0xffff, v1  }
0x21d: {  	v1 =	vld @p1 [tilespmem:$0xF1C8];
	_ =	sdelay $0x4  }
0x21e: {  	[tilespmem:s4+$0xF278] =	vst.add.f32.msk @p1 $0xffff, v1  }
0x21f: {  	v1 =	vld @p1 [tilespmem:$0xF1D8];
	_ =	sdelay $0x4  }
0x220: {  	[tilespmem:s4+$0xF288] =	vst.add.f32.msk @p1 $0xffff, v1  }
0x221: {  	v1 =	vld @p1 [tilespmem:$0xF1E8];
	_ =	sdelay $0x4  }
0x222: {  	[tilespmem:s4+$0xF298] =	vst.add.f32.msk @p1 $0xffff, v1  }
0x223: {  	v1 =	vld @p1 [tilespmem:$0xF1F8];
	_ =	sdelay $0x3  }
0x224: {  	s5 =	sshll.u32 @!p1 s3, $0x9  }
0x225: {  	s5 =	smov.u32 @p1 s0;
	[tilespmem:s4+$0xF2A8] =	vst.add.f32.msk @p1 $0xffff, v1  }
0x226: {  	s0 =	sshrl.u32 s5, $0x2;
	[tilespmem:s2+$0xF218] =	vst.msk $0x1, v0  }
0x227: {  	v0 =	vld [tilespmem:s0+$0xF238];
	_ =	sdelay $0x2  }
0x228: {  	s31 =	sshll.u32 s2, $0x9  }
0x229: {  	s4 =	sshra.s32 s31, $0x2  }
0x22a: {  	[tilespmem:s4+$0xF238] =	vst v0  }
0x22b: {  	v0 =	vld [tilespmem:s0+$0xF248];
	_ =	sdelay $0x4  }
0x22c: {  	[tilespmem:s4+$0xF248] =	vst v0  }
0x22d: {  	v0 =	vld [tilespmem:s0+$0xF258];
	_ =	sdelay $0x4  }
0x22e: {  	[tilespmem:s4+$0xF258] =	vst v0  }
0x22f: {  	v0 =	vld [tilespmem:s0+$0xF268];
	_ =	sdelay $0x4  }
0x230: {  	[tilespmem:s4+$0xF268] =	vst v0  }
0x231: {  	v0 =	vld [tilespmem:s0+$0xF278];
	_ =	sdelay $0x4  }
0x232: {  	[tilespmem:s4+$0xF278] =	vst v0  }
0x233: {  	v0 =	vld [tilespmem:s0+$0xF288];
	_ =	sdelay $0x4  }
0x234: {  	[tilespmem:s4+$0xF288] =	vst v0  }
0x235: {  	v0 =	vld [tilespmem:s0+$0xF298];
	_ =	sdelay $0x4  }
0x236: {  	[tilespmem:s4+$0xF298] =	vst v0  }
0x237: {  	v0 =	vld [tilespmem:s0+$0xF2A8];
	_ =	sdelay $0x4  }
0x238: {  	s2 =	sadd.s32 $0x1, s2;
	[tilespmem:s4+$0xF2A8] =	vst v0  }
.LBB2_48:
0x239: {  	s3 =	sadd.s32 $0x1, s3  }
0x23a: {  	p1 =	sne.s32 s3, $0x20  }
.Ltmp32:
0x23b: {  	_ = 	snop;
	(pc) =	sbr.rel @!p1 .LBB2_49-.Ltmp32, $1  }
0x23c: {  	_ =	sdelay $0x3  }
.LBB2_41:
0x23d: {  	v0 =	vld.msk [tilespmem:s3+$0xF218], $0x1;
	_ =	sdelay $0x4  }
0x23e: {  	(v2sf) =	vpush v0, $0x0;
	_ =	sdelay $0xe  }
0x23f: {  	s4 =	spop (v2sf)  }
0x240: {  	p1 =	seq.s32 s4, $0xFFFFFFFF  }
.Ltmp33:
0x241: {  	_ = 	snop;
	(pc) =	sbr.rel @p1 .LBB2_48-.Ltmp33, $1  }
0x242: {  	_ =	sdelay $0x3  }
0x243: {  	p1 =	slt.s32 s2, $0x1  }
.Ltmp34:
0x244: {  	_ = 	snop;
	(pc) =	sbr.rel @p1 .LBB2_47-.Ltmp34, $1  }
0x245: {  	_ =	sdelay $0x3  }
0x246: {  	s5 =	simm.s32 $0xF218;
	p1 =	por $0x0, $0x0  }
0x247: {  	v1 =	vld.msk @!p1 [tilespmem:s5+$0x0], $0x1;
	_ =	sdelay $0x4  }
0x248: {  	(v2sf) =	vpush @!p1 v1, $0x0;
	_ =	sdelay $0xd  }
0x249: {  	p3 =	sne.s32 s2, $0x1  }
.Ltmp35:
0x24a: {  	s0 =	spop @!p1 (v2sf);
	(pc) =	sbr.rel @!p3 .LBB2_45-.Ltmp35, $4  }
0x24b: {  	p2 =	seq.s32 @!p1 s4, s0  }
0x24c: {  	s6 =	simm.s32 $0x0;
	p2 =	por !p2, p1  }
0x24d: {  	s7 =	simm.s32 $0xFFFFFFFF;
	s6 =	simm.s32 @p2 $0xFFFFFFFF  }
0x24e: {  	s0 =	simm.s32 $0x1;
	s6 =	smov.u32 @p1 s7  }
.LBB2_44:
0x24f: {  	s7 =	smov.u32 s6;
	p1 =	sne.s32 s6, $0xFFFFFFFF  }
0x250: {  	s5 =	sadd.s32 $0x1, s5;
	s6 =	smov.u32 s0;
	s0 =	sadd.s32 $0x1, s0  }
0x251: {  	p2 =	sne.s32 s2, s0;
	v1 =	vld.msk @!p1 [tilespmem:s5+$0x0], $0x1;
	_ =	sdelay $0x4  }
0x252: {  	(v2sf) =	vpush @!p1 v1, $0x0;
	_ =	sdelay $0xe  }
.Ltmp36:
0x253: {  	s8 =	spop @!p1 (v2sf);
	(pc) =	sbr.rel @p2 .LBB2_44-.Ltmp36, $4  }
0x254: {  	p3 =	seq.s32 @!p1 s4, s8  }
0x255: {  	p3 =	por !p3, p1  }
0x256: {  	s6 =	simm.s32 @p3 $0xFFFFFFFF  }
0x257: {  	s6 =	smov.u32 @p1 s7  }
.LBB2_45:
0x258: {  	p1 =	seq.s32 s6, $0xFFFFFFFF  }
.Ltmp37:
0x259: {  	_ = 	snop;
	(pc) =	sbr.rel @p1 .LBB2_47-.Ltmp37, $1  }
0x25a: {  	_ =	sdelay $0x3  }
0x25b: {  	s0 =	sshll.u32 s3, $0x7  }
0x25c: {  	s0 =	sand.u32 $0x3FFFFF80, s0  }
0x25d: {  	v0 =	vld [tilespmem:s0+$0xF238];
	_ =	sdelay $0x2  }
0x25e: {  	s4 =	sshll.u32 s6, $0x9  }
0x25f: {  	s4 =	sshra.s32 s4, $0x2  }
0x260: {  	[tilespmem:s4+$0xF238] =	vst.add.f32.msk $0xffff, v0  }
0x261: {  	v0 =	vld [tilespmem:s0+$0xF248];
	_ =	sdelay $0x4  }
0x262: {  	[tilespmem:s4+$0xF248] =	vst.add.f32.msk $0xffff, v0  }
0x263: {  	v0 =	vld [tilespmem:s0+$0xF258];
	_ =	sdelay $0x4  }
0x264: {  	[tilespmem:s4+$0xF258] =	vst.add.f32.msk $0xffff, v0  }
0x265: {  	v0 =	vld [tilespmem:s0+$0xF268];
	_ =	sdelay $0x4  }
0x266: {  	[tilespmem:s4+$0xF268] =	vst.add.f32.msk $0xffff, v0  }
0x267: {  	v0 =	vld [tilespmem:s0+$0xF278];
	_ =	sdelay $0x4  }
0x268: {  	[tilespmem:s4+$0xF278] =	vst.add.f32.msk $0xffff, v0  }
0x269: {  	v0 =	vld [tilespmem:s0+$0xF288];
	_ =	sdelay $0x4  }
0x26a: {  	[tilespmem:s4+$0xF288] =	vst.add.f32.msk $0xffff, v0  }
0x26b: {  	v0 =	vld [tilespmem:s0+$0xF298];
	_ =	sdelay $0x4  }
0x26c: {  	[tilespmem:s4+$0xF298] =	vst.add.f32.msk $0xffff, v0  }
0x26d: {  	v0 =	vld [tilespmem:s0+$0xF2A8]  }
.Ltmp38:
0x26e: {  	_ = 	snop;
	(pc) =	sbr.rel .LBB2_48-.Ltmp38, $2  }
0x26f: {  	_ =	sdelay $0x2  }
0x270: {  	[tilespmem:s4+$0xF2A8] =	vst.add.f32.msk $0xffff, v0  }
.LBB2_49:
0x271: {  	p1 =	slt.s32 s2, $0x1  }
.Ltmp39:
0x272: {  	_ = 	snop;
	(pc) =	sbr.rel @p1 .LBB2_53-.Ltmp39, $3  }
0x273: {  	_ =	sdelay $0x1  }
0x274: {  	s0 =	simm.s32 $0x8  }
0x275: {  	s3 =	simm.s32 $0x0;
	[sflag:s0] =	ssyncpa.u1 $0x1  }
0x276: {  	s0 =	simm.s32 $0xF218  }
0x277: {  	v0 =	vld.msk [tilespmem:s0+$0x0], $0x1;
	_ =	sdelay $0x4  }
0x278: {  	(v2sf) =	vpush v0, $0x0;
	_ =	sdelay $0xe  }
0x279: {  	s0 =	sadd.s32 $0xFFFFFFFF, s2;
	s5 =	spop (v2sf)  }
0x27a: {  	p2 =	sne.s32 s0, $0x0;
	p1 =	sgt.u32 s5, $0x270F0  }
.Ltmp40:
0x27b: {  	s6 =	sand.u32 @!p1 $0x3FFF8, s5;
	(pc) =	sbr.rel @!p2 .LBB2_52-.Ltmp40, $4  }
0x27c: {  	s4 =	simm.s32 $0xF238;
	s5 =	sand.u32 @!p1 $0x7, s5;
	s2 =	sadd.s32 @!p1 s1, s6  }
0x27d: {  	[hbm4b:s2+s5] =	stream.linear.scatter @!p1 [tilespmem:s4], [sflag:$0x7], $0x80, $0x38;
	[tilespmem:$0x1F6F8] =	vst v63  }
0x27e: {  	s5 =	simm.s32 $0x0  }
0x27f: {  	s2 =	simm.s32 $0xF219;
	s5 =	simm.s32 @!p1 $0x200  }
.LBB2_51:
0x280: {  	v0 =	vld.msk [tilespmem:s2+$0x0], $0x1;
	s0 =	sadd.s32 $0xFFFFFFFF, s0;
	s3 =	sadd.s32 s3, s5  }
0x281: {  	p1 =	sne.s32 s0, $0x0;
	_ =	sdelay $0x3  }
0x282: {  	(v2sf) =	vpush v0, $0x0;
	_ =	sdelay $0xe  }
.Ltmp41:
0x283: {  	s6 =	spop (v2sf);
	(pc) =	sbr.rel @p1 .LBB2_51-.Ltmp41, $4  }
0x284: {  	s5 =	simm.s32 $0x0;
	p2 =	sgt.u32 s6, $0x270F0  }
0x285: {  	s4 =	sadd.s32 $0x80, s4;
	s5 =	simm.s32 @!p2 $0x200;
	s7 =	sand.u32 @!p2 $0x3FFF8, s6  }
0x286: {  	s2 =	sadd.s32 $0x1, s2;
	s6 =	sand.u32 @!p2 $0x7, s6;
	s7 =	sadd.s32 @!p2 s1, s7  }
0x287: {  	[hbm4b:s7+s6] =	stream.linear.scatter @!p2 [tilespmem:s4], [sflag:$0x7], $0x80, $0x38;
	[tilespmem:$0x1F6F8] =	vst v63  }
.LBB2_52:
0x288: {  	s0 =	sadd.s32 s3, s5  }
0x289: {  	s3 =	sshrl.u32 s0, $0x2  }
.LBB2_53:
0x28a: {  	s0 =	simm.s32 $0x7  }
0x28b: {  	_ =	swait.ge [sflag:s0], s3  }
0x28c: {  	s1 =	ssub.s32 $0x0, s3;
	[sflag:s0] =	ssyncset.done $0x0  }
0x28d: {  	[sflag:s0] =	ssyncadd.s32 s1  }
0x28e: {  	[sflag:s0] =	ssyncpa.u1 $0x1  }
.LBB2_54:
0x28f: {  	_ =	sfence;
	s0 =	simm.s32 $0x1  }
0x290: {  	[sflag:s0] =	ssyncpa.u1 $0x1  }
0x291: {  	_ =	strace $0x90000056  }
0x292: {  	[bflag:$0x2] =	sbarrier.arrive $0xFFFF  }
0x293: {  	s0 =	rddreg [dreg:$0x4]  }
0x294: {  	s0 =	sadd.s32 @!p0 $0x100000, s0  }
0x295: {  	[sflag:s0] =	ssyncadd.tile.s32 @!p0 $0x1;
	_ =	shalt  }
.Lfunc_end2:
_tile_overlayer_lowered:
.L_overlay_start_2:
0x296: {  	(tag) =	ssettag $0x2  }
0x297: {  	s0 =	rddreg [dreg:$0x0];
	s2 =	stileid.u32  }
0x298: {  	s1 =	rddreg [dreg:$0x1];
	p0 =	sne.s32 s2, $0x0  }
0x299: {  	s3 =	rddreg [dreg:$0x2];
	[bflag:$0x3] =	sbarrier.arrive $0xFFFF;
	s2 =	simm.s32 @!p0 $0x1C01  }
0x29a: {  	[timem:s3], [sflag:s2] =	dma.local @!p0 [hbm:s0], s1  }
0x29b: {  	s0 =	simm.s32 @!p0 $0x1  }
0x29c: {  	_ =	swait.ge @!p0 [sflag:s0], s1  }
0x29d: {  	s1 =	ssub.s32 @!p0 $0x0, s1;
	[sflag:s0] =	ssyncset.done @!p0 $0x0  }
0x29e: {  	[sflag:s0] =	ssyncadd.s32 @!p0 s1  }
0x29f: {  	[bflag:$0x3] =	sbarrier.arrive $0xFFFF  }
0x2a0: {  	_ =	shalt  }

// kernel: scatter_offload_async_start.2
scs
__scs_entry_jumppad:
0x0: {  	(pc) =	sbr.rel $0x88, $3  }
0x1: {  	(tag) =	ssettag $0x0;
	lr =	simm.s32 $0x1  }
0x2: {  	[smem:$0x3F9C] =	sst lr;
	_ =	strace $0xD0000000  }
0x3: {  	_ = 	snop  }
0x4: {  	_ = 	snop  }
0x5: {  	_ = 	snop  }
0x6: {  	_ = 	snop  }
0x7: {  	_ = 	snop  }
__scs_overlays_trampoline_lowered:
0x8: {  	[smem:$0x3FAB] =	sst s0  }
0x9: {  	[smem:$0x3FAC] =	sst s1  }
0xa: {  	[smem:$0x3FAD] =	sst s2  }
0xb: {  	[smem:$0x3FAE] =	sst s3  }
0xc: {  	[smem:$0x3FAF] =	sst s4  }
0xd: {  	[smem:$0x3FB0] =	sst s5  }
0xe: {  	[smem:$0x3FB1] =	sst s6  }
0xf: {  	[smem:$0x3FB2] =	sst s7  }
0x10: {  	[smem:$0x3FB3] =	sst s8  }
0x11: {  	[smem:$0x3FB4] =	sst s9;
	s0 =	simm.s32 @!p0 $0x0  }
0x12: {  	s1 =	sld [smem:$0x3F9A];
	s0 =	simm.s32 @p0 $0x1  }
0x13: {  	[smem:$0x3FB5] =	sst s0;
	s0 =	simm.s32 @!p1 $0x0  }
0x14: {  	s2 =	sld [smem:$0x3F99];
	s0 =	simm.s32 @p1 $0x1  }
0x15: {  	[smem:$0x3FB6] =	sst s0;
	s0 =	simm.s32 @!p2 $0x0  }
0x16: {  	s3 =	sld [smem:$0x3FDB];
	s0 =	simm.s32 @p2 $0x1  }
0x17: {  	s4 =	simm.s32 $0x1BF5;
	[smem:$0x3FB8] =	sst s0  }
0x18: {  	s0 =	sld [smem:$0x3F9B];
	_ =	swait.ge [sflag:s4], $0x0  }
0x19: {  	s7 =	sld [smem:$0x3F9C]  }
0x1a: {  	s8 =	sadd.s32 $0xFFFFE003, lr  }
0x1b: {  	s9 =	sadd.s32 $0xFFFFFEF7, lr;
	s5 =	simm.s32 $0xFFFFFFFF;
	p2 =	slt.u32 s8, $0xFFFFF086  }
0x1c: {  	p1 =	slt.u32 s9, $0xF7A;
	s5 =	simm.s32 @!p2 $0x0  }
0x1d: {  	s5 =	simm.s32 @p1 $0x1;
	p0 =	seq.s32 s7, s2  }
0x1e: {  	s7 =	smul.u32 @!p0 $0xF7A, s2;
	p2 =	seq.s32 @!p0 s5, $0x0  }
0x1f: {  	s9 =	smul.u32 $0xF7A, s1;
	s8 =	simm.s32 @!p0 $0x1BF5;
	p2 =	por !p2, p0  }
0x20: {  	[sflag:s8] =	ssyncset.s32 @!p0 $0xFFFFF086;
	s6 =	sadd.s32 @!p0 s3, s7;
	s7 =	simm.s32 @!p0 $0x108  }
0x21: {  	s3 =	sadd.s32 s3, s9;
	s6 =	sadd.s32 @!p0 $0x88, s6;
	s7 =	simm.s32 @p2 $0x1082  }
0x22: {  	[simem:s7], [sflag:s8] =	dma.local @!p0 [hbm:s6], $0xF7A  }
0x23: {  	s9 =	sor.u32 $0xD0000000, s2;
	s6 =	simm.s32 $0x108;
	_ =	swait.ge @!p0 [sflag:s8], $0x0  }
0x24: {  	s3 =	sadd.s32 $0x88, s3;
	s6 =	simm.s32 @!p1 $0x1082;
	[sflag:s4] =	ssyncset.s32 $0xFFFFF086  }
0x25: {  	[simem:s6], [sflag:s4] =	dma.local [hbm:s3], $0xF7A  }
0x26: {  	[smem:$0x3F9C] =	sst s1;
	(tag) =	ssettag s2;
	_ =	strace s9  }
0x27: {  	s1 =	sld [smem:$0x3FAC]  }
0x28: {  	s2 =	sld [smem:$0x3FAD]  }
0x29: {  	s4 =	sld [smem:$0x3FAF]  }
0x2a: {  	p0 =	seq.s32 s5, $0x0;
	s5 =	sld [smem:$0x3FB0]  }
0x2b: {  	s6 =	sld [smem:$0x3FB1]  }
0x2c: {  	s7 =	sld [smem:$0x3FB2]  }
0x2d: {  	s3 =	simm.s32 $0x108;
	s8 =	sld [smem:$0x3FB3]  }
0x2e: {  	s3 =	simm.s32 @!p0 $0x1082;
	s9 =	sld [smem:$0x3FB4]  }
0x2f: {  	lr =	sadd.s32 s0, s3;
	s0 =	sld [smem:$0x3FAB]  }
0x30: {  	s3 =	sld [smem:$0x3FAE]  }
0x31: {  	[smem:$0x3FB7] =	sst s10  }
0x32: {  	s10 =	sld [smem:$0x3FB5];
	_ =	sdelay $0x3  }
0x33: {  	p0 =	seq.s32 s10, $0x1;
	s10 =	sld [smem:$0x3FB7];
	_ =	sdelay $0x3  }
0x34: {  	[smem:$0x3FB7] =	sst s10  }
0x35: {  	s10 =	sld [smem:$0x3FB6];
	_ =	sdelay $0x3  }
0x36: {  	p1 =	seq.s32 s10, $0x1;
	s10 =	sld [smem:$0x3FB7];
	_ =	sdelay $0x3  }
0x37: {  	[smem:$0x3FB7] =	sst s10  }
0x38: {  	s10 =	sld [smem:$0x3FB8]  }
0x39: {  	_ = 	snop;
	(pc) =	sbr.ind lr, $3  }
0x3a: {  	_ = 	snop  }
0x3b: {  	_ = 	snop  }
0x3c: {  	p2 =	seq.s32 s10, $0x1;
	s10 =	sld [smem:$0x3FB7]  }
0x3d: {  	_ =	shalt  }
0x3e: {  	_ =	shalt  }
0x3f: {  	_ =	shalt  }
0x40: {  	_ =	shalt  }
0x41: {  	_ =	shalt  }
0x42: {  	_ =	shalt  }
0x43: {  	_ =	shalt  }
0x44: {  	_ =	shalt  }
0x45: {  	_ =	shalt  }
0x46: {  	_ =	shalt  }
0x47: {  	_ =	shalt  }
0x48: {  	_ =	shalt  }
0x49: {  	_ =	shalt  }
0x4a: {  	_ =	shalt  }
0x4b: {  	_ =	shalt  }
0x4c: {  	_ =	shalt  }
0x4d: {  	_ =	shalt  }
0x4e: {  	_ =	shalt  }
0x4f: {  	_ =	shalt  }
0x50: {  	_ =	shalt  }
0x51: {  	_ =	shalt  }
0x52: {  	_ =	shalt  }
0x53: {  	_ =	shalt  }
0x54: {  	_ =	shalt  }
0x55: {  	_ =	shalt  }
0x56: {  	_ =	shalt  }
0x57: {  	_ =	shalt  }
0x58: {  	_ =	shalt  }
0x59: {  	_ =	shalt  }
0x5a: {  	_ =	shalt  }
0x5b: {  	_ =	shalt  }
0x5c: {  	_ =	shalt  }
0x5d: {  	_ =	shalt  }
0x5e: {  	_ =	shalt  }
0x5f: {  	_ =	shalt  }
0x60: {  	_ =	shalt  }
0x61: {  	_ =	shalt  }
0x62: {  	_ =	shalt  }
0x63: {  	_ =	shalt  }
0x64: {  	_ =	shalt  }
0x65: {  	_ =	shalt  }
0x66: {  	_ =	shalt  }
0x67: {  	_ =	shalt  }
0x68: {  	_ =	shalt  }
0x69: {  	_ =	shalt  }
0x6a: {  	_ =	shalt  }
0x6b: {  	_ =	shalt  }
0x6c: {  	_ =	shalt  }
0x6d: {  	_ =	shalt  }
0x6e: {  	_ =	shalt  }
0x6f: {  	_ =	shalt  }
0x70: {  	_ =	shalt  }
0x71: {  	_ =	shalt  }
0x72: {  	_ =	shalt  }
0x73: {  	_ =	shalt  }
0x74: {  	_ =	shalt  }
0x75: {  	_ =	shalt  }
0x76: {  	_ =	shalt  }
0x77: {  	_ =	shalt  }
0x78: {  	_ =	shalt  }
0x79: {  	_ =	shalt  }
0x7a: {  	_ =	shalt  }
0x7b: {  	_ =	shalt  }
0x7c: {  	_ =	shalt  }
0x7d: {  	_ =	shalt  }
0x7e: {  	_ =	shalt  }
0x7f: {  	_ =	shalt  }
0x80: {  	_ =	shalt  }
0x81: {  	_ =	shalt  }
0x82: {  	_ =	shalt  }
0x83: {  	_ =	shalt  }
0x84: {  	_ =	shalt  }
0x85: {  	_ =	shalt  }
0x86: {  	_ =	shalt  }
0x87: {  	_ =	shalt  }
.Lfunc_end0:
.L_simem_size_0:
called_computation.2_lowered:
.L_overlay_start_0:
0x88: {  	s0 =	sld [smem:$0x3FD9]  }
0x89: {  	s1 =	sld [smem:$0x3FFE];
	_ =	sdelay $0x3  }
0x8a: {  	s0 =	sadd.s32 s1, s0  }
0x8b: {  	[smem:$0x3FC3] =	sst s0  }
0x8c: {  	_ = 	snop  }
0x8d: {  	s0 =	sld [smem:$0x3FD0];
	_ =	sdelay $0x2  }
0x8e: {  	s2 =	simm.s32 $0xD;
	s12 =	simm.s32 $0x10  }
0x8f: {  	[smem:s12], [sflag:s2] =	dma.local [hbm:s0], $0x1  }
0x90: {  	_ =	swait.eq [sflag:s2], $0x1  }
0x91: {  	s3 =	sld [smem:$0x11];
	[sflag:s2] =	ssyncset.done $0x0  }
0x92: {  	s13 =	sld [smem:$0x12];
	[sflag:s2] =	ssyncadd.s32 $0xFFFFFFFF  }
0x93: {  	s14 =	sld [smem:$0x15];
	(tm) =	ssettm $0x1  }
0x94: {  	s15 =	sld [smem:$0x3FFB];
	_ =	sdelay $0x3  }
0x95: {  	_ =	strace s15  }
0x96: {  	s0 =	sld [smem:$0x3FFC];
	_ =	sdelay $0x3  }
0x97: {  	_ =	strace s0  }
0x98: {  	s0 =	sld [smem:$0x3FFD];
	_ =	sdelay $0x3  }
0x99: {  	_ =	strace s0  }
0x9a: {  	_ =	strace $0x8FFFFFFF  }
0x9b: {  	s16 =	sld [smem:$0x3FDB];
	_ =	sdelay $0x1  }
0x9c: {  	s4 =	simm.s32 $_scs_section_size  }
0x9d: {  	s5 =	simm.s32 $_size__tile_overlayer_lowered;
	s6 =	simm.s32 $_tile_overlayer_lowered  }
0x9e: {  	s7 =	simm.s32 $0x1BFF;
	s17 =	sshll.u32 s6, $0x1;
	s4 =	sadd.s32 s4, s16  }
0x9f: {  	s18 =	simm.s32 $0x0;
	s5 =	sshll.u32 s5, $0x1;
	s6 =	sadd.s32 s17, s4  }
0xa0: {  	[timem:s18], [sflag:s7] =	dma.local [hbm:s6], s5  }
0xa1: {  	_ =	swait.ge [sflag:s7], s5  }
0xa2: {  	s5 =	ssub.s32 $0x0, s5;
	[sflag:s7] =	ssyncset.done $0x0  }
0xa3: {  	[sflag:s7] =	ssyncadd.s32 s5;
	_ =	sdelay $0x1  }
0xa4: {  	s19 =	simm.s32 $0x1B8B  }
0xa5: {  	_ =	swait.ge [sflag:s19], $0x1  }
0xa6: {  	[sflag:s19] =	ssyncset.done $0x0  }
0xa7: {  	s21 =	simm.s32 $0x1B8E;
	s20 =	sld [smem:$0x3FFE];
	[sflag:s19] =	ssyncadd.s32 $0xFFFFFFFF  }
0xa8: {  	s22 =	simm.s32 $execute0_lowered;
	[smem:$0x3FD2] =	sst s21  }
0xa9: {  	s6 =	sshll.u32 s22, $0x1;
	_ =	strace $0x8000004C;
	[dreg:$0x1] =	wrdreg $0xFFFFFFFF  }
0xaa: {  	s23 =	simm.s32 $_size_execute0_lowered;
	s6 =	sadd.s32 s4, s6;
	[dreg:$0x0] =	wrdreg $0x0  }
0xab: {  	s7 =	sshll.u32 s23, $0x1;
	[dreg:$0x2] =	wrdreg s6  }
0xac: {  	[dreg:$0x3] =	wrdreg s7  }
0xad: {  	[dreg:$0x4] =	wrdreg $0xC0  }
0xae: {  	s24 =	simm.s32 $execute1_lowered;
	_ =	task [dreg:s18], $0x5FFFF  }
0xaf: {  	s6 =	sshll.u32 s24, $0x1;
	[dreg:$0x1] =	wrdreg $0xFFFFFFFF  }
0xb0: {  	s4 =	sadd.s32 s4, s6;
	[dreg:$0x0] =	wrdreg $0x60  }
0xb1: {  	[dreg:$0x2] =	wrdreg s4  }
0xb2: {  	[dreg:$0x3] =	wrdreg s3  }
0xb3: {  	[dreg:$0x4] =	wrdreg s20  }
0xb4: {  	[dreg:$0x5] =	wrdreg $0x9  }
0xb5: {  	_ =	task.clear_ibuf [dreg:s18], $0x6FFFF;
	_ =	strace $0x9000004C  }
0xb6: {  	s25 =	simm.s32 $0x9;
	_ =	strace $0x8000004E  }
0xb7: {  	_ =	swait.ge [sflag:s25], $0x1  }
0xb8: {  	[sflag:s25] =	ssyncadd.s32 $0xFFFFFFFF  }
0xb9: {  	_ =	strace $0x9000004E  }
0xba: {  	_ =	strace $0x8000004F;
	[dreg:$0x1] =	wrdreg $0xFFFFFFFF  }
0xbb: {  	[dreg:$0x0] =	wrdreg $0x2030  }
0xbc: {  	[dreg:$0x2] =	wrdreg s20  }
0xbd: {  	[dreg:$0x3] =	wrdreg s14  }
0xbe: {  	[dreg:$0x4] =	wrdreg s13  }
0xbf: {  	[dreg:$0x5] =	wrdreg $0xA  }
0xc0: {  	_ =	task.clear_ibuf [dreg:s18], $0x6FFFF;
	_ =	strace $0x9000004F  }
0xc1: {  	s26 =	simm.s32 $0xA;
	_ =	strace $0x80000051  }
0xc2: {  	_ =	swait.ge [sflag:s26], $0x1  }
0xc3: {  	[sflag:s26] =	ssyncadd.s32 $0xFFFFFFFF  }
0xc4: {  	_ =	strace $0x90000051  }
0xc5: {  	_ =	sfence  }
0xc6: {  	s28 =	sld [smem:$0x0];
	_ =	sdelay $0x1  }
0xc7: {  	s29 =	srdreg.scid  }
0xc8: {  	s30 =	sshll.u32 s29, $0xD;
	s31 =	sshrl.u32 s29, $0x2  }
0xc9: {  	s2 =	sand.u32 $0x1, s29;
	s3 =	sand.u32 $0x4000, s30;
	s1 =	sadd.s32 s31, s28  }
0xca: {  	s2 =	sor.u32 s3, s2;
	s1 =	sshll.u32 s1, $0x11  }
0xcb: {  	s1 =	sor.u32 s1, s2  }
0xcc: {  	s1 =	sadd.s32 $0x8F2B, s1  }
0xcd: {  	[sflag:s1] =	ssyncadd.remote.s32 $0x1  }
0xce: {  	_ =	sfence.sel $0xFFFF  }
0xcf: {  	[dreg:$0x0] =	wrdreg $0xFFFFFFFF;
	(pc) =	sbr.abs _section_cstart, $3  }
0xd0: {  	[dreg:$0x1] =	wrdreg $0xFFFFFFFF  }
0xd1: {  	_ =	task.clear_ibuf [dreg:s18], $0x2FFFF;
	_ =	strace $0x9FFFFFFF  }
0xd2: {  	(tm) =	ssettm $0x7FFFFFFF  }
0xd3: {  	_ =	shalt  }
tec
execute0_lowered:
.L_overlay_start_1:
0x0: {  	(tag) =	ssettag $0x1  }
0x1: {  	s2 =	rddreg [dreg:$0x0]  }
0x2: {  	s5 =	rddreg [dreg:$0x1]  }
0x3: {  	s4 =	rddreg [dreg:$0x2]  }
0x4: {  	s0 =	rddreg [dreg:$0x3];
	s3 =	stileid.u32  }
0x5: {  	[bflag:$0x3] =	sbarrier.arrive $0xFFFF;
	s1 =	simm.s32 $_size_execute1_lowered;
	p0 =	sne.s32 s3, $0x0  }
0x6: {  	s1 =	sshll.u32 s1, $0x1;
	s6 =	simm.s32 @!p0 $0x1C3F;
	s7 =	simm.s32 @!p0 $0x4060  }
0x7: {  	[timem:s7], [sflag:s6] =	dma.local @!p0 [hbm:s2], s1  }
.Ltmp0:
0x8: {  	s30 =	simm.s32 $0x2;
	s8 =	simm.s32 $0x780;
	(pc) =	sbr.rel .LBB2_1-.Ltmp0, $4  }
0x9: {  	s10 =	simm.s32 $0x0;
	s9 =	simm.s32 $0x0;
	s2 =	smul.u32 $0x280, s3  }
0xa: {  	s4 =	sadd.s32 $0x80C00, s4;
	s3 =	simm.s32 $0x1;
	_ =	strace $0x8000004D  }
0xb: {  	s6 =	simm.s32 $0x0;
	[sflag:s3] =	ssyncpa.u1 $0x0;
	s31 =	sshrl.u32 s2, $0x3  }
0xc: {  	s7 =	simm.s32 $0x280;
	[sflag:s30] =	ssyncpa.u1 $0x0;
	s5 =	sadd.s32 s31, s5  }
.LBB2_8:
0xd: {  	p1 =	seq.s32 s9, $0x2  }
.Ltmp1:
0xe: {  	_ = 	snop;
	(pc) =	sbr.rel @p1 .LBB2_10-.Ltmp1, $1  }
0xf: {  	_ =	sdelay $0x3  }
.LBB2_9:
0x10: {  	s9 =	sadd.s32 $0x1, s9;
	s10 =	smov.u32 s2  }
.LBB2_1:
0x11: {  	p1 =	sne.s32 s9, $0x0  }
.Ltmp2:
0x12: {  	_ = 	snop;
	(pc) =	sbr.rel @!p1 .LBB2_2-.Ltmp2, $1  }
0x13: {  	_ =	sdelay $0x3  }
0x14: {  	s11 =	sand.u32 $0x1, s9  }
0x15: {  	p1 =	seq.s32 s11, $0x0  }
.Ltmp3:
0x16: {  	_ = 	snop;
	(pc) =	sbr.rel @p1 .LBB2_8-.Ltmp3, $1  }
0x17: {  	_ =	sdelay $0x3  }
0x18: {  	_ =	swait.ge [sflag:s3], $0x280  }
0x19: {  	[sflag:s3] =	ssyncset.done $0x0  }
0x1a: {  	s11 =	simm.s32 $0x0;
	p1 =	por $0x1, $0x1;
	[sflag:s3] =	ssyncadd.s32 $0xFFFFFD80  }
.LBB2_5:
0x1b: {  	v0 =	vld [tilespmem:s11+$0x280]  }
0x1c: {  	v1 =	vld [tilespmem:s11+$0x290]  }
0x1d: {  	v2 =	vld [tilespmem:s11+$0x2A0]  }
0x1e: {  	v3 =	vld [tilespmem:s11+$0x2B0]  }
0x1f: {  	v4 =	vld [tilespmem:s11+$0x2C0]  }
0x20: {  	v53 =	vld [tilespmem:s11+$0x2D0];
	[tilespmem:s11+$0x780] =	vst v0  }
0x21: {  	v54 =	vld [tilespmem:s11+$0x2E0];
	[tilespmem:s11+$0x790] =	vst v1  }
0x22: {  	v55 =	vld [tilespmem:s11+$0x2F0];
	[tilespmem:s11+$0x7A0] =	vst v2  }
0x23: {  	v56 =	vld [tilespmem:s11+$0x300];
	[tilespmem:s11+$0x7B0] =	vst v3  }
0x24: {  	v57 =	vld [tilespmem:s11+$0x310];
	[tilespmem:s11+$0x7C0] =	vst v4  }
0x25: {  	v58 =	vld [tilespmem:s11+$0x320];
	[tilespmem:s11+$0x7D0] =	vst v53  }
0x26: {  	v59 =	vld [tilespmem:s11+$0x330];
	[tilespmem:s11+$0x7E0] =	vst v54  }
0x27: {  	v60 =	vld [tilespmem:s11+$0x340];
	[tilespmem:s11+$0x7F0] =	vst v55  }
0x28: {  	v61 =	vld [tilespmem:s11+$0x350];
	[tilespmem:s11+$0x800] =	vst v56  }
0x29: {  	v62 =	vld [tilespmem:s11+$0x360];
	[tilespmem:s11+$0x810] =	vst v57  }
0x2a: {  	v63 =	vld [tilespmem:s11+$0x370];
	p2 =	por p1, p1;
	[tilespmem:s11+$0x820] =	vst v58  }
.Ltmp4:
0x2b: {  	[tilespmem:s11+$0x830] =	vst v59;
	(pc) =	sbr.rel @p2 .LBB2_5-.Ltmp4, $4  }
0x2c: {  	[tilespmem:s11+$0x840] =	vst v60  }
0x2d: {  	[tilespmem:s11+$0x850] =	vst v61  }
0x2e: {  	s12 =	simm.s32 $0x1F0;
	s13 =	simm.s32 $0x980;
	[tilespmem:s11+$0x860] =	vst v62  }
0x2f: {  	s14 =	simm.s32 $0x480;
	p1 =	por $0x0, $0x0;
	[tilespmem:s11+$0x870] =	vst v63;
	s11 =	simm.s32 $0x100  }
.LBB2_6:
0x30: {  	s12 =	sadd.s32 $0x10, s12  }
0x31: {  	v0 =	vld [tilespmem:s14+$0x0];
	p1 =	slt.u32 s12, $0x270  }
.Ltmp5:
0x32: {  	_ = 	snop;
	(pc) =	sbr.rel @p1 .LBB2_6-.Ltmp5, $2  }
0x33: {  	_ =	sdelay $0x2  }
0x34: {  	s14 =	sadd.s32 $0x10, s14;
	[tilespmem:s13+$0x0] =	vst v0;
	s13 =	sadd.s32 $0x10, s13  }
.Ltmp6:
0x35: {  	(pc) =	sbr.rel .LBB2_8-.Ltmp6, $4  }
0x36: {  	_ = 	snop  }
0x37: {  	s10 =	sshrl.u32 s10, $0x3  }
0x38: {  	s10 =	sadd.s32 s4, s10  }
0x39: {  	[hbm4b:s10+s6] =	stream.linear.scatter [tilespmem:s8], [sflag:$0x2], $0x280, $0x38;
	[tilespmem:$0xA00] =	vst v63  }
.LBB2_2:
.Ltmp7:
0x3a: {  	(pc) =	sbr.rel .LBB2_9-.Ltmp7, $2  }
0x3b: {  	_ =	sdelay $0x2  }
0x3c: {  	[tilespmem:s7], [sflag:$0x1] =	stream.linear.gather [hbm4b:s5+s6], $0x280, $0x38;
	[tilespmem:$0xA00] =	vst v63  }
.LBB2_10:
0x3d: {  	s2 =	simm.s32 $0x2  }
0x3e: {  	_ =	swait.ge [sflag:s2], $0x280  }
0x3f: {  	[sflag:s2] =	ssyncset.done $0x0  }
0x40: {  	[sflag:s2] =	ssyncadd.s32 $0xFFFFFD80  }
0x41: {  	_ =	sfence.sel $0x180000  }
0x42: {  	s3 =	simm.s32 $0x1;
	[bflag:$0x0] =	sbarrier.arrive $0xFFFF  }
0x43: {  	[sflag:s3] =	ssyncpa.u1 $0x1  }
0x44: {  	[sflag:s2] =	ssyncpa.u1 $0x1  }
0x45: {  	_ =	strace $0x9000004D  }
0x46: {  	s0 =	sadd.s32 @!p0 $0x100000, s0;
	[bflag:$0x2] =	sbarrier.arrive $0xFFFF  }
0x47: {  	[sflag:s0] =	ssyncadd.tile.s32 @!p0 $0x1;
	s0 =	simm.s32 @!p0 $0x3F  }
0x48: {  	_ =	swait.ge @!p0 [sflag:s0], s1  }
0x49: {  	s1 =	ssub.s32 @!p0 $0x0, s1;
	[sflag:s0] =	ssyncset.done @!p0 $0x0  }
0x4a: {  	[sflag:s0] =	ssyncadd.s32 @!p0 s1  }
0x4b: {  	[bflag:$0x3] =	sbarrier.arrive $0xFFFF  }
0x4c: {  	_ =	shalt  }
.Lfunc_end2:
execute1_lowered:
.L_overlay_start_2:
0x4d: {  	(tag) =	ssettag $0x2  }
0x4e: {  	s1 =	rddreg [dreg:$0x0]  }
0x4f: {  	s2 =	rddreg [dreg:$0x1]  }
0x50: {  	s3 =	rddreg [dreg:$0x2]  }
0x51: {  	s0 =	rddreg [dreg:$0x3]  }
0x52: {  	_ =	strace $0x80000050;
	s5 =	stileid.u32;
	s6 =	simm.s32 $0x3E  }
0x53: {  	s1 =	sadd.s32 $0x80C00, s1;
	p0 =	sne.s32 s5, $0x0;
	[sflag:s6] =	ssyncpa.u1 $0x0  }
0x54: {  	s30 =	smin.u32 s5, $0x4;
	s4 =	simm.s32 @!p0 $0x1C3E;
	s7 =	simm.s32 @!p0 $0x0  }
0x55: {  	[spmem:s7], [sflag:s4] =	dma.local @!p0 [hbm:s1], $0x500  }
0x56: {  	s4 =	sadd.s32 s5, s30  }
0x57: {  	p1 =	slt.u32 s5, $0x4;
	s5 =	simm.s32 $0x3E80;
	s4 =	smul.u32 $0x1F40, s4  }
0x58: {  	s5 =	simm.s32 @!p1 $0x1F40  }
0x59: {  	s5 =	sadd.s32 s5, s4  }
0x5a: {  	s5 =	smin.u32 s5, $0x27100  }
0x5b: {  	s8 =	ssub.s32 s5, s4  }
0x5c: {  	p1 =	sgt.s32 s8, $0x0  }
0x5d: {  	s8 =	simm.s32 @!p1 $0x0  }
0x5e: {  	s7 =	simm.s32 @!p0 $0x3E;
	s31 =	smulhi.u32 $0x10624DD3, s8  }
0x5f: {  	_ =	swait.ge @!p0 [sflag:s7], $0x500  }
0x60: {  	[sflag:s7] =	ssyncset.done @!p0 $0x0;
	s9 =	sshrl.u32 s31, $0x9  }
0x61: {  	[sflag:s7] =	ssyncadd.s32 @!p0 $0xFFFFFB00;
	s10 =	smul.u32 $0x1F40, s9  }
.Ltmp8:
0x62: {  	s11 =	simm.s32 $0x0;
	[bflag:$0x0] =	sbarrier.arrive $0xFFFF;
	(pc) =	sbr.rel .LBB3_1-.Ltmp8, $4  }
0x63: {  	s7 =	simm.s32 $0x2;
	[sflag:s6] =	ssyncpa.u1 $0x1;
	s6 =	simm.s32 $0x1  }
0x64: {  	[sflag:s6] =	ssyncpa.u1 $0x0;
	p1 =	sne.s32 s8, s10;
	s8 =	simm.s32 $0x1  }
0x65: {  	(ifvalue) =	ssetifvalue $0x2800;
	[sflag:s7] =	ssyncpa.u1 $0x0;
	s8 =	simm.s32 @!p1 $0x0  }
0x66: {  	vm0 =	vmmov $0xffff;
	s10 =	smov.u32 s4;
	s8 =	sadd.s32 s8, s9;
	s9 =	simm.s32 $0x0  }
.LBB3_5:
0x67: {  	p2 =	sne.s32 s11, s8  }
.Ltmp9:
0x68: {  	_ = 	snop;
	(pc) =	sbr.rel @!p2 .LBB3_6-.Ltmp9, $4  }
0x69: {  	_ = 	snop  }
0x6a: {  	s12 =	sadd.s32 $0x1F40, s10  }
0x6b: {  	s10 =	smov.u32 s4;
	s13 =	sadd.s32 $0x1, s11;
	p1 =	slt.s32 s12, s5  }
0x6c: {  	s11 =	smov.u32 s13;
	s10 =	smov.u32 @p1 s12  }
.LBB3_1:
0x6d: {  	p1 =	sge.u32 s11, s8  }
0x6e: {  	s12 =	sxor.u32 @!p1 $0xFFFFFFFF, s11  }
0x6f: {  	s12 =	sand.u32 @!p1 $0x1, s12  }
0x70: {  	s12 =	smul.u32 @!p1 $0x1F40, s12  }
0x71: {  	s13 =	sshrl.u32 @!p1 s10, $0x3  }
0x72: {  	s16 =	sand.u32 @!p1 $0x7, s10;
	s14 =	sadd.s32 @!p1 s2, s13;
	s15 =	sadd.s32 @!p1 $0x280, s12  }
0x73: {  	[tilespmem:s15], [sflag:$0x2] =	stream.linear.gather @!p1 [hbm4b:s14+s16], $0x1F40, $0x38;
	[tilespmem:$0x7F80] =	vst v63  }
0x74: {  	s13 =	sadd.s32 @!p1 s3, s13;
	s12 =	sadd.s32 @!p1 $0x4100, s12  }
0x75: {  	[tilespmem:s12], [sflag:$0x2] =	stream.linear.gather @!p1 [hbm4b:s13+s16], $0x1F40, $0x38;
	[tilespmem:$0x7F80] =	vst v63  }
0x76: {  	p1 =	seq.s32 s11, $0x0  }
.Ltmp10:
0x77: {  	_ = 	snop;
	(pc) =	sbr.rel @p1 .LBB3_5-.Ltmp10, $1  }
0x78: {  	_ =	sdelay $0x3  }
0x79: {  	s12 =	sand.u32 $0x1, s11  }
0x7a: {  	_ =	swait.ge [sflag:s7], $0x3E80;
	p1 =	seq.s32 s12, $0x1;
	s12 =	simm.s32 $0x1F40  }
0x7b: {  	[sflag:s7] =	ssyncset.done $0x0;
	s12 =	simm.s32 @!p1 $0x0  }
0x7c: {  	[sflag:s7] =	ssyncadd.s32 $0xFFFFC180;
	s14 =	sadd.s32 $0x280, s12  }
0x7d: {  	v0 =	vld.msk [tilespmem:s14+$0x0 ss:$0x1], $0xffff;
	_ =	sdelay $0x4  }
0x7e: {  	v0 =	vmin.u32 v0, $0x2800;
	_ =	sdelay $0x3  }
0x7f: {  	s13 =	simm.s32 $0x0;
	s12 =	sadd.s32 $0x4100, s12;
	s14 =	sadd.s32 $0x10, s14  }
0x80: {  	[spmem:s9] =	stream.indirect_vreg.scatter.add.s32 [tilespmem:s12], [sflag:$0x1], $0x1, v0, vm0, $0x4038;
	[tilespmem:$0x7F80] =	vst v63  }
.LBB3_3:
0x81: {  	v0 =	vld.msk [tilespmem:s14+$0x0 ss:$0x1], $0xffff;
	s13 =	sadd.s32 $0x10, s13  }
0x82: {  	p1 =	slt.u32 s13, $0x1F30;
	_ =	sdelay $0x4  }
0x83: {  	v0 =	vmin.u32 v0, $0x2800  }
.Ltmp11:
0x84: {  	(pc) =	sbr.rel @p1 .LBB3_3-.Ltmp11, $3  }
0x85: {  	_ =	sdelay $0x1  }
0x86: {  	s14 =	sadd.s32 $0x10, s14;
	s12 =	sadd.s32 $0x10, s12  }
0x87: {  	[spmem:s9] =	stream.indirect_vreg.scatter.add.s32 [tilespmem:s12], [sflag:$0x1], $0x1, v0, vm0, $0x4038;
	[tilespmem:$0x7F80] =	vst v63  }
.Ltmp12:
0x88: {  	(pc) =	sbr.rel .LBB3_5-.Ltmp12, $4  }
0x89: {  	_ = 	snop  }
0x8a: {  	_ =	swait.ge [sflag:s6], $0x1F40  }
0x8b: {  	[sflag:s6] =	ssyncset.done $0x0  }
0x8c: {  	[sflag:s6] =	ssyncadd.s32 $0xFFFFE0C0  }
.LBB3_6:
0x8d: {  	_ =	sfence.sel $0x180000  }
0x8e: {  	s2 =	simm.s32 $0x2;
	[bflag:$0x0] =	sbarrier.arrive $0xFFFF  }
0x8f: {  	s30 =	simm.s32 $0x1;
	[sflag:s2] =	ssyncpa.u1 $0x1  }
0x90: {  	[sflag:s30] =	ssyncpa.u1 $0x1  }
0x91: {  	_ =	sfence.stream.spmem  }
0x92: {  	s31 =	simm.s32 $0x3D;
	[bflag:$0x0] =	sbarrier.arrive $0xFFFF  }
0x93: {  	s2 =	simm.s32 @p0 $0x3D;
	[sflag:s31] =	ssyncpa.u1 $0x0  }
0x94: {  	[sflag:s2] =	ssyncpa.u1 @p0 $0x1  }
0x95: {  	[bflag:$0x0] =	sbarrier.arrive @p0 $0xFFFF  }
0x96: {  	_ =	strace @p0 $0x90000050  }
0x97: {  	s3 =	simm.s32 @!p0 $0x1C3D;
	s2 =	simm.s32 @!p0 $0x0;
	[bflag:$0x2] =	sbarrier.arrive @p0 $0xFFFF  }
0x98: {  	[hbm:s1], [sflag:s3] =	dma.local @!p0 [spmem:s2], $0x500  }
0x99: {  	s1 =	simm.s32 @!p0 $0x3D  }
0x9a: {  	_ =	swait.ge @!p0 [sflag:s1], $0x500  }
0x9b: {  	[sflag:s1] =	ssyncset.done @!p0 $0x0  }
0x9c: {  	[sflag:s1] =	ssyncadd.s32 @!p0 $0xFFFFFB00  }
0x9d: {  	[sflag:s1] =	ssyncpa.u1 @!p0 $0x1  }
0x9e: {  	[bflag:$0x0] =	sbarrier.arrive @!p0 $0xFFFF  }
0x9f: {  	_ =	strace @!p0 $0x90000050  }
0xa0: {  	s0 =	sadd.s32 @!p0 $0x100000, s0;
	[bflag:$0x2] =	sbarrier.arrive @!p0 $0xFFFF  }
0xa1: {  	[sflag:s0] =	ssyncadd.tile.s32 @!p0 $0x1;
	_ =	shalt  }
.Lfunc_end3:
_tile_overlayer_lowered:
.L_overlay_start_3:
0xa2: {  	(tag) =	ssettag $0x3  }
0xa3: {  	s0 =	rddreg [dreg:$0x0];
	s2 =	stileid.u32  }
0xa4: {  	s1 =	rddreg [dreg:$0x1];
	p0 =	sne.s32 s2, $0x0  }
0xa5: {  	s3 =	rddreg [dreg:$0x2];
	[bflag:$0x3] =	sbarrier.arrive $0xFFFF;
	s2 =	simm.s32 @!p0 $0x1C01  }
0xa6: {  	[timem:s3], [sflag:s2] =	dma.local @!p0 [hbm:s0], s1  }
0xa7: {  	s0 =	simm.s32 @!p0 $0x1  }
0xa8: {  	_ =	swait.ge @!p0 [sflag:s0], s1  }
0xa9: {  	s1 =	ssub.s32 @!p0 $0x0, s1;
	[sflag:s0] =	ssyncset.done @!p0 $0x0  }
0xaa: {  	[sflag:s0] =	ssyncadd.s32 @!p0 s1  }
0xab: {  	[bflag:$0x3] =	sbarrier.arrive $0xFFFF  }
0xac: {  	_ =	shalt  }

// kernel: scatter_offload_async_start.3
scs
__scs_entry_jumppad:
0x0: {  	(pc) =	sbr.rel $0x88, $3  }
0x1: {  	(tag) =	ssettag $0x0;
	lr =	simm.s32 $0x1  }
0x2: {  	[smem:$0x3F9C] =	sst lr;
	_ =	strace $0xD0000000  }
0x3: {  	_ = 	snop  }
0x4: {  	_ = 	snop  }
0x5: {  	_ = 	snop  }
0x6: {  	_ = 	snop  }
0x7: {  	_ = 	snop  }
__scs_overlays_trampoline_lowered:
0x8: {  	[smem:$0x3FAB] =	sst s0  }
0x9: {  	[smem:$0x3FAC] =	sst s1  }
0xa: {  	[smem:$0x3FAD] =	sst s2  }
0xb: {  	[smem:$0x3FAE] =	sst s3  }
0xc: {  	[smem:$0x3FAF] =	sst s4  }
0xd: {  	[smem:$0x3FB0] =	sst s5  }
0xe: {  	[smem:$0x3FB1] =	sst s6  }
0xf: {  	[smem:$0x3FB2] =	sst s7  }
0x10: {  	[smem:$0x3FB3] =	sst s8  }
0x11: {  	[smem:$0x3FB4] =	sst s9;
	s0 =	simm.s32 @!p0 $0x0  }
0x12: {  	s1 =	sld [smem:$0x3F9A];
	s0 =	simm.s32 @p0 $0x1  }
0x13: {  	[smem:$0x3FB5] =	sst s0;
	s0 =	simm.s32 @!p1 $0x0  }
0x14: {  	s2 =	sld [smem:$0x3F99];
	s0 =	simm.s32 @p1 $0x1  }
0x15: {  	[smem:$0x3FB6] =	sst s0;
	s0 =	simm.s32 @!p2 $0x0  }
0x16: {  	s3 =	sld [smem:$0x3FDB];
	s0 =	simm.s32 @p2 $0x1  }
0x17: {  	s4 =	simm.s32 $0x1BF5;
	[smem:$0x3FB8] =	sst s0  }
0x18: {  	s0 =	sld [smem:$0x3F9B];
	_ =	swait.ge [sflag:s4], $0x0  }
0x19: {  	s7 =	sld [smem:$0x3F9C]  }
0x1a: {  	s8 =	sadd.s32 $0xFFFFE003, lr  }
0x1b: {  	s9 =	sadd.s32 $0xFFFFFEF7, lr;
	s5 =	simm.s32 $0xFFFFFFFF;
	p2 =	slt.u32 s8, $0xFFFFF086  }
0x1c: {  	p1 =	slt.u32 s9, $0xF7A;
	s5 =	simm.s32 @!p2 $0x0  }
0x1d: {  	s5 =	simm.s32 @p1 $0x1;
	p0 =	seq.s32 s7, s2  }
0x1e: {  	s7 =	smul.u32 @!p0 $0xF7A, s2;
	p2 =	seq.s32 @!p0 s5, $0x0  }
0x1f: {  	s9 =	smul.u32 $0xF7A, s1;
	s8 =	simm.s32 @!p0 $0x1BF5;
	p2 =	por !p2, p0  }
0x20: {  	[sflag:s8] =	ssyncset.s32 @!p0 $0xFFFFF086;
	s6 =	sadd.s32 @!p0 s3, s7;
	s7 =	simm.s32 @!p0 $0x108  }
0x21: {  	s3 =	sadd.s32 s3, s9;
	s6 =	sadd.s32 @!p0 $0x88, s6;
	s7 =	simm.s32 @p2 $0x1082  }
0x22: {  	[simem:s7], [sflag:s8] =	dma.local @!p0 [hbm:s6], $0xF7A  }
0x23: {  	s9 =	sor.u32 $0xD0000000, s2;
	s6 =	simm.s32 $0x108;
	_ =	swait.ge @!p0 [sflag:s8], $0x0  }
0x24: {  	s3 =	sadd.s32 $0x88, s3;
	s6 =	simm.s32 @!p1 $0x1082;
	[sflag:s4] =	ssyncset.s32 $0xFFFFF086  }
0x25: {  	[simem:s6], [sflag:s4] =	dma.local [hbm:s3], $0xF7A  }
0x26: {  	[smem:$0x3F9C] =	sst s1;
	(tag) =	ssettag s2;
	_ =	strace s9  }
0x27: {  	s1 =	sld [smem:$0x3FAC]  }
0x28: {  	s2 =	sld [smem:$0x3FAD]  }
0x29: {  	s4 =	sld [smem:$0x3FAF]  }
0x2a: {  	p0 =	seq.s32 s5, $0x0;
	s5 =	sld [smem:$0x3FB0]  }
0x2b: {  	s6 =	sld [smem:$0x3FB1]  }
0x2c: {  	s7 =	sld [smem:$0x3FB2]  }
0x2d: {  	s3 =	simm.s32 $0x108;
	s8 =	sld [smem:$0x3FB3]  }
0x2e: {  	s3 =	simm.s32 @!p0 $0x1082;
	s9 =	sld [smem:$0x3FB4]  }
0x2f: {  	lr =	sadd.s32 s0, s3;
	s0 =	sld [smem:$0x3FAB]  }
0x30: {  	s3 =	sld [smem:$0x3FAE]  }
0x31: {  	[smem:$0x3FB7] =	sst s10  }
0x32: {  	s10 =	sld [smem:$0x3FB5];
	_ =	sdelay $0x3  }
0x33: {  	p0 =	seq.s32 s10, $0x1;
	s10 =	sld [smem:$0x3FB7];
	_ =	sdelay $0x3  }
0x34: {  	[smem:$0x3FB7] =	sst s10  }
0x35: {  	s10 =	sld [smem:$0x3FB6];
	_ =	sdelay $0x3  }
0x36: {  	p1 =	seq.s32 s10, $0x1;
	s10 =	sld [smem:$0x3FB7];
	_ =	sdelay $0x3  }
0x37: {  	[smem:$0x3FB7] =	sst s10  }
0x38: {  	s10 =	sld [smem:$0x3FB8]  }
0x39: {  	_ = 	snop;
	(pc) =	sbr.ind lr, $3  }
0x3a: {  	_ = 	snop  }
0x3b: {  	_ = 	snop  }
0x3c: {  	p2 =	seq.s32 s10, $0x1;
	s10 =	sld [smem:$0x3FB7]  }
0x3d: {  	_ =	shalt  }
0x3e: {  	_ =	shalt  }
0x3f: {  	_ =	shalt  }
0x40: {  	_ =	shalt  }
0x41: {  	_ =	shalt  }
0x42: {  	_ =	shalt  }
0x43: {  	_ =	shalt  }
0x44: {  	_ =	shalt  }
0x45: {  	_ =	shalt  }
0x46: {  	_ =	shalt  }
0x47: {  	_ =	shalt  }
0x48: {  	_ =	shalt  }
0x49: {  	_ =	shalt  }
0x4a: {  	_ =	shalt  }
0x4b: {  	_ =	shalt  }
0x4c: {  	_ =	shalt  }
0x4d: {  	_ =	shalt  }
0x4e: {  	_ =	shalt  }
0x4f: {  	_ =	shalt  }
0x50: {  	_ =	shalt  }
0x51: {  	_ =	shalt  }
0x52: {  	_ =	shalt  }
0x53: {  	_ =	shalt  }
0x54: {  	_ =	shalt  }
0x55: {  	_ =	shalt  }
0x56: {  	_ =	shalt  }
0x57: {  	_ =	shalt  }
0x58: {  	_ =	shalt  }
0x59: {  	_ =	shalt  }
0x5a: {  	_ =	shalt  }
0x5b: {  	_ =	shalt  }
0x5c: {  	_ =	shalt  }
0x5d: {  	_ =	shalt  }
0x5e: {  	_ =	shalt  }
0x5f: {  	_ =	shalt  }
0x60: {  	_ =	shalt  }
0x61: {  	_ =	shalt  }
0x62: {  	_ =	shalt  }
0x63: {  	_ =	shalt  }
0x64: {  	_ =	shalt  }
0x65: {  	_ =	shalt  }
0x66: {  	_ =	shalt  }
0x67: {  	_ =	shalt  }
0x68: {  	_ =	shalt  }
0x69: {  	_ =	shalt  }
0x6a: {  	_ =	shalt  }
0x6b: {  	_ =	shalt  }
0x6c: {  	_ =	shalt  }
0x6d: {  	_ =	shalt  }
0x6e: {  	_ =	shalt  }
0x6f: {  	_ =	shalt  }
0x70: {  	_ =	shalt  }
0x71: {  	_ =	shalt  }
0x72: {  	_ =	shalt  }
0x73: {  	_ =	shalt  }
0x74: {  	_ =	shalt  }
0x75: {  	_ =	shalt  }
0x76: {  	_ =	shalt  }
0x77: {  	_ =	shalt  }
0x78: {  	_ =	shalt  }
0x79: {  	_ =	shalt  }
0x7a: {  	_ =	shalt  }
0x7b: {  	_ =	shalt  }
0x7c: {  	_ =	shalt  }
0x7d: {  	_ =	shalt  }
0x7e: {  	_ =	shalt  }
0x7f: {  	_ =	shalt  }
0x80: {  	_ =	shalt  }
0x81: {  	_ =	shalt  }
0x82: {  	_ =	shalt  }
0x83: {  	_ =	shalt  }
0x84: {  	_ =	shalt  }
0x85: {  	_ =	shalt  }
0x86: {  	_ =	shalt  }
0x87: {  	_ =	shalt  }
.Lfunc_end0:
.L_simem_size_0:
called_computation.3_lowered:
.L_overlay_start_0:
0x88: {  	s0 =	sld [smem:$0x3FD9]  }
0x89: {  	s1 =	sld [smem:$0x3FFE];
	_ =	sdelay $0x3  }
0x8a: {  	s0 =	sadd.s32 s1, s0  }
0x8b: {  	[smem:$0x3FC3] =	sst s0  }
0x8c: {  	_ = 	snop  }
0x8d: {  	s0 =	sld [smem:$0x3FD0];
	_ =	sdelay $0x2  }
0x8e: {  	s2 =	simm.s32 $0xD;
	s12 =	simm.s32 $0x10  }
0x8f: {  	[smem:s12], [sflag:s2] =	dma.local [hbm:s0], $0x1  }
0x90: {  	_ =	swait.eq [sflag:s2], $0x1  }
0x91: {  	s3 =	sld [smem:$0x11];
	[sflag:s2] =	ssyncset.done $0x0  }
0x92: {  	s13 =	sld [smem:$0x12];
	[sflag:s2] =	ssyncadd.s32 $0xFFFFFFFF  }
0x93: {  	s14 =	sld [smem:$0x13];
	(tm) =	ssettm $0x1  }
0x94: {  	s15 =	sld [smem:$0x3FFB];
	_ =	sdelay $0x3  }
0x95: {  	_ =	strace s15  }
0x96: {  	s0 =	sld [smem:$0x3FFC];
	_ =	sdelay $0x3  }
0x97: {  	_ =	strace s0  }
0x98: {  	s0 =	sld [smem:$0x3FFD];
	_ =	sdelay $0x3  }
0x99: {  	_ =	strace s0  }
0x9a: {  	_ =	strace $0x8FFFFFFF  }
0x9b: {  	s16 =	sld [smem:$0x3FDB];
	_ =	sdelay $0x1  }
0x9c: {  	s4 =	simm.s32 $_scs_section_size  }
0x9d: {  	s5 =	simm.s32 $_size__tile_overlayer_lowered;
	s6 =	simm.s32 $_tile_overlayer_lowered  }
0x9e: {  	s7 =	simm.s32 $0x1BFF;
	s17 =	sshll.u32 s6, $0x1;
	s4 =	sadd.s32 s4, s16  }
0x9f: {  	s18 =	simm.s32 $0x0;
	s5 =	sshll.u32 s5, $0x1;
	s6 =	sadd.s32 s17, s4  }
0xa0: {  	[timem:s18], [sflag:s7] =	dma.local [hbm:s6], s5  }
0xa1: {  	_ =	swait.ge [sflag:s7], s5  }
0xa2: {  	s5 =	ssub.s32 $0x0, s5;
	[sflag:s7] =	ssyncset.done $0x0  }
0xa3: {  	[sflag:s7] =	ssyncadd.s32 s5;
	_ =	sdelay $0x1  }
0xa4: {  	s19 =	simm.s32 $0x1B8B  }
0xa5: {  	_ =	swait.ge [sflag:s19], $0x1  }
0xa6: {  	[sflag:s19] =	ssyncset.done $0x0  }
0xa7: {  	s21 =	simm.s32 $0x1B8E;
	s20 =	sld [smem:$0x3FFE];
	[sflag:s19] =	ssyncadd.s32 $0xFFFFFFFF  }
0xa8: {  	s22 =	simm.s32 $execute0_lowered;
	[smem:$0x3FD2] =	sst s21  }
0xa9: {  	s6 =	sshll.u32 s22, $0x1;
	_ =	strace $0x80000046;
	[dreg:$0x1] =	wrdreg $0xFFFFFFFF  }
0xaa: {  	s23 =	simm.s32 $_size_execute0_lowered;
	s6 =	sadd.s32 s4, s6;
	[dreg:$0x0] =	wrdreg $0x0  }
0xab: {  	s7 =	sshll.u32 s23, $0x1;
	[dreg:$0x2] =	wrdreg s6  }
0xac: {  	[dreg:$0x3] =	wrdreg s7  }
0xad: {  	[dreg:$0x4] =	wrdreg $0xC0  }
0xae: {  	s24 =	simm.s32 $execute1_lowered;
	_ =	task [dreg:s18], $0x5FFFF  }
0xaf: {  	s6 =	sshll.u32 s24, $0x1;
	[dreg:$0x1] =	wrdreg $0xFFFFFFFF  }
0xb0: {  	s4 =	sadd.s32 s4, s6;
	[dreg:$0x0] =	wrdreg $0x60  }
0xb1: {  	[dreg:$0x2] =	wrdreg s4  }
0xb2: {  	[dreg:$0x3] =	wrdreg s3  }
0xb3: {  	[dreg:$0x4] =	wrdreg s20  }
0xb4: {  	[dreg:$0x5] =	wrdreg $0xB  }
0xb5: {  	_ =	task.clear_ibuf [dreg:s18], $0x6FFFF;
	_ =	strace $0x90000046  }
0xb6: {  	s25 =	simm.s32 $0xB;
	_ =	strace $0x80000048  }
0xb7: {  	_ =	swait.ge [sflag:s25], $0x1  }
0xb8: {  	[sflag:s25] =	ssyncadd.s32 $0xFFFFFFFF  }
0xb9: {  	_ =	strace $0x90000048  }
0xba: {  	_ =	strace $0x80000049;
	[dreg:$0x1] =	wrdreg $0xFFFFFFFF  }
0xbb: {  	[dreg:$0x0] =	wrdreg $0x2030  }
0xbc: {  	[dreg:$0x2] =	wrdreg s20  }
0xbd: {  	[dreg:$0x3] =	wrdreg s14  }
0xbe: {  	[dreg:$0x4] =	wrdreg s13  }
0xbf: {  	[dreg:$0x5] =	wrdreg $0xC  }
0xc0: {  	_ =	task.clear_ibuf [dreg:s18], $0x6FFFF;
	_ =	strace $0x90000049  }
0xc1: {  	s26 =	simm.s32 $0xC;
	_ =	strace $0x8000004B  }
0xc2: {  	_ =	swait.ge [sflag:s26], $0x1  }
0xc3: {  	[sflag:s26] =	ssyncadd.s32 $0xFFFFFFFF  }
0xc4: {  	_ =	strace $0x9000004B  }
0xc5: {  	_ =	sfence  }
0xc6: {  	s28 =	sld [smem:$0x0];
	_ =	sdelay $0x1  }
0xc7: {  	s29 =	srdreg.scid  }
0xc8: {  	s30 =	sshll.u32 s29, $0xD;
	s31 =	sshrl.u32 s29, $0x2  }
0xc9: {  	s2 =	sand.u32 $0x1, s29;
	s3 =	sand.u32 $0x4000, s30;
	s1 =	sadd.s32 s31, s28  }
0xca: {  	s2 =	sor.u32 s3, s2;
	s1 =	sshll.u32 s1, $0x11  }
0xcb: {  	s1 =	sor.u32 s1, s2  }
0xcc: {  	s1 =	sadd.s32 $0x8F2B, s1  }
0xcd: {  	[sflag:s1] =	ssyncadd.remote.s32 $0x1  }
0xce: {  	_ =	sfence.sel $0xFFFF  }
0xcf: {  	[dreg:$0x0] =	wrdreg $0xFFFFFFFF;
	(pc) =	sbr.abs _section_cstart, $3  }
0xd0: {  	[dreg:$0x1] =	wrdreg $0xFFFFFFFF  }
0xd1: {  	_ =	task.clear_ibuf [dreg:s18], $0x2FFFF;
	_ =	strace $0x9FFFFFFF  }
0xd2: {  	(tm) =	ssettm $0x7FFFFFFF  }
0xd3: {  	_ =	shalt  }
tec
execute0_lowered:
.L_overlay_start_1:
0x0: {  	(tag) =	ssettag $0x1  }
0x1: {  	s2 =	rddreg [dreg:$0x0]  }
0x2: {  	s5 =	rddreg [dreg:$0x1]  }
0x3: {  	s4 =	rddreg [dreg:$0x2]  }
0x4: {  	s0 =	rddreg [dreg:$0x3];
	s3 =	stileid.u32  }
0x5: {  	[bflag:$0x3] =	sbarrier.arrive $0xFFFF;
	s1 =	simm.s32 $_size_execute1_lowered;
	p0 =	sne.s32 s3, $0x0  }
0x6: {  	s1 =	sshll.u32 s1, $0x1;
	s6 =	simm.s32 @!p0 $0x1C3F;
	s7 =	simm.s32 @!p0 $0x4060  }
0x7: {  	[timem:s7], [sflag:s6] =	dma.local @!p0 [hbm:s2], s1  }
.Ltmp0:
0x8: {  	s30 =	simm.s32 $0x2;
	s8 =	simm.s32 $0x780;
	(pc) =	sbr.rel .LBB2_1-.Ltmp0, $4  }
0x9: {  	s10 =	simm.s32 $0x0;
	s9 =	simm.s32 $0x0;
	s2 =	smul.u32 $0x280, s3  }
0xa: {  	s4 =	sadd.s32 $0x80600, s4;
	s3 =	simm.s32 $0x1;
	_ =	strace $0x80000047  }
0xb: {  	s6 =	simm.s32 $0x0;
	[sflag:s3] =	ssyncpa.u1 $0x0;
	s31 =	sshrl.u32 s2, $0x3  }
0xc: {  	s7 =	simm.s32 $0x280;
	[sflag:s30] =	ssyncpa.u1 $0x0;
	s5 =	sadd.s32 s31, s5  }
.LBB2_8:
0xd: {  	p1 =	seq.s32 s9, $0x2  }
.Ltmp1:
0xe: {  	_ = 	snop;
	(pc) =	sbr.rel @p1 .LBB2_10-.Ltmp1, $1  }
0xf: {  	_ =	sdelay $0x3  }
.LBB2_9:
0x10: {  	s9 =	sadd.s32 $0x1, s9;
	s10 =	smov.u32 s2  }
.LBB2_1:
0x11: {  	p1 =	sne.s32 s9, $0x0  }
.Ltmp2:
0x12: {  	_ = 	snop;
	(pc) =	sbr.rel @!p1 .LBB2_2-.Ltmp2, $1  }
0x13: {  	_ =	sdelay $0x3  }
0x14: {  	s11 =	sand.u32 $0x1, s9  }
0x15: {  	p1 =	seq.s32 s11, $0x0  }
.Ltmp3:
0x16: {  	_ = 	snop;
	(pc) =	sbr.rel @p1 .LBB2_8-.Ltmp3, $1  }
0x17: {  	_ =	sdelay $0x3  }
0x18: {  	_ =	swait.ge [sflag:s3], $0x280  }
0x19: {  	[sflag:s3] =	ssyncset.done $0x0  }
0x1a: {  	s11 =	simm.s32 $0x0;
	p1 =	por $0x1, $0x1;
	[sflag:s3] =	ssyncadd.s32 $0xFFFFFD80  }
.LBB2_5:
0x1b: {  	v0 =	vld [tilespmem:s11+$0x280]  }
0x1c: {  	v1 =	vld [tilespmem:s11+$0x290]  }
0x1d: {  	v2 =	vld [tilespmem:s11+$0x2A0]  }
0x1e: {  	v3 =	vld [tilespmem:s11+$0x2B0]  }
0x1f: {  	v4 =	vld [tilespmem:s11+$0x2C0]  }
0x20: {  	v53 =	vld [tilespmem:s11+$0x2D0];
	[tilespmem:s11+$0x780] =	vst v0  }
0x21: {  	v54 =	vld [tilespmem:s11+$0x2E0];
	[tilespmem:s11+$0x790] =	vst v1  }
0x22: {  	v55 =	vld [tilespmem:s11+$0x2F0];
	[tilespmem:s11+$0x7A0] =	vst v2  }
0x23: {  	v56 =	vld [tilespmem:s11+$0x300];
	[tilespmem:s11+$0x7B0] =	vst v3  }
0x24: {  	v57 =	vld [tilespmem:s11+$0x310];
	[tilespmem:s11+$0x7C0] =	vst v4  }
0x25: {  	v58 =	vld [tilespmem:s11+$0x320];
	[tilespmem:s11+$0x7D0] =	vst v53  }
0x26: {  	v59 =	vld [tilespmem:s11+$0x330];
	[tilespmem:s11+$0x7E0] =	vst v54  }
0x27: {  	v60 =	vld [tilespmem:s11+$0x340];
	[tilespmem:s11+$0x7F0] =	vst v55  }
0x28: {  	v61 =	vld [tilespmem:s11+$0x350];
	[tilespmem:s11+$0x800] =	vst v56  }
0x29: {  	v62 =	vld [tilespmem:s11+$0x360];
	[tilespmem:s11+$0x810] =	vst v57  }
0x2a: {  	v63 =	vld [tilespmem:s11+$0x370];
	p2 =	por p1, p1;
	[tilespmem:s11+$0x820] =	vst v58  }
.Ltmp4:
0x2b: {  	[tilespmem:s11+$0x830] =	vst v59;
	(pc) =	sbr.rel @p2 .LBB2_5-.Ltmp4, $4  }
0x2c: {  	[tilespmem:s11+$0x840] =	vst v60  }
0x2d: {  	[tilespmem:s11+$0x850] =	vst v61  }
0x2e: {  	s12 =	simm.s32 $0x1F0;
	s13 =	simm.s32 $0x980;
	[tilespmem:s11+$0x860] =	vst v62  }
0x2f: {  	s14 =	simm.s32 $0x480;
	p1 =	por $0x0, $0x0;
	[tilespmem:s11+$0x870] =	vst v63;
	s11 =	simm.s32 $0x100  }
.LBB2_6:
0x30: {  	s12 =	sadd.s32 $0x10, s12  }
0x31: {  	v0 =	vld [tilespmem:s14+$0x0];
	p1 =	slt.u32 s12, $0x270  }
.Ltmp5:
0x32: {  	_ = 	snop;
	(pc) =	sbr.rel @p1 .LBB2_6-.Ltmp5, $2  }
0x33: {  	_ =	sdelay $0x2  }
0x34: {  	s14 =	sadd.s32 $0x10, s14;
	[tilespmem:s13+$0x0] =	vst v0;
	s13 =	sadd.s32 $0x10, s13  }
.Ltmp6:
0x35: {  	(pc) =	sbr.rel .LBB2_8-.Ltmp6, $4  }
0x36: {  	_ = 	snop  }
0x37: {  	s10 =	sshrl.u32 s10, $0x3  }
0x38: {  	s10 =	sadd.s32 s4, s10  }
0x39: {  	[hbm4b:s10+s6] =	stream.linear.scatter [tilespmem:s8], [sflag:$0x2], $0x280, $0x38;
	[tilespmem:$0xA00] =	vst v63  }
.LBB2_2:
.Ltmp7:
0x3a: {  	(pc) =	sbr.rel .LBB2_9-.Ltmp7, $2  }
0x3b: {  	_ =	sdelay $0x2  }
0x3c: {  	[tilespmem:s7], [sflag:$0x1] =	stream.linear.gather [hbm4b:s5+s6], $0x280, $0x38;
	[tilespmem:$0xA00] =	vst v63  }
.LBB2_10:
0x3d: {  	s2 =	simm.s32 $0x2  }
0x3e: {  	_ =	swait.ge [sflag:s2], $0x280  }
0x3f: {  	[sflag:s2] =	ssyncset.done $0x0  }
0x40: {  	[sflag:s2] =	ssyncadd.s32 $0xFFFFFD80  }
0x41: {  	_ =	sfence.sel $0x180000  }
0x42: {  	s3 =	simm.s32 $0x1;
	[bflag:$0x0] =	sbarrier.arrive $0xFFFF  }
0x43: {  	[sflag:s3] =	ssyncpa.u1 $0x1  }
0x44: {  	[sflag:s2] =	ssyncpa.u1 $0x1  }
0x45: {  	_ =	strace $0x90000047  }
0x46: {  	s0 =	sadd.s32 @!p0 $0x100000, s0;
	[bflag:$0x2] =	sbarrier.arrive $0xFFFF  }
0x47: {  	[sflag:s0] =	ssyncadd.tile.s32 @!p0 $0x1;
	s0 =	simm.s32 @!p0 $0x3F  }
0x48: {  	_ =	swait.ge @!p0 [sflag:s0], s1  }
0x49: {  	s1 =	ssub.s32 @!p0 $0x0, s1;
	[sflag:s0] =	ssyncset.done @!p0 $0x0  }
0x4a: {  	[sflag:s0] =	ssyncadd.s32 @!p0 s1  }
0x4b: {  	[bflag:$0x3] =	sbarrier.arrive $0xFFFF  }
0x4c: {  	_ =	shalt  }
.Lfunc_end2:
execute1_lowered:
.L_overlay_start_2:
0x4d: {  	(tag) =	ssettag $0x2  }
0x4e: {  	s1 =	rddreg [dreg:$0x0]  }
0x4f: {  	s2 =	rddreg [dreg:$0x1]  }
0x50: {  	s3 =	rddreg [dreg:$0x2]  }
0x51: {  	s0 =	rddreg [dreg:$0x3]  }
0x52: {  	_ =	strace $0x8000004A;
	s5 =	stileid.u32;
	s6 =	simm.s32 $0x3E  }
0x53: {  	s1 =	sadd.s32 $0x80600, s1;
	p0 =	sne.s32 s5, $0x0;
	[sflag:s6] =	ssyncpa.u1 $0x0  }
0x54: {  	s30 =	smin.u32 s5, $0x4;
	s4 =	simm.s32 @!p0 $0x1C3E;
	s7 =	simm.s32 @!p0 $0x0  }
0x55: {  	[spmem:s7], [sflag:s4] =	dma.local @!p0 [hbm:s1], $0x500  }
0x56: {  	s4 =	sadd.s32 s5, s30  }
0x57: {  	p1 =	slt.u32 s5, $0x4;
	s5 =	simm.s32 $0x3E80;
	s4 =	smul.u32 $0x1F40, s4  }
0x58: {  	s5 =	simm.s32 @!p1 $0x1F40  }
0x59: {  	s5 =	sadd.s32 s5, s4  }
0x5a: {  	s5 =	smin.u32 s5, $0x27100  }
0x5b: {  	s8 =	ssub.s32 s5, s4  }
0x5c: {  	p1 =	sgt.s32 s8, $0x0  }
0x5d: {  	s8 =	simm.s32 @!p1 $0x0  }
0x5e: {  	s7 =	simm.s32 @!p0 $0x3E;
	s31 =	smulhi.u32 $0x10624DD3, s8  }
0x5f: {  	_ =	swait.ge @!p0 [sflag:s7], $0x500  }
0x60: {  	[sflag:s7] =	ssyncset.done @!p0 $0x0;
	s9 =	sshrl.u32 s31, $0x9  }
0x61: {  	[sflag:s7] =	ssyncadd.s32 @!p0 $0xFFFFFB00;
	s10 =	smul.u32 $0x1F40, s9  }
.Ltmp8:
0x62: {  	s11 =	simm.s32 $0x0;
	[bflag:$0x0] =	sbarrier.arrive $0xFFFF;
	(pc) =	sbr.rel .LBB3_1-.Ltmp8, $4  }
0x63: {  	s7 =	simm.s32 $0x2;
	[sflag:s6] =	ssyncpa.u1 $0x1;
	s6 =	simm.s32 $0x1  }
0x64: {  	[sflag:s6] =	ssyncpa.u1 $0x0;
	p1 =	sne.s32 s8, s10;
	s8 =	simm.s32 $0x1  }
0x65: {  	(ifvalue) =	ssetifvalue $0x2800;
	[sflag:s7] =	ssyncpa.u1 $0x0;
	s8 =	simm.s32 @!p1 $0x0  }
0x66: {  	vm0 =	vmmov $0xffff;
	s10 =	smov.u32 s4;
	s8 =	sadd.s32 s8, s9;
	s9 =	simm.s32 $0x0  }
.LBB3_5:
0x67: {  	p2 =	sne.s32 s11, s8  }
.Ltmp9:
0x68: {  	_ = 	snop;
	(pc) =	sbr.rel @!p2 .LBB3_6-.Ltmp9, $4  }
0x69: {  	_ = 	snop  }
0x6a: {  	s12 =	sadd.s32 $0x1F40, s10  }
0x6b: {  	s10 =	smov.u32 s4;
	s13 =	sadd.s32 $0x1, s11;
	p1 =	slt.s32 s12, s5  }
0x6c: {  	s11 =	smov.u32 s13;
	s10 =	smov.u32 @p1 s12  }
.LBB3_1:
0x6d: {  	p1 =	sge.u32 s11, s8  }
0x6e: {  	s12 =	sxor.u32 @!p1 $0xFFFFFFFF, s11  }
0x6f: {  	s12 =	sand.u32 @!p1 $0x1, s12  }
0x70: {  	s12 =	smul.u32 @!p1 $0x1F40, s12  }
0x71: {  	s13 =	sshrl.u32 @!p1 s10, $0x3  }
0x72: {  	s16 =	sand.u32 @!p1 $0x7, s10;
	s14 =	sadd.s32 @!p1 s2, s13;
	s15 =	sadd.s32 @!p1 $0x280, s12  }
0x73: {  	[tilespmem:s15], [sflag:$0x2] =	stream.linear.gather @!p1 [hbm4b:s14+s16], $0x1F40, $0x38;
	[tilespmem:$0x7F80] =	vst v63  }
0x74: {  	s13 =	sadd.s32 @!p1 s3, s13;
	s12 =	sadd.s32 @!p1 $0x4100, s12  }
0x75: {  	[tilespmem:s12], [sflag:$0x2] =	stream.linear.gather @!p1 [hbm4b:s13+s16], $0x1F40, $0x38;
	[tilespmem:$0x7F80] =	vst v63  }
0x76: {  	p1 =	seq.s32 s11, $0x0  }
.Ltmp10:
0x77: {  	_ = 	snop;
	(pc) =	sbr.rel @p1 .LBB3_5-.Ltmp10, $1  }
0x78: {  	_ =	sdelay $0x3  }
0x79: {  	s12 =	sand.u32 $0x1, s11  }
0x7a: {  	_ =	swait.ge [sflag:s7], $0x3E80;
	p1 =	seq.s32 s12, $0x1;
	s12 =	simm.s32 $0x1F40  }
0x7b: {  	[sflag:s7] =	ssyncset.done $0x0;
	s12 =	simm.s32 @!p1 $0x0  }
0x7c: {  	[sflag:s7] =	ssyncadd.s32 $0xFFFFC180;
	s14 =	sadd.s32 $0x280, s12  }
0x7d: {  	v0 =	vld.msk [tilespmem:s14+$0x0 ss:$0x1], $0xffff;
	_ =	sdelay $0x4  }
0x7e: {  	v0 =	vmin.u32 v0, $0x2800;
	_ =	sdelay $0x3  }
0x7f: {  	s13 =	simm.s32 $0x0;
	s12 =	sadd.s32 $0x4100, s12;
	s14 =	sadd.s32 $0x10, s14  }
0x80: {  	[spmem:s9] =	stream.indirect_vreg.scatter.add.s32 [tilespmem:s12], [sflag:$0x1], $0x1, v0, vm0, $0x4038;
	[tilespmem:$0x7F80] =	vst v63  }
.LBB3_3:
0x81: {  	v0 =	vld.msk [tilespmem:s14+$0x0 ss:$0x1], $0xffff;
	s13 =	sadd.s32 $0x10, s13  }
0x82: {  	p1 =	slt.u32 s13, $0x1F30;
	_ =	sdelay $0x4  }
0x83: {  	v0 =	vmin.u32 v0, $0x2800  }
.Ltmp11:
0x84: {  	(pc) =	sbr.rel @p1 .LBB3_3-.Ltmp11, $3  }
0x85: {  	_ =	sdelay $0x1  }
0x86: {  	s14 =	sadd.s32 $0x10, s14;
	s12 =	sadd.s32 $0x10, s12  }
0x87: {  	[spmem:s9] =	stream.indirect_vreg.scatter.add.s32 [tilespmem:s12], [sflag:$0x1], $0x1, v0, vm0, $0x4038;
	[tilespmem:$0x7F80] =	vst v63  }
.Ltmp12:
0x88: {  	(pc) =	sbr.rel .LBB3_5-.Ltmp12, $4  }
0x89: {  	_ = 	snop  }
0x8a: {  	_ =	swait.ge [sflag:s6], $0x1F40  }
0x8b: {  	[sflag:s6] =	ssyncset.done $0x0  }
0x8c: {  	[sflag:s6] =	ssyncadd.s32 $0xFFFFE0C0  }
.LBB3_6:
0x8d: {  	_ =	sfence.sel $0x180000  }
0x8e: {  	s2 =	simm.s32 $0x2;
	[bflag:$0x0] =	sbarrier.arrive $0xFFFF  }
0x8f: {  	s30 =	simm.s32 $0x1;
	[sflag:s2] =	ssyncpa.u1 $0x1  }
0x90: {  	[sflag:s30] =	ssyncpa.u1 $0x1  }
0x91: {  	_ =	sfence.stream.spmem  }
0x92: {  	s31 =	simm.s32 $0x3D;
	[bflag:$0x0] =	sbarrier.arrive $0xFFFF  }
0x93: {  	s2 =	simm.s32 @p0 $0x3D;
	[sflag:s31] =	ssyncpa.u1 $0x0  }
0x94: {  	[sflag:s2] =	ssyncpa.u1 @p0 $0x1  }
0x95: {  	[bflag:$0x0] =	sbarrier.arrive @p0 $0xFFFF  }
0x96: {  	_ =	strace @p0 $0x9000004A  }
0x97: {  	s3 =	simm.s32 @!p0 $0x1C3D;
	s2 =	simm.s32 @!p0 $0x0;
	[bflag:$0x2] =	sbarrier.arrive @p0 $0xFFFF  }
0x98: {  	[hbm:s1], [sflag:s3] =	dma.local @!p0 [spmem:s2], $0x500  }
0x99: {  	s1 =	simm.s32 @!p0 $0x3D  }
0x9a: {  	_ =	swait.ge @!p0 [sflag:s1], $0x500  }
0x9b: {  	[sflag:s1] =	ssyncset.done @!p0 $0x0  }
0x9c: {  	[sflag:s1] =	ssyncadd.s32 @!p0 $0xFFFFFB00  }
0x9d: {  	[sflag:s1] =	ssyncpa.u1 @!p0 $0x1  }
0x9e: {  	[bflag:$0x0] =	sbarrier.arrive @!p0 $0xFFFF  }
0x9f: {  	_ =	strace @!p0 $0x9000004A  }
0xa0: {  	s0 =	sadd.s32 @!p0 $0x100000, s0;
	[bflag:$0x2] =	sbarrier.arrive @!p0 $0xFFFF  }
0xa1: {  	[sflag:s0] =	ssyncadd.tile.s32 @!p0 $0x1;
	_ =	shalt  }
.Lfunc_end3:
_tile_overlayer_lowered:
.L_overlay_start_3:
0xa2: {  	(tag) =	ssettag $0x3  }
0xa3: {  	s0 =	rddreg [dreg:$0x0];
	s2 =	stileid.u32  }
0xa4: {  	s1 =	rddreg [dreg:$0x1];
	p0 =	sne.s32 s2, $0x0  }
0xa5: {  	s3 =	rddreg [dreg:$0x2];
	[bflag:$0x3] =	sbarrier.arrive $0xFFFF;
	s2 =	simm.s32 @!p0 $0x1C01  }
0xa6: {  	[timem:s3], [sflag:s2] =	dma.local @!p0 [hbm:s0], s1  }
0xa7: {  	s0 =	simm.s32 @!p0 $0x1  }
0xa8: {  	_ =	swait.ge @!p0 [sflag:s0], s1  }
0xa9: {  	s1 =	ssub.s32 @!p0 $0x0, s1;
	[sflag:s0] =	ssyncset.done @!p0 $0x0  }
0xaa: {  	[sflag:s0] =	ssyncadd.s32 @!p0 s1  }
0xab: {  	[bflag:$0x3] =	sbarrier.arrive $0xFFFF  }
0xac: {  	_ =	shalt  }

// kernel: scatter_offload_async_start
scs
__scs_entry_jumppad:
0x0: {  	(pc) =	sbr.rel $0x88, $3  }
0x1: {  	(tag) =	ssettag $0x0;
	lr =	simm.s32 $0x1  }
0x2: {  	[smem:$0x3F9C] =	sst lr;
	_ =	strace $0xD0000000  }
0x3: {  	_ = 	snop  }
0x4: {  	_ = 	snop  }
0x5: {  	_ = 	snop  }
0x6: {  	_ = 	snop  }
0x7: {  	_ = 	snop  }
__scs_overlays_trampoline_lowered:
0x8: {  	[smem:$0x3FAB] =	sst s0  }
0x9: {  	[smem:$0x3FAC] =	sst s1  }
0xa: {  	[smem:$0x3FAD] =	sst s2  }
0xb: {  	[smem:$0x3FAE] =	sst s3  }
0xc: {  	[smem:$0x3FAF] =	sst s4  }
0xd: {  	[smem:$0x3FB0] =	sst s5  }
0xe: {  	[smem:$0x3FB1] =	sst s6  }
0xf: {  	[smem:$0x3FB2] =	sst s7  }
0x10: {  	[smem:$0x3FB3] =	sst s8  }
0x11: {  	[smem:$0x3FB4] =	sst s9;
	s0 =	simm.s32 @!p0 $0x0  }
0x12: {  	s1 =	sld [smem:$0x3F9A];
	s0 =	simm.s32 @p0 $0x1  }
0x13: {  	[smem:$0x3FB5] =	sst s0;
	s0 =	simm.s32 @!p1 $0x0  }
0x14: {  	s2 =	sld [smem:$0x3F99];
	s0 =	simm.s32 @p1 $0x1  }
0x15: {  	[smem:$0x3FB6] =	sst s0;
	s0 =	simm.s32 @!p2 $0x0  }
0x16: {  	s3 =	sld [smem:$0x3FDB];
	s0 =	simm.s32 @p2 $0x1  }
0x17: {  	s4 =	simm.s32 $0x1BF5;
	[smem:$0x3FB8] =	sst s0  }
0x18: {  	s0 =	sld [smem:$0x3F9B];
	_ =	swait.ge [sflag:s4], $0x0  }
0x19: {  	s7 =	sld [smem:$0x3F9C]  }
0x1a: {  	s8 =	sadd.s32 $0xFFFFE003, lr  }
0x1b: {  	s9 =	sadd.s32 $0xFFFFFEF7, lr;
	s5 =	simm.s32 $0xFFFFFFFF;
	p2 =	slt.u32 s8, $0xFFFFF086  }
0x1c: {  	p1 =	slt.u32 s9, $0xF7A;
	s5 =	simm.s32 @!p2 $0x0  }
0x1d: {  	s5 =	simm.s32 @p1 $0x1;
	p0 =	seq.s32 s7, s2  }
0x1e: {  	s7 =	smul.u32 @!p0 $0xF7A, s2;
	p2 =	seq.s32 @!p0 s5, $0x0  }
0x1f: {  	s9 =	smul.u32 $0xF7A, s1;
	s8 =	simm.s32 @!p0 $0x1BF5;
	p2 =	por !p2, p0  }
0x20: {  	[sflag:s8] =	ssyncset.s32 @!p0 $0xFFFFF086;
	s6 =	sadd.s32 @!p0 s3, s7;
	s7 =	simm.s32 @!p0 $0x108  }
0x21: {  	s3 =	sadd.s32 s3, s9;
	s6 =	sadd.s32 @!p0 $0x88, s6;
	s7 =	simm.s32 @p2 $0x1082  }
0x22: {  	[simem:s7], [sflag:s8] =	dma.local @!p0 [hbm:s6], $0xF7A  }
0x23: {  	s9 =	sor.u32 $0xD0000000, s2;
	s6 =	simm.s32 $0x108;
	_ =	swait.ge @!p0 [sflag:s8], $0x0  }
0x24: {  	s3 =	sadd.s32 $0x88, s3;
	s6 =	simm.s32 @!p1 $0x1082;
	[sflag:s4] =	ssyncset.s32 $0xFFFFF086  }
0x25: {  	[simem:s6], [sflag:s4] =	dma.local [hbm:s3], $0xF7A  }
0x26: {  	[smem:$0x3F9C] =	sst s1;
	(tag) =	ssettag s2;
	_ =	strace s9  }
0x27: {  	s1 =	sld [smem:$0x3FAC]  }
0x28: {  	s2 =	sld [smem:$0x3FAD]  }
0x29: {  	s4 =	sld [smem:$0x3FAF]  }
0x2a: {  	p0 =	seq.s32 s5, $0x0;
	s5 =	sld [smem:$0x3FB0]  }
0x2b: {  	s6 =	sld [smem:$0x3FB1]  }
0x2c: {  	s7 =	sld [smem:$0x3FB2]  }
0x2d: {  	s3 =	simm.s32 $0x108;
	s8 =	sld [smem:$0x3FB3]  }
0x2e: {  	s3 =	simm.s32 @!p0 $0x1082;
	s9 =	sld [smem:$0x3FB4]  }
0x2f: {  	lr =	sadd.s32 s0, s3;
	s0 =	sld [smem:$0x3FAB]  }
0x30: {  	s3 =	sld [smem:$0x3FAE]  }
0x31: {  	[smem:$0x3FB7] =	sst s10  }
0x32: {  	s10 =	sld [smem:$0x3FB5];
	_ =	sdelay $0x3  }
0x33: {  	p0 =	seq.s32 s10, $0x1;
	s10 =	sld [smem:$0x3FB7];
	_ =	sdelay $0x3  }
0x34: {  	[smem:$0x3FB7] =	sst s10  }
0x35: {  	s10 =	sld [smem:$0x3FB6];
	_ =	sdelay $0x3  }
0x36: {  	p1 =	seq.s32 s10, $0x1;
	s10 =	sld [smem:$0x3FB7];
	_ =	sdelay $0x3  }
0x37: {  	[smem:$0x3FB7] =	sst s10  }
0x38: {  	s10 =	sld [smem:$0x3FB8]  }
0x39: {  	_ = 	snop;
	(pc) =	sbr.ind lr, $3  }
0x3a: {  	_ = 	snop  }
0x3b: {  	_ = 	snop  }
0x3c: {  	p2 =	seq.s32 s10, $0x1;
	s10 =	sld [smem:$0x3FB7]  }
0x3d: {  	_ =	shalt  }
0x3e: {  	_ =	shalt  }
0x3f: {  	_ =	shalt  }
0x40: {  	_ =	shalt  }
0x41: {  	_ =	shalt  }
0x42: {  	_ =	shalt  }
0x43: {  	_ =	shalt  }
0x44: {  	_ =	shalt  }
0x45: {  	_ =	shalt  }
0x46: {  	_ =	shalt  }
0x47: {  	_ =	shalt  }
0x48: {  	_ =	shalt  }
0x49: {  	_ =	shalt  }
0x4a: {  	_ =	shalt  }
0x4b: {  	_ =	shalt  }
0x4c: {  	_ =	shalt  }
0x4d: {  	_ =	shalt  }
0x4e: {  	_ =	shalt  }
0x4f: {  	_ =	shalt  }
0x50: {  	_ =	shalt  }
0x51: {  	_ =	shalt  }
0x52: {  	_ =	shalt  }
0x53: {  	_ =	shalt  }
0x54: {  	_ =	shalt  }
0x55: {  	_ =	shalt  }
0x56: {  	_ =	shalt  }
0x57: {  	_ =	shalt  }
0x58: {  	_ =	shalt  }
0x59: {  	_ =	shalt  }
0x5a: {  	_ =	shalt  }
0x5b: {  	_ =	shalt  }
0x5c: {  	_ =	shalt  }
0x5d: {  	_ =	shalt  }
0x5e: {  	_ =	shalt  }
0x5f: {  	_ =	shalt  }
0x60: {  	_ =	shalt  }
0x61: {  	_ =	shalt  }
0x62: {  	_ =	shalt  }
0x63: {  	_ =	shalt  }
0x64: {  	_ =	shalt  }
0x65: {  	_ =	shalt  }
0x66: {  	_ =	shalt  }
0x67: {  	_ =	shalt  }
0x68: {  	_ =	shalt  }
0x69: {  	_ =	shalt  }
0x6a: {  	_ =	shalt  }
0x6b: {  	_ =	shalt  }
0x6c: {  	_ =	shalt  }
0x6d: {  	_ =	shalt  }
0x6e: {  	_ =	shalt  }
0x6f: {  	_ =	shalt  }
0x70: {  	_ =	shalt  }
0x71: {  	_ =	shalt  }
0x72: {  	_ =	shalt  }
0x73: {  	_ =	shalt  }
0x74: {  	_ =	shalt  }
0x75: {  	_ =	shalt  }
0x76: {  	_ =	shalt  }
0x77: {  	_ =	shalt  }
0x78: {  	_ =	shalt  }
0x79: {  	_ =	shalt  }
0x7a: {  	_ =	shalt  }
0x7b: {  	_ =	shalt  }
0x7c: {  	_ =	shalt  }
0x7d: {  	_ =	shalt  }
0x7e: {  	_ =	shalt  }
0x7f: {  	_ =	shalt  }
0x80: {  	_ =	shalt  }
0x81: {  	_ =	shalt  }
0x82: {  	_ =	shalt  }
0x83: {  	_ =	shalt  }
0x84: {  	_ =	shalt  }
0x85: {  	_ =	shalt  }
0x86: {  	_ =	shalt  }
0x87: {  	_ =	shalt  }
.Lfunc_end0:
.L_simem_size_0:
called_computation_lowered:
.L_overlay_start_0:
0x88: {  	s2 =	sld [smem:$0x3FD9]  }
0x89: {  	s3 =	sld [smem:$0x3FFE];
	_ =	sdelay $0x1  }
0x8a: {  	s1 =	srdreg.scid  }
0x8b: {  	s0 =	sand.u32 $0x1, s1  }
0x8c: {  	s13 =	sshll.u32 s0, $0xA;
	s2 =	sadd.s32 s3, s2  }
0x8d: {  	s2 =	sadd.s32 s2, s13  }
0x8e: {  	[smem:$0x3FC3] =	sst s2  }
0x8f: {  	_ = 	snop  }
0x90: {  	s2 =	sld [smem:$0x3FD0];
	_ =	sdelay $0x2  }
0x91: {  	s14 =	simm.s32 $0xD;
	s4 =	simm.s32 $0x10  }
0x92: {  	[smem:s4], [sflag:s14] =	dma.local [hbm:s2], $0x1  }
0x93: {  	_ =	swait.eq [sflag:s14], $0x1  }
0x94: {  	[sflag:s14] =	ssyncset.done $0x0  }
0x95: {  	s15 =	sld [smem:$0x11];
	[sflag:s14] =	ssyncadd.s32 $0xFFFFFFFF  }
0x96: {  	s16 =	sld [smem:$0x14];
	(tm) =	ssettm $0x1  }
0x97: {  	s17 =	sld [smem:$0x3FFB];
	_ =	sdelay $0x3  }
0x98: {  	_ =	strace s17  }
0x99: {  	s4 =	sld [smem:$0x3FFC];
	_ =	sdelay $0x3  }
0x9a: {  	_ =	strace s4  }
0x9b: {  	s4 =	sld [smem:$0x3FFD];
	_ =	sdelay $0x3  }
0x9c: {  	_ =	strace s4  }
0x9d: {  	_ =	strace $0x8FFFFFFF  }
0x9e: {  	s18 =	sld [smem:$0x3FDB];
	_ =	sdelay $0x1  }
0x9f: {  	s5 =	simm.s32 $_scs_section_size  }
0xa0: {  	s6 =	simm.s32 $_size__tile_overlayer_lowered;
	s7 =	simm.s32 $_tile_overlayer_lowered  }
0xa1: {  	s21 =	simm.s32 $0x1BFF;
	s20 =	sshll.u32 s7, $0x1;
	s4 =	sadd.s32 s5, s18  }
0xa2: {  	s8 =	simm.s32 $0x0;
	s19 =	sshll.u32 s6, $0x1;
	s6 =	sadd.s32 s20, s4  }
0xa3: {  	[timem:s8], [sflag:s21] =	dma.local [hbm:s6], s19  }
0xa4: {  	_ =	swait.ge [sflag:s21], s19  }
0xa5: {  	s5 =	ssub.s32 $0x0, s19;
	[sflag:s21] =	ssyncset.done $0x0  }
0xa6: {  	[sflag:s21] =	ssyncadd.s32 s5;
	_ =	sdelay $0x1  }
0xa7: {  	s22 =	simm.s32 $0x1B8B  }
0xa8: {  	_ =	swait.ge [sflag:s22], $0x1  }
0xa9: {  	[sflag:s22] =	ssyncset.done $0x0  }
0xaa: {  	s23 =	sld [smem:$0x3FFE];
	[sflag:s22] =	ssyncadd.s32 $0xFFFFFFFF  }
0xab: {  	s25 =	simm.s32 $0x1B8E;
	s24 =	sld [smem:$0x0]  }
0xac: {  	s26 =	simm.s32 $execute0_lowered;
	[smem:$0x3FD2] =	sst s25  }
0xad: {  	s7 =	sshll.u32 s26, $0x1;
	_ =	strace $0x80000052;
	[dreg:$0x1] =	wrdreg $0xFFFFFFFF  }
0xae: {  	s28 =	simm.s32 $_size_execute0_lowered;
	s4 =	sadd.s32 s4, s7;
	[dreg:$0x0] =	wrdreg $0x0  }
0xaf: {  	s7 =	sshll.u32 s28, $0x1;
	[dreg:$0x2] =	wrdreg s4  }
0xb0: {  	[dreg:$0x3] =	wrdreg s7  }
0xb1: {  	[dreg:$0x4] =	wrdreg $0xC0  }
0xb2: {  	_ =	task [dreg:s8], $0x5FFFF  }
0xb3: {  	[dreg:$0x1] =	wrdreg $0xFFFFFFFF  }
0xb4: {  	[dreg:$0x0] =	wrdreg $0x60  }
0xb5: {  	[dreg:$0x2] =	wrdreg s23  }
0xb6: {  	[dreg:$0x3] =	wrdreg s16  }
0xb7: {  	[dreg:$0x4] =	wrdreg s15  }
0xb8: {  	[dreg:$0x5] =	wrdreg s1  }
0xb9: {  	[dreg:$0x6] =	wrdreg s24  }
0xba: {  	[dreg:$0x7] =	wrdreg $0x9  }
0xbb: {  	_ =	task.clear_ibuf [dreg:s8], $0x8FFFF;
	_ =	strace $0x90000052  }
0xbc: {  	s29 =	simm.s32 $0x9;
	_ =	strace $0x80000054  }
0xbd: {  	_ =	swait.ge [sflag:s29], $0x1  }
0xbe: {  	[sflag:s29] =	ssyncadd.s32 $0xFFFFFFFF  }
0xbf: {  	_ =	strace $0x90000054  }
0xc0: {  	_ =	sfence  }
0xc1: {  	s30 =	sld [smem:$0x0];
	_ =	sdelay $0x2  }
0xc2: {  	s31 =	sshll.u32 s1, $0xD;
	s1 =	sshrl.u32 s1, $0x2  }
0xc3: {  	s3 =	sand.u32 $0x4000, s31;
	s1 =	sadd.s32 s1, s30  }
0xc4: {  	s0 =	sor.u32 s3, s0;
	s1 =	sshll.u32 s1, $0x11  }
0xc5: {  	s0 =	sor.u32 s1, s0  }
0xc6: {  	s0 =	sadd.s32 $0x8F2B, s0  }
0xc7: {  	[sflag:s0] =	ssyncadd.remote.s32 $0x1  }
0xc8: {  	_ =	sfence.sel $0xFFFF  }
0xc9: {  	[dreg:$0x0] =	wrdreg $0xFFFFFFFF;
	(pc) =	sbr.abs _section_cstart, $3  }
0xca: {  	[dreg:$0x1] =	wrdreg $0xFFFFFFFF  }
0xcb: {  	_ =	task.clear_ibuf [dreg:s8], $0x2FFFF;
	_ =	strace $0x9FFFFFFF  }
0xcc: {  	(tm) =	ssettm $0x7FFFFFFF  }
0xcd: {  	_ =	shalt  }
tec
execute0_lowered:
.L_overlay_start_1:
0x0: {  	(tag) =	ssettag $0x1  }
0x1: {  	s2 =	rddreg [dreg:$0x0]  }
0x2: {  	s15 =	rddreg [dreg:$0x1]  }
0x3: {  	s9 =	rddreg [dreg:$0x2]  }
0x4: {  	s3 =	rddreg [dreg:$0x3];
	_ =	strace $0x80000053;
	s0 =	simm.s32 $0x1  }
0x5: {  	v0 =	vimm.s32 $0x0;
	[sflag:s0] =	ssyncpa.u1 $0x0;
	s0 =	simm.s32 $0x108  }
0x6: {  	[tilespmem:s0+$0x70] =	vst v0  }
0x7: {  	[tilespmem:s0+$0x60] =	vst v0  }
0x8: {  	[tilespmem:s0+$0x50] =	vst v0  }
0x9: {  	[tilespmem:s0+$0x40] =	vst v0  }
0xa: {  	[tilespmem:s0+$0x30] =	vst v0  }
0xb: {  	s1 =	sadd.s32 $0x8B200, s2;
	[tilespmem:s0+$0x20] =	vst v0  }
0xc: {  	s14 =	sadd.s32 $0x86200, s2;
	s5 =	sand.u32 $0x1, s3;
	s3 =	simm.s32 $0x40;
	[tilespmem:s0+$0x10] =	vst v0  }
.LBB2_1:
0xd: {  	s3 =	sadd.s32 $0x40, s3;
	[tilespmem:s0+$0x0] =	vst v0;
	s0 =	sadd.s32 $0x80, s0  }
0xe: {  	p0 =	slt.u32 s3, $0x3C40;
	[tilespmem:s0+$0x70] =	vst v0  }
0xf: {  	[tilespmem:s0+$0x60] =	vst v0  }
.Ltmp0:
0x10: {  	[tilespmem:s0+$0x50] =	vst v0;
	(pc) =	sbr.rel @p0 .LBB2_1-.Ltmp0, $4  }
0x11: {  	[tilespmem:s0+$0x40] =	vst v0  }
0x12: {  	[tilespmem:s0+$0x30] =	vst v0  }
0x13: {  	[tilespmem:s0+$0x20] =	vst v0  }
0x14: {  	[tilespmem:s0+$0x10] =	vst v0  }
0x15: {  	s6 =	stileid.u32  }
0x16: {  	s2 =	smul.u32 $0x14, s6  }
0x17: {  	s3 =	smin.u32 s6, $0xE  }
0x18: {  	s2 =	sadd.s32 s3, s2  }
0x19: {  	p0 =	slt.u32 s6, $0xE;
	s7 =	smul.u32 $0xF0, s2;
	s2 =	simm.s32 $0x13B0  }
0x1a: {  	s2 =	simm.s32 @!p0 $0x12C0  }
0x1b: {  	s2 =	sadd.s32 s2, s7  }
0x1c: {  	s8 =	smin.u32 s2, $0x13880  }
0x1d: {  	s2 =	ssub.s32 s8, s7  }
0x1e: {  	p0 =	sgt.s32 s2, $0x0  }
0x1f: {  	s29 =	simm.s32 $0x2;
	s10 =	simm.s32 $0x9;
	s2 =	simm.s32 @!p0 $0x0  }
0x20: {  	s4 =	simm.s32 $0xA;
	s11 =	simm.s32 $0xB;
	s28 =	smulhi.u32 $0x88888889, s2  }
0x21: {  	[dreg:$0x6] =	wrdreg s5;
	s31 =	smul.u32 $0x2710, s5;
	s12 =	simm.s32 $0x1  }
0x22: {  	s22 =	simm.s32 $0x0;
	s18 =	simm.s32 $0xC;
	s30 =	sshrl.u32 s28, $0x7  }
0x23: {  	s20 =	simm.s32 $0x0;
	s21 =	simm.s32 $0x0;
	s3 =	smul.u32 $0xF0, s30  }
.Ltmp1:
0x24: {  	[tilespmem:s0+$0x0] =	vst v0;
	v0 =	vimm.s32 $0xFFFFFFFF;
	[sflag:s29] =	ssyncpa.u1 $0x0;
	s16 =	sshll.u32 s6, $0x8;
	(pc) =	sbr.rel .LBB2_3-.Ltmp1, $4  }
0x25: {  	[tilespmem:$0xF208] =	vst v0;
	[sflag:s10] =	ssyncpa.u1 $0x0;
	p0 =	sne.s32 s2, s3;
	s2 =	simm.s32 $0x1  }
0x26: {  	s14 =	sadd.s32 s31, s14;
	[sflag:s4] =	ssyncpa.u1 $0x0;
	s2 =	simm.s32 @!p0 $0x0  }
0x27: {  	s15 =	sadd.s32 s31, s15;
	[sflag:s11] =	ssyncpa.u1 $0x0;
	s13 =	sadd.s32 s2, s30  }
0x28: {  	v0 =	vlaneseq.u32;
	s19 =	smov.u32 s7;
	p0 =	por $0x0, $0x0;
	s17 =	sadd.s32 $0x1, s13  }
.LBB2_18:
0x29: {  	s0 =	sshrl.u32 s31, $0x2  }
.LBB2_20:
0x2a: {  	_ =	swait.ge [sflag:s18], s0  }
0x2b: {  	s31 =	ssub.s32 $0x0, s0;
	v1 =	vmov s24;
	vm0 =	veq.s32 v0, $0x0;
	[sflag:s18] =	ssyncset.done $0x0  }
0x2c: {  	vm15 =	veq.s32 v0, $0x2;
	v1 =	vsel vm0, s30, v1;
	[sflag:s18] =	ssyncadd.s32 s31  }
0x2d: {  	v1 =	vsel vm15, s22, v1;
	[sflag:s18] =	ssyncpa.u1 $0x1  }
0x2e: {  	[tilespmem:$0xF208] =	vst v1  }
.LBB2_21:
0x2f: {  	s0 =	sadd.s32 $0xF0, s19  }
0x30: {  	s2 =	smov.u32 s7;
	p1 =	slt.s32 s0, s8  }
0x31: {  	s2 =	smov.u32 @p1 s0;
	p1 =	sne.s32 s21, s17  }
.Ltmp2:
0x32: {  	_ = 	snop;
	(pc) =	sbr.rel @!p1 .LBB2_22-.Ltmp2, $3  }
0x33: {  	_ =	sdelay $0x1  }
0x34: {  	s22 =	smov.u32 s20;
	s31 =	sadd.s32 $0x1, s21;
	s20 =	smov.u32 s19  }
0x35: {  	p0 =	por !p0, !p0;
	s21 =	smov.u32 s31;
	s19 =	smov.u32 s2  }
.LBB2_3:
0x36: {  	p1 =	sge.u32 s21, s13  }
0x37: {  	s0 =	smulhi.u32 @!p1 $0xAAAAAAAB, s21  }
0x38: {  	s2 =	smov.u32 s19;
	p2 =	sgt.s32 @!p1 s19, $0x13790  }
0x39: {  	s3 =	sshra.s32 @!p1 s19, $0x1F;
	p2 =	por !p2, p1;
	s0 =	sshrl.u32 @!p1 s0, $0x1  }
0x3a: {  	s3 =	sand.u32 @!p1 s3, s19;
	s2 =	simm.s32 @p2 $0x13790;
	s0 =	smul.u32 @!p1 $0x3, s0  }
0x3b: {  	s2 =	ssub.s32 @!p1 s2, s3  }
0x3c: {  	s2 =	sadd.s32 @!p1 $0xFFFEC870, s2;
	s0 =	ssub.s32 @!p1 s21, s0  }
0x3d: {  	s3 =	sshll.u32 @!p1 s2, $0x2;
	p2 =	sgt.s32 @!p1 s2, $0xEF;
	s0 =	smul.u32 @!p1 $0x3C0, s0  }
0x3e: {  	s4 =	sand.u32 @!p1 $0x7, s19;
	s2 =	ssub.s32 @!p1 $0x3C0, s3;
	p2 =	por !p2, p1  }
0x3f: {  	s3 =	sshrl.u32 @!p1 s19, $0x3;
	s2 =	sshrl.u32 @!p1 s2, $0x2;
	s0 =	sshrl.u32 @!p1 s0, $0x2  }
0x40: {  	s3 =	sadd.s32 @!p1 s3, s14;
	s2 =	simm.s32 @!p2 $0x0;
	s0 =	sadd.s32 @!p1 $0x10248, s0  }
0x41: {  	[tilespmem:s0], [sflag:$0xA] =	stream.linear.gather @!p1 [hbm4b:s3+s4], s2, $0x38;
	[tilespmem:$0x1F6F8] =	vst v63  }
0x42: {  	s0 =	sadd.s32 $0xFFFFFFFF, s21  }
0x43: {  	p1 =	sge.u32 s0, s13  }
0x44: {  	p2 =	sgt.s32 @!p1 s20, $0x13790  }
0x45: {  	s2 =	smov.u32 s20;
	s3 =	sshra.s32 @!p1 s20, $0x1F;
	p2 =	por !p2, p1  }
0x46: {  	s3 =	sand.u32 @!p1 s3, s20;
	s2 =	simm.s32 @p2 $0x13790  }
0x47: {  	s2 =	ssub.s32 @!p1 s2, s3  }
0x48: {  	s2 =	sadd.s32 @!p1 $0xFFFEC870, s2  }
0x49: {  	s4 =	sand.u32 @!p1 $0x1, s0;
	s3 =	sshll.u32 @!p1 s2, $0x2  }
0x4a: {  	p2 =	sgt.s32 @!p1 s2, $0xEF;
	s2 =	ssub.s32 @!p1 $0x3C0, s3;
	s3 =	smulhi.u32 @!p1 $0xAAAAAAAB, s0  }
0x4b: {  	s23 =	smul.u32 @!p1 $0x3C0, s4;
	p2 =	por !p2, p1;
	s2 =	sshrl.u32 @!p1 s2, $0x2  }
0x4c: {  	s5 =	simm.s32 @!p1 $0xA;
	s2 =	simm.s32 @!p2 $0x0;
	s3 =	sshrl.u32 @!p1 s3, $0x1  }
0x4d: {  	s23 =	sshrl.u32 @!p1 s23, $0x2;
	_ =	swait.ge @!p1 [sflag:s5], s2;
	s3 =	smul.u32 @!p1 $0x3, s3  }
0x4e: {  	s23 =	sadd.s32 @!p1 $0x10518, s23;
	s24 =	ssub.s32 @!p1 $0x0, s2;
	[sflag:s5] =	ssyncset.done @!p1 $0x0  }
0x4f: {  	[sflag:s5] =	ssyncadd.s32 @!p1 s24;
	s5 =	sshrl.u32 @!p1 s20, $0x3;
	s0 =	ssub.s32 @!p1 s0, s3  }
0x50: {  	s24 =	sand.u32 @!p1 $0x7, s20;
	s5 =	sadd.s32 @!p1 s5, s15;
	s0 =	smul.u32 @!p1 $0x3C0, s0  }
0x51: {  	[tilespmem:s23], [sflag:$0xB] =	stream.linear.gather @!p1 [hbm4b:s5+s24], s2, $0x38;
	[tilespmem:$0x1F6F8] =	vst v63  }
0x52: {  	s3 =	ssub.s32 @!p1 $0x13880, s20;
	s2 =	smul.u32 @!p1 $0x1E000, s4  }
0x53: {  	p2 =	slt.s32 @!p1 s3, $0xF0  }
0x54: {  	p2 =	por !p2, p1;
	s0 =	sshrl.u32 @!p1 s0, $0x2;
	s2 =	sshrl.u32 @!p1 s2, $0x2  }
0x55: {  	s3 =	simm.s32 @p2 $0xF0;
	s0 =	sadd.s32 @!p1 $0x10248, s0;
	s2 =	sor.u32 @!p1 $0x106F8, s2  }
0x56: {  	[tilespmem:s2], [sflag:$0x9] =	stream.indirect.gather @!p1 [hbm4b:s9+s3], $0x80, s0, s3, $0xb8;
	[tilespmem:$0x1F6F8] =	vst v63  }
0x57: {  	p1 =	slt.u32 s21, $0x2  }
.Ltmp3:
0x58: {  	_ = 	snop;
	(pc) =	sbr.rel @p1 .LBB2_21-.Ltmp3, $1  }
0x59: {  	_ =	sdelay $0x3  }
0x5a: {  	p1 =	sgt.s32 s22, $0x13790  }
0x5b: {  	s0 =	smov.u32 s22;
	s2 =	sshra.s32 s22, $0x1F;
	s3 =	ssub.s32 $0x13880, s22  }
0x5c: {  	s0 =	simm.s32 @!p1 $0x13790;
	s2 =	sand.u32 s2, s22;
	p1 =	slt.s32 s3, $0xF0  }
0x5d: {  	s0 =	ssub.s32 s0, s2;
	s3 =	simm.s32 @!p1 $0xF0  }
0x5e: {  	s0 =	sadd.s32 $0xFFFEC870, s0;
	s25 =	sshll.u32 s3, $0x7  }
0x5f: {  	s26 =	sshll.u32 s0, $0x2;
	s2 =	sand.u32 $0x3FFFFF80, s25  }
0x60: {  	p1 =	sgt.s32 s0, $0xEF;
	s29 =	ssub.s32 $0x3C0, s26;
	_ =	swait.ge [sflag:s10], s2  }
0x61: {  	s2 =	ssub.s32 $0x0, s2;
	[sflag:s10] =	ssyncset.done $0x0;
	s0 =	sshrl.u32 s29, $0x2  }
0x62: {  	[sflag:s10] =	ssyncadd.s32 s2;
	s0 =	simm.s32 @p1 $0x0  }
0x63: {  	_ =	swait.ge [sflag:s11], s0  }
0x64: {  	s0 =	ssub.s32 $0x0, s0;
	[sflag:s11] =	ssyncset.done $0x0  }
0x65: {  	[sflag:s11] =	ssyncadd.s32 s0  }
0x66: {  	v1 =	vld [tilespmem:$0xF208];
	_ =	sdelay $0x4  }
0x67: {  	(v2sf) =	vpush v1, $0x0  }
0x68: {  	(v2sf) =	vpush v1, $0x1  }
0x69: {  	(v2sf) =	vpush v1, $0x2;
	_ =	sdelay $0x3  }
0x6a: {  	s0 =	sadd.s32 $0xF0, s22  }
0x6b: {  	s2 =	ssub.s32 $0x27100, s22;
	p1 =	slt.s32 s8, s0  }
0x6c: {  	s0 =	smov.u32 @p1 s8;
	p1 =	sgt.s32 s2, $0x0  }
0x6d: {  	s26 =	ssub.s32 s0, s22;
	s2 =	simm.s32 @!p1 $0x0  }
0x6e: {  	p1 =	slt.s32 s2, s26  }
0x6f: {  	s26 =	smov.u32 @p1 s2  }
0x70: {  	s25 =	simm.s32 $0x1;
	p1 =	slt.s32 s26, $0x1  }
.Ltmp4:
0x71: {  	s25 =	simm.s32 @!p0 $0x0;
	(pc) =	sbr.rel @p1 .LBB2_8-.Ltmp4, $4  }
0x72: {  	s31 =	smul.u32 $0x3C0, s25  }
0x73: {  	s28 =	spop (v2sf)  }
0x74: {  	s0 =	sshrl.u32 s31, $0x2;
	s30 =	spop (v2sf)  }
0x75: {  	s23 =	sadd.s32 $0x10518, s0;
	s22 =	spop (v2sf)  }
0x76: {  	s0 =	smin.u32 s26, $0x10  }
0x77: {  	v1 =	vmov s0  }
0x78: {  	p2 =	sgt.s32 s26, $0x10;
	vm1 =	vgt.u32 v1, v0  }
.Ltmp5:
0x79: {  	_ = 	snop;
	(pc) =	sbr.rel @!p2 .LBB2_7-.Ltmp5, $2  }
0x7a: {  	_ =	sdelay $0x2  }
0x7b: {  	s4 =	simm.s32 $0x10;
	s24 =	sadd.s32 $0xFFFFFFF0, s26;
	s0 =	smov.u32 s23;
	vm0 =	vmmov vm1  }
.LBB2_6:
0x7c: {  	s2 =	smin.u32 s24, $0x10;
	s4 =	sadd.s32 $0x10, s4;
	v1 =	vld.msk [tilespmem:s0+$0x0 ss:$0x1], vm1  }
0x7d: {  	v2 =	vmov s2;
	p2 =	slt.s32 s4, s26  }
0x7e: {  	vm1 =	vgt.u32 v2, v0  }
.Ltmp6:
0x7f: {  	(pc) =	sbr.rel @p2 .LBB2_6-.Ltmp6, $3  }
0x80: {  	_ =	sdelay $0x1  }
0x81: {  	v1 =	vshll.u32 v1, $0x4  }
0x82: {  	s24 =	sadd.s32 $0xFFFFFFF0, s24;
	[tilespmem:s0+$0x0] =	vst.msk vm0, v1;
	s0 =	sadd.s32 $0x10, s0;
	vm0 =	vmmov vm1  }
.LBB2_7:
0x83: {  	_ =	sdelay $0x4  }
0x84: {  	v1 =	vld.msk [tilespmem:s0+$0x0 ss:$0x1], vm1;
	_ =	sdelay $0x4  }
0x85: {  	v1 =	vshll.u32 v1, $0x4  }
0x86: {  	[tilespmem:s0+$0x0] =	vst.msk vm0, v1  }
.LBB2_8:
0x87: {  	s0 =	sand.u32 $0x1, s21  }
0x88: {  	s0 =	smul.u32 $0xF0, s0  }
0x89: {  	p2 =	sne.s32 s30, $0xFFFFFFFF  }
0x8a: {  	v1 =	vld.msk @!p2 [tilespmem:s0+$0x10518], $0x1;
	_ =	sdelay $0x4  }
0x8b: {  	(v2sf) =	vpush @!p2 v1, $0x0;
	_ =	sdelay $0xc  }
.Ltmp7:
0x8c: {  	_ = 	snop;
	(pc) =	sbr.rel @p1 .LBB2_19-.Ltmp7, $4  }
0x8d: {  	_ = 	snop  }
0x8e: {  	s29 =	spop @!p2 (v2sf)  }
0x8f: {  	s22 =	simm.s32 @!p2 $0x0;
	s24 =	smov.u32 s29  }
0x90: {  	[sflag:s18] =	ssyncpa.u1 $0x0;
	s29 =	smov.u32 @p2 s28;
	s24 =	smov.u32 @p2 s30  }
0x91: {  	v1 =	vld.msk [tilespmem:s23+$0x0], $0x1;
	_ =	sdelay $0x4  }
0x92: {  	(v2sf) =	vpush v1, $0x0;
	_ =	sdelay $0xe  }
0x93: {  	s2 =	smul.u32 $0x1E000, s25;
	s0 =	spop (v2sf)  }
0x94: {  	s26 =	ssub.s32 $0x0, s26;
	p1 =	seq.s32 s29, s0  }
0x95: {  	s30 =	sadd.s32 $0x1, s26;
	s2 =	sshrl.u32 s2, $0x2;
	p2 =	sgt.s32 @!p1 s29, $0x0  }
0x96: {  	s25 =	sor.u32 $0x10738, s2;
	s2 =	smov.u32 s29;
	p2 =	por !p2, p1  }
0x97: {  	s2 =	simm.s32 @p2 $0x0;
	p2 =	seq.s32 s30, $0x0  }
.Ltmp8:
0x98: {  	_ = 	snop;
	(pc) =	sbr.rel @p2 .LBB2_11-.Ltmp8, $4  }
0x99: {  	_ = 	snop  }
0x9a: {  	s28 =	simm.s32 $0x0;
	s31 =	sadd.s32 $0x1, s23;
	s2 =	smin.u32 @!p1 s2, $0x270F0  }
0x9b: {  	s4 =	simm.s32 @!p1 $0x1;
	s5 =	simm.s32 @!p1 $0x7988;
	s3 =	sand.u32 @!p1 $0x3FFF8, s2  }
0x9c: {  	s4 =	smov.u32 @p1 s28;
	s2 =	sand.u32 @!p1 $0x7, s2;
	s3 =	sadd.s32 @!p1 s1, s3  }
.LBB2_10:
0x9d: {  	s6 =	smov.u32 s4  }
0x9e: {  	[tilespmem:s5], [sflag:$0x2] =	stream.linear.gather @!p1 [hbm4b:s3+s2], $0x80, $0x38;
	[tilespmem:$0x1F6F8] =	vst v63  }
0x9f: {  	s30 =	sadd.s32 $0x1, s30;
	s2 =	smov.u32 s0;
	v1 =	vld.msk [tilespmem:s31+$0x0], $0x1  }
0xa0: {  	p2 =	seq.s32 s30, $0x0;
	_ =	sdelay $0x3  }
0xa1: {  	(v2sf) =	vpush v1, $0x0;
	_ =	sdelay $0xe  }
0xa2: {  	s0 =	spop (v2sf)  }
0xa3: {  	p1 =	seq.s32 s2, s0  }
0xa4: {  	p3 =	sgt.s32 @!p1 s2, $0x0;
	s3 =	sshll.u32 @!p1 s4, $0x9;
	s4 =	sadd.s32 @!p1 $0x1, s4  }
.Ltmp9:
0xa5: {  	p3 =	por !p3, p1;
	s3 =	sshra.s32 @!p1 s3, $0x2;
	(pc) =	sbr.rel @!p2 .LBB2_10-.Ltmp9, $4  }
0xa6: {  	s4 =	smov.u32 @p1 s6;
	s2 =	simm.s32 @p3 $0x0;
	s5 =	sadd.s32 @!p1 $0x7988, s3  }
0xa7: {  	s2 =	smin.u32 @!p1 s2, $0x270F0  }
0xa8: {  	s3 =	sand.u32 @!p1 $0x3FFF8, s2;
	s2 =	sand.u32 @!p1 $0x7, s2  }
0xa9: {  	s31 =	sadd.s32 $0x1, s31;
	s3 =	sadd.s32 @!p1 s1, s3  }
.LBB2_11:
0xaa: {  	[tilespmem:s5], [sflag:$0x2] =	stream.linear.gather @!p1 [hbm4b:s3+s2], $0x80, $0x38;
	[tilespmem:$0x1F6F8] =	vst v63  }
.Ltmp10:
0xab: {  	s0 =	sshll.u32 s4, $0x7;
	(pc) =	sbr.rel .LBB2_12-.Ltmp10, $4  }
0xac: {  	s30 =	simm.s32 $0x2;
	s0 =	sand.u32 $0x3FFFFF80, s0  }
0xad: {  	_ =	swait.ge [sflag:s30], s0  }
0xae: {  	s0 =	ssub.s32 $0x0, s0;
	[sflag:s30] =	ssyncset.done $0x0  }
0xaf: {  	s31 =	simm.s32 $0x0;
	[sflag:s30] =	ssyncadd.s32 s0  }
.LBB2_13:
0xb0: {  	v1 =	vld [tilespmem:s25+$0xFFFFFFC0];
	_ =	sdelay $0x3  }
0xb1: {  	s0 =	sshra.s32 s0, $0x2  }
0xb2: {  	[tilespmem:s0+$0x108] =	vst.add.f32.msk $0xffff, v1  }
0xb3: {  	v1 =	vld [tilespmem:s25+$0xFFFFFFD0];
	_ =	sdelay $0x4  }
0xb4: {  	[tilespmem:s0+$0x118] =	vst.add.f32.msk $0xffff, v1  }
0xb5: {  	v1 =	vld [tilespmem:s25+$0xFFFFFFE0];
	_ =	sdelay $0x4  }
0xb6: {  	[tilespmem:s0+$0x128] =	vst.add.f32.msk $0xffff, v1  }
0xb7: {  	v1 =	vld [tilespmem:s25+$0xFFFFFFF0];
	_ =	sdelay $0x4  }
0xb8: {  	[tilespmem:s0+$0x138] =	vst.add.f32.msk $0xffff, v1  }
0xb9: {  	v1 =	vld [tilespmem:s25+$0x0];
	_ =	sdelay $0x4  }
0xba: {  	[tilespmem:s0+$0x148] =	vst.add.f32.msk $0xffff, v1  }
0xbb: {  	v1 =	vld [tilespmem:s25+$0x10];
	_ =	sdelay $0x4  }
0xbc: {  	[tilespmem:s0+$0x158] =	vst.add.f32.msk $0xffff, v1  }
0xbd: {  	v1 =	vld [tilespmem:s25+$0x20];
	_ =	sdelay $0x4  }
0xbe: {  	[tilespmem:s0+$0x168] =	vst.add.f32.msk $0xffff, v1  }
0xbf: {  	v1 =	vld [tilespmem:s25+$0x30];
	_ =	sdelay $0x4  }
0xc0: {  	[tilespmem:s0+$0x178] =	vst.add.f32.msk $0xffff, v1  }
.LBB2_17:
0xc1: {  	s26 =	sadd.s32 $0x1, s26  }
0xc2: {  	p1 =	seq.s32 s26, $0x0  }
.Ltmp11:
0xc3: {  	_ = 	snop;
	(pc) =	sbr.rel @p1 .LBB2_18-.Ltmp11, $2  }
0xc4: {  	_ =	sdelay $0x2  }
0xc5: {  	s23 =	sadd.s32 $0x1, s23;
	s25 =	sadd.s32 $0x80, s25;
	s29 =	smov.u32 s30  }
.LBB2_12:
0xc6: {  	v1 =	vld.msk [tilespmem:s23+$0x0], $0x1;
	_ =	sdelay $0x4  }
0xc7: {  	(v2sf) =	vpush v1, $0x0;
	_ =	sdelay $0xe  }
0xc8: {  	s30 =	spop (v2sf)  }
0xc9: {  	p1 =	sne.s32 s29, s30  }
.Ltmp12:
0xca: {  	_ = 	snop;
	(pc) =	sbr.rel @!p1 .LBB2_13-.Ltmp12, $2  }
0xcb: {  	_ =	sdelay $0x2  }
0xcc: {  	s0 =	sshll.u32 s22, $0x9  }
0xcd: {  	p1 =	seq.s32 s29, s24  }
.Ltmp13:
0xce: {  	_ = 	snop;
	(pc) =	sbr.rel @!p1 .LBB2_15-.Ltmp13, $1  }
0xcf: {  	_ =	sdelay $0x3  }
0xd0: {  	s0 =	sshra.s32 s0, $0x2  }
.Ltmp14:
0xd1: {  	s0 =	sadd.s32 $0x108, s0;
	(pc) =	sbr.rel .LBB2_16-.Ltmp14, $4  }
0xd2: {  	[spmem:s16] =	stream.linear.scatter [tilespmem:s0], [sflag:$0x1], $0x80, $0x38;
	[tilespmem:$0x1F6F8] =	vst v63  }
0xd3: {  	_ =	swait.ge [sflag:s12], $0x80  }
0xd4: {  	[sflag:s12] =	ssyncset.done $0x0  }
0xd5: {  	[sflag:s12] =	ssyncadd.s32 $0xFFFFFF80  }
.LBB2_15:
0xd6: {  	s2 =	sshll.u32 s28, $0x9  }
0xd7: {  	s2 =	sshra.s32 s2, $0x2  }
0xd8: {  	v1 =	vld [tilespmem:s2+$0x7988];
	_ =	sdelay $0x3  }
0xd9: {  	s0 =	sshra.s32 s0, $0x2  }
0xda: {  	[tilespmem:s0+$0x108] =	vst.add.f32.msk $0xffff, v1  }
0xdb: {  	v1 =	vld [tilespmem:s2+$0x7998];
	_ =	sdelay $0x4  }
0xdc: {  	[tilespmem:s0+$0x118] =	vst.add.f32.msk $0xffff, v1  }
0xdd: {  	v1 =	vld [tilespmem:s2+$0x79A8];
	_ =	sdelay $0x4  }
0xde: {  	[tilespmem:s0+$0x128] =	vst.add.f32.msk $0xffff, v1  }
0xdf: {  	v1 =	vld [tilespmem:s2+$0x79B8];
	_ =	sdelay $0x4  }
0xe0: {  	[tilespmem:s0+$0x138] =	vst.add.f32.msk $0xffff, v1  }
0xe1: {  	v1 =	vld [tilespmem:s2+$0x79C8];
	_ =	sdelay $0x4  }
0xe2: {  	[tilespmem:s0+$0x148] =	vst.add.f32.msk $0xffff, v1  }
0xe3: {  	v1 =	vld [tilespmem:s2+$0x79D8];
	_ =	sdelay $0x4  }
0xe4: {  	[tilespmem:s0+$0x158] =	vst.add.f32.msk $0xffff, v1  }
0xe5: {  	v1 =	vld [tilespmem:s2+$0x79E8];
	_ =	sdelay $0x4  }
0xe6: {  	[tilespmem:s0+$0x168] =	vst.add.f32.msk $0xffff, v1  }
0xe7: {  	v1 =	vld [tilespmem:s2+$0x79F8];
	_ =	sdelay $0x2  }
0xe8: {  	p1 =	sgt.u32 s29, $0x270F0  }
0xe9: {  	s2 =	sand.u32 @!p1 $0x3FFF8, s29  }
0xea: {  	s3 =	sadd.s32 $0x108, s0;
	[tilespmem:s0+$0x178] =	vst.add.f32.msk $0xffff, v1;
	s0 =	sadd.s32 @!p1 s1, s2;
	s2 =	sand.u32 @!p1 $0x7, s29  }
0xeb: {  	[hbm4b:s0+s2] =	stream.linear.scatter @!p1 [tilespmem:s3], [sflag:$0xC], $0x80, $0x38;
	[tilespmem:$0x1F6F8] =	vst v63  }
0xec: {  	s0 =	simm.s32 $0x0  }
0xed: {  	s0 =	simm.s32 @!p1 $0x200  }
0xee: {  	s31 =	sadd.s32 s0, s31  }
.LBB2_16:
0xef: {  	s0 =	sadd.s32 $0x1, s22  }
0xf0: {  	s2 =	smulhi.u32 $0x88888889, s0;
	_ =	sdelay $0x1  }
0xf1: {  	v1 =	vld [tilespmem:s25+$0xFFFFFFC0];
	s2 =	sshrl.u32 s2, $0x7  }
0xf2: {  	s2 =	smul.u32 $0xF0, s2;
	_ =	sdelay $0x1  }
0xf3: {  	s22 =	ssub.s32 s0, s2  }
0xf4: {  	s0 =	sshll.u32 s22, $0x7  }
0xf5: {  	[tilespmem:s0+$0x108] =	vst v1  }
0xf6: {  	v1 =	vld [tilespmem:s25+$0xFFFFFFD0];
	_ =	sdelay $0x4  }
0xf7: {  	[tilespmem:s0+$0x118] =	vst v1  }
0xf8: {  	v1 =	vld [tilespmem:s25+$0xFFFFFFE0];
	_ =	sdelay $0x4  }
0xf9: {  	[tilespmem:s0+$0x128] =	vst v1  }
0xfa: {  	v1 =	vld [tilespmem:s25+$0xFFFFFFF0];
	_ =	sdelay $0x4  }
0xfb: {  	[tilespmem:s0+$0x138] =	vst v1  }
0xfc: {  	v1 =	vld [tilespmem:s25+$0x0];
	_ =	sdelay $0x4  }
0xfd: {  	[tilespmem:s0+$0x148] =	vst v1  }
0xfe: {  	v1 =	vld [tilespmem:s25+$0x10];
	_ =	sdelay $0x4  }
0xff: {  	[tilespmem:s0+$0x158] =	vst v1  }
0x100: {  	v1 =	vld [tilespmem:s25+$0x20];
	_ =	sdelay $0x4  }
0x101: {  	[tilespmem:s0+$0x168] =	vst v1  }
0x102: {  	v1 =	vld [tilespmem:s25+$0x30]  }
.Ltmp15:
0x103: {  	_ = 	snop;
	(pc) =	sbr.rel .LBB2_17-.Ltmp15, $2  }
0x104: {  	_ =	sdelay $0x2  }
0x105: {  	s28 =	sadd.s32 $0x1, s28;
	[tilespmem:s0+$0x178] =	vst v1  }
.LBB2_19:
.Ltmp16:
0x106: {  	(pc) =	sbr.rel .LBB2_20-.Ltmp16, $4  }
0x107: {  	_ = 	snop  }
0x108: {  	s0 =	simm.s32 $0x2  }
0x109: {  	_ =	swait.ge [sflag:s0], $0x0  }
0x10a: {  	s30 =	smov.u32 s29;
	[sflag:s0] =	ssyncset.done $0x0;
	s0 =	simm.s32 $0x0  }
.LBB2_22:
0x10b: {  	_ =	sfence.sel $0x180000  }
0x10c: {  	s0 =	simm.s32 $0x9;
	[bflag:$0x0] =	sbarrier.arrive $0xFFFF  }
0x10d: {  	s24 =	simm.s32 $0xA;
	[sflag:s0] =	ssyncpa.u1 $0x1  }
0x10e: {  	s25 =	simm.s32 $0xB;
	[sflag:s24] =	ssyncpa.u1 $0x1  }
0x10f: {  	s26 =	simm.s32 $0x2;
	[sflag:s25] =	ssyncpa.u1 $0x1  }
0x110: {  	[sflag:s26] =	ssyncpa.u1 $0x1  }
0x111: {  	v0 =	vld [tilespmem:$0xF208];
	_ =	sdelay $0x4  }
0x112: {  	(v2sf) =	vpush v0, $0x0  }
0x113: {  	(v2sf) =	vpush v0, $0x1;
	_ =	sdelay $0x1  }
0x114: {  	(v2sf) =	vpush v0, $0x2;
	_ =	sdelay $0xb  }
0x115: {  	s0 =	spop (v2sf)  }
0x116: {  	s2 =	spop (v2sf)  }
0x117: {  	s3 =	smov.u32 s0;
	p0 =	sne.s32 s0, s2  }
0x118: {  	s4 =	spop (v2sf);
	s3 =	simm.s32 @!p0 $0xFFFFFFFF  }
0x119: {  	v2 =	vimm.s32 $0x1;
	v3 =	vlaneseq.u32;
	p0 =	seq.s32 s4, $0xFFFFFFFF;
	v1 =	vmov s3  }
0x11a: {  	s16 =	stileid.u32;
	v0 =	vperm.xlane v0, v2;
	p1 =	sne.s32 @!p0 s0, s2;
	v1 =	vperm.xlane v1, v3  }
0x11b: {  	vm0 =	vcmask $0x3F04;
	s6 =	simm.s32 $0xF208;
	s0 =	simm.s32 @!p0 $0x1;
	p1 =	por !p1, p0  }
0x11c: {  	s3 =	sshll.u32 s16, $0x1;
	s2 =	sshll.u32 @!p0 s4, $0x9;
	s0 =	simm.s32 @p1 $0x0;
	v0 =	vsel vm0, v1, v0  }
0x11d: {  	s5 =	sor.u32 $0x1000, s3;
	s2 =	sshra.s32 @!p0 s2, $0x2;
	s0 =	sor.u32 @!p0 s0, s3;
	[tilespmem:$0xF208] =	vst v0  }
0x11e: {  	[spmem:s5] =	stream.linear.scatter [tilespmem:s6], [sflag:$0x1], $0x2, $0x38;
	[tilespmem:$0x1F6F8] =	vst v63  }
0x11f: {  	s2 =	sadd.s32 @!p0 $0x108, s2;
	s0 =	sshll.u32 @!p0 s0, $0x7  }
0x120: {  	[spmem:s0] =	stream.linear.scatter @!p0 [tilespmem:s2], [sflag:$0x1], $0x80, $0x38;
	[tilespmem:$0x1F6F8] =	vst v63  }
0x121: {  	s0 =	simm.s32 @!p0 $0x82  }
0x122: {  	s28 =	simm.s32 $0x1;
	s0 =	simm.s32 @p0 $0x2  }
0x123: {  	_ =	swait.ge [sflag:s28], s0  }
0x124: {  	s0 =	ssub.s32 $0x0, s0;
	[sflag:s28] =	ssyncset.done $0x0  }
0x125: {  	p0 =	sne.s32 s16, $0x0;
	[sflag:s28] =	ssyncadd.s32 s0  }
.Ltmp17:
0x126: {  	_ =	sfence.stream.spmem;
	(pc) =	sbr.rel @p0 .LBB2_39-.Ltmp17, $4  }
0x127: {  	s29 =	simm.s32 $0x3;
	[bflag:$0x0] =	sbarrier.arrive $0xFFFF  }
0x128: {  	s30 =	simm.s32 $0x4;
	[sflag:s29] =	ssyncpa.u1 $0x1  }
0x129: {  	s31 =	simm.s32 $0x3C;
	[sflag:s30] =	ssyncpa.u1 $0x1  }
0x12a: {  	s15 =	rddreg [dreg:$0x6];
	[sflag:s31] =	ssyncpa.u1 $0x1  }
0x12b: {  	_ =	sfence.stream.spmem;
	s0 =	simm.s32 $0x5  }
0x12c: {  	s2 =	simm.s32 $0x1000;
	s3 =	simm.s32 $0xF218;
	[sflag:s0] =	ssyncpa.u1 $0x0  }
0x12d: {  	[tilespmem:s3], [sflag:$0x5] =	stream.linear.gather [spmem:s2], $0x20, $0x38;
	[tilespmem:$0x1F6F8] =	vst v63  }
0x12e: {  	s26 =	simm.s32 $0x0;
	s28 =	simm.s32 $0xF238  }
0x12f: {  	[tilespmem:s28], [sflag:$0x5] =	stream.linear.gather [spmem:s26], $0x1000, $0x38;
	[tilespmem:$0x1F6F8] =	vst v63  }
0x130: {  	_ =	swait.ge [sflag:s0], $0x1020  }
0x131: {  	[sflag:s0] =	ssyncset.done $0x0  }
0x132: {  	s29 =	simm.s32 $0x0;
	[sflag:s0] =	ssyncadd.s32 $0xFFFFEFE0  }
0x133: {  	v0 =	vld.msk [tilespmem:s29+$0xF218], $0x1;
	_ =	sdelay $0x1  }
0x134: {  	s30 =	simm.s32 $0x1  }
0x135: {  	v1 =	vld.msk [tilespmem:s30+$0xF218], $0x1;
	_ =	sdelay $0x1  }
0x136: {  	(v2sf) =	vpush v0, $0x0;
	_ =	sdelay $0x2  }
0x137: {  	(v2sf) =	vpush v1, $0x0;
	_ =	sdelay $0x2  }
0x138: {  	s31 =	simm.s32 $0x2  }
0x139: {  	v0 =	vld.msk [tilespmem:s31+$0xF218], $0x1;
	_ =	sdelay $0x2  }
0x13a: {  	s4 =	simm.s32 $0xFFFFFFFF;
	s5 =	simm.s32 $0xFFFFFFFF;
	s0 =	simm.s32 $0xC  }
.LBB2_24:
0x13b: {  	s2 =	smov.u32 s5;
	s3 =	smov.u32 s4  }
0x13c: {  	s4 =	sshra.s32 s0, $0x2;
	p1 =	sne.s32 s0, $0x7C;
	s0 =	sadd.s32 $0x4, s0;
	(v2sf) =	vpush v0, $0x0  }
0x13d: {  	v0 =	vld.msk [tilespmem:s4+$0xF218], $0x1  }
.Ltmp18:
0x13e: {  	(pc) =	sbr.rel @p1 .LBB2_24-.Ltmp18, $4  }
0x13f: {  	s5 =	spop (v2sf)  }
0x140: {  	p2 =	sne.s32 s3, $0xFFFFFFFF;
	s4 =	smov.u32 s5  }
0x141: {  	p3 =	seq.s32 s5, $0xFFFFFFFF;
	s4 =	smov.u32 @p2 s3  }
0x142: {  	s5 =	smov.u32 @p3 s2;
	s4 =	smov.u32 @p3 s3  }
0x143: {  	(v2sf) =	vpush v0, $0x0;
	_ =	sdelay $0x8  }
0x144: {  	s0 =	spop (v2sf)  }
0x145: {  	p1 =	sne.s32 s4, $0xFFFFFFFF;
	s2 =	smov.u32 s0  }
0x146: {  	s9 =	simm.s32 $0x6;
	p2 =	seq.s32 s0, $0xFFFFFFFF;
	s2 =	smov.u32 @p1 s4  }
0x147: {  	s6 =	simm.s32 $0x0;
	s2 =	smov.u32 @p2 s4;
	s3 =	spop (v2sf)  }
0x148: {  	s0 =	smov.u32 @p2 s5;
	p1 =	sne.s32 s2, $0xFFFFFFFF;
	s4 =	smov.u32 s3  }
.Ltmp19:
0x149: {  	p2 =	seq.s32 s3, $0xFFFFFFFF;
	s4 =	smov.u32 @p1 s2;
	(pc) =	sbr.rel .LBB2_26-.Ltmp19, $4  }
0x14a: {  	s10 =	simm.s32 $0xF188;
	s4 =	smov.u32 @p2 s2;
	s7 =	spop (v2sf)  }
0x14b: {  	s11 =	simm.s32 $0x0;
	p1 =	sne.s32 s4, $0xFFFFFFFF;
	s8 =	smov.u32 s7  }
0x14c: {  	s3 =	smov.u32 @p2 s0;
	p2 =	seq.s32 s7, $0xFFFFFFFF;
	s8 =	smov.u32 @p1 s4  }
0x14d: {  	[sflag:s9] =	ssyncpa.u1 $0x0;
	s7 =	smov.u32 @p2 s3;
	s8 =	smov.u32 @p2 s4  }
.LBB2_32:
0x14e: {  	p1 =	sgt.u32 s12, $0x270F0  }
0x14f: {  	p2 =	seq.s32 @!p1 s12, s8  }
0x150: {  	p1 =	por p1, p2  }
0x151: {  	p2 =	sne.s32 @!p1 s12, s7  }
0x152: {  	p1 =	por p1, !p2  }
0x153: {  	s0 =	sshll.u32 @p1 s11, $0x9  }
0x154: {  	s0 =	sand.u32 @!p1 $0x3FFF8, s12  }
0x155: {  	s2 =	sand.u32 @!p1 $0x7, s12;
	s0 =	sadd.s32 @!p1 s1, s0  }
0x156: {  	[tilespmem:s10], [sflag:$0x6] =	stream.linear.gather @!p1 [hbm4b:s0+s2], $0x80, $0x38;
	[tilespmem:$0x1F6F8] =	vst v63  }
0x157: {  	_ =	swait.ge @!p1 [sflag:s9], $0x80  }
0x158: {  	[sflag:s9] =	ssyncset.done @!p1 $0x0  }
0x159: {  	[sflag:s9] =	ssyncadd.s32 @!p1 $0xFFFFFF80  }
0x15a: {  	v1 =	vld @!p1 [tilespmem:$0xF188];
	_ =	sdelay $0x2  }
0x15b: {  	s0 =	sshll.u32 @!p1 s11, $0x9  }
0x15c: {  	s2 =	sshrl.u32 @!p1 s0, $0x2  }
0x15d: {  	[tilespmem:s2+$0xF238] =	vst.add.f32.msk @!p1 $0xffff, v1  }
0x15e: {  	v1 =	vld @!p1 [tilespmem:$0xF198];
	_ =	sdelay $0x4  }
0x15f: {  	[tilespmem:s2+$0xF248] =	vst.add.f32.msk @!p1 $0xffff, v1  }
0x160: {  	v1 =	vld @!p1 [tilespmem:$0xF1A8];
	_ =	sdelay $0x4  }
0x161: {  	[tilespmem:s2+$0xF258] =	vst.add.f32.msk @!p1 $0xffff, v1  }
0x162: {  	v1 =	vld @!p1 [tilespmem:$0xF1B8];
	_ =	sdelay $0x4  }
0x163: {  	[tilespmem:s2+$0xF268] =	vst.add.f32.msk @!p1 $0xffff, v1  }
0x164: {  	v1 =	vld @!p1 [tilespmem:$0xF1C8];
	_ =	sdelay $0x4  }
0x165: {  	[tilespmem:s2+$0xF278] =	vst.add.f32.msk @!p1 $0xffff, v1  }
0x166: {  	v1 =	vld @!p1 [tilespmem:$0xF1D8];
	_ =	sdelay $0x4  }
0x167: {  	[tilespmem:s2+$0xF288] =	vst.add.f32.msk @!p1 $0xffff, v1  }
0x168: {  	v1 =	vld @!p1 [tilespmem:$0xF1E8];
	_ =	sdelay $0x4  }
0x169: {  	[tilespmem:s2+$0xF298] =	vst.add.f32.msk @!p1 $0xffff, v1  }
0x16a: {  	v1 =	vld @!p1 [tilespmem:$0xF1F8];
	_ =	sdelay $0x4  }
0x16b: {  	[tilespmem:s2+$0xF2A8] =	vst.add.f32.msk @!p1 $0xffff, v1  }
0x16c: {  	s0 =	sshrl.u32 s0, $0x2;
	[tilespmem:s6+$0xF218] =	vst.msk $0x1, v0  }
0x16d: {  	v0 =	vld [tilespmem:s0+$0xF238];
	_ =	sdelay $0x2  }
0x16e: {  	s31 =	sshll.u32 s6, $0x9  }
0x16f: {  	s2 =	sshra.s32 s31, $0x2  }
0x170: {  	[tilespmem:s2+$0xF238] =	vst v0  }
0x171: {  	v0 =	vld [tilespmem:s0+$0xF248];
	_ =	sdelay $0x4  }
0x172: {  	[tilespmem:s2+$0xF248] =	vst v0  }
0x173: {  	v0 =	vld [tilespmem:s0+$0xF258];
	_ =	sdelay $0x4  }
0x174: {  	[tilespmem:s2+$0xF258] =	vst v0  }
0x175: {  	v0 =	vld [tilespmem:s0+$0xF268];
	_ =	sdelay $0x4  }
0x176: {  	[tilespmem:s2+$0xF268] =	vst v0  }
0x177: {  	v0 =	vld [tilespmem:s0+$0xF278];
	_ =	sdelay $0x4  }
0x178: {  	[tilespmem:s2+$0xF278] =	vst v0  }
0x179: {  	v0 =	vld [tilespmem:s0+$0xF288];
	_ =	sdelay $0x4  }
0x17a: {  	[tilespmem:s2+$0xF288] =	vst v0  }
0x17b: {  	v0 =	vld [tilespmem:s0+$0xF298];
	_ =	sdelay $0x4  }
0x17c: {  	[tilespmem:s2+$0xF298] =	vst v0  }
0x17d: {  	v0 =	vld [tilespmem:s0+$0xF2A8];
	_ =	sdelay $0x4  }
0x17e: {  	s6 =	sadd.s32 $0x1, s6;
	[tilespmem:s2+$0xF2A8] =	vst v0  }
.LBB2_33:
0x17f: {  	s11 =	sadd.s32 $0x1, s11  }
0x180: {  	p1 =	sne.s32 s11, $0x20  }
.Ltmp20:
0x181: {  	_ = 	snop;
	(pc) =	sbr.rel @!p1 .LBB2_34-.Ltmp20, $1  }
0x182: {  	_ =	sdelay $0x3  }
.LBB2_26:
0x183: {  	v0 =	vld.msk [tilespmem:s11+$0xF218], $0x1;
	_ =	sdelay $0x4  }
0x184: {  	(v2sf) =	vpush v0, $0x0;
	_ =	sdelay $0xe  }
0x185: {  	s12 =	spop (v2sf)  }
0x186: {  	p1 =	seq.s32 s12, $0xFFFFFFFF  }
.Ltmp21:
0x187: {  	_ = 	snop;
	(pc) =	sbr.rel @p1 .LBB2_33-.Ltmp21, $1  }
0x188: {  	_ =	sdelay $0x3  }
0x189: {  	p1 =	slt.s32 s6, $0x1  }
.Ltmp22:
0x18a: {  	_ = 	snop;
	(pc) =	sbr.rel @p1 .LBB2_32-.Ltmp22, $1  }
0x18b: {  	_ =	sdelay $0x3  }
0x18c: {  	s13 =	simm.s32 $0xF218;
	p1 =	por $0x0, $0x0  }
0x18d: {  	v1 =	vld.msk @!p1 [tilespmem:s13+$0x0], $0x1;
	_ =	sdelay $0x4  }
0x18e: {  	(v2sf) =	vpush @!p1 v1, $0x0;
	_ =	sdelay $0xd  }
0x18f: {  	p3 =	sne.s32 s6, $0x1  }
.Ltmp23:
0x190: {  	s0 =	spop @!p1 (v2sf);
	(pc) =	sbr.rel @!p3 .LBB2_30-.Ltmp23, $4  }
0x191: {  	p2 =	seq.s32 @!p1 s12, s0  }
0x192: {  	s14 =	simm.s32 $0x0;
	p2 =	por !p2, p1  }
0x193: {  	s2 =	simm.s32 $0xFFFFFFFF;
	s14 =	simm.s32 @p2 $0xFFFFFFFF  }
0x194: {  	s0 =	simm.s32 $0x1;
	s14 =	smov.u32 @p1 s2  }
.LBB2_29:
0x195: {  	s2 =	smov.u32 s14;
	p1 =	sne.s32 s14, $0xFFFFFFFF  }
0x196: {  	s13 =	sadd.s32 $0x1, s13;
	s14 =	smov.u32 s0;
	s0 =	sadd.s32 $0x1, s0  }
0x197: {  	p2 =	sne.s32 s6, s0;
	v1 =	vld.msk @!p1 [tilespmem:s13+$0x0], $0x1;
	_ =	sdelay $0x4  }
0x198: {  	(v2sf) =	vpush @!p1 v1, $0x0;
	_ =	sdelay $0xe  }
.Ltmp24:
0x199: {  	s3 =	spop @!p1 (v2sf);
	(pc) =	sbr.rel @p2 .LBB2_29-.Ltmp24, $4  }
0x19a: {  	p3 =	seq.s32 @!p1 s12, s3  }
0x19b: {  	p3 =	por !p3, p1  }
0x19c: {  	s14 =	simm.s32 @p3 $0xFFFFFFFF  }
0x19d: {  	s14 =	smov.u32 @p1 s2  }
.LBB2_30:
0x19e: {  	p1 =	seq.s32 s14, $0xFFFFFFFF  }
.Ltmp25:
0x19f: {  	_ = 	snop;
	(pc) =	sbr.rel @p1 .LBB2_32-.Ltmp25, $1  }
0x1a0: {  	_ =	sdelay $0x3  }
0x1a1: {  	s0 =	sshll.u32 s11, $0x7  }
0x1a2: {  	s0 =	sand.u32 $0x3FFFFF80, s0  }
0x1a3: {  	v0 =	vld [tilespmem:s0+$0xF238];
	_ =	sdelay $0x2  }
0x1a4: {  	s2 =	sshll.u32 s14, $0x9  }
0x1a5: {  	s2 =	sshra.s32 s2, $0x2  }
0x1a6: {  	[tilespmem:s2+$0xF238] =	vst.add.f32.msk $0xffff, v0  }
0x1a7: {  	v0 =	vld [tilespmem:s0+$0xF248];
	_ =	sdelay $0x4  }
0x1a8: {  	[tilespmem:s2+$0xF248] =	vst.add.f32.msk $0xffff, v0  }
0x1a9: {  	v0 =	vld [tilespmem:s0+$0xF258];
	_ =	sdelay $0x4  }
0x1aa: {  	[tilespmem:s2+$0xF258] =	vst.add.f32.msk $0xffff, v0  }
0x1ab: {  	v0 =	vld [tilespmem:s0+$0xF268];
	_ =	sdelay $0x4  }
0x1ac: {  	[tilespmem:s2+$0xF268] =	vst.add.f32.msk $0xffff, v0  }
0x1ad: {  	v0 =	vld [tilespmem:s0+$0xF278];
	_ =	sdelay $0x4  }
0x1ae: {  	[tilespmem:s2+$0xF278] =	vst.add.f32.msk $0xffff, v0  }
0x1af: {  	v0 =	vld [tilespmem:s0+$0xF288];
	_ =	sdelay $0x4  }
0x1b0: {  	[tilespmem:s2+$0xF288] =	vst.add.f32.msk $0xffff, v0  }
0x1b1: {  	v0 =	vld [tilespmem:s0+$0xF298];
	_ =	sdelay $0x4  }
0x1b2: {  	[tilespmem:s2+$0xF298] =	vst.add.f32.msk $0xffff, v0  }
0x1b3: {  	v0 =	vld [tilespmem:s0+$0xF2A8]  }
.Ltmp26:
0x1b4: {  	_ = 	snop;
	(pc) =	sbr.rel .LBB2_33-.Ltmp26, $2  }
0x1b5: {  	_ =	sdelay $0x2  }
0x1b6: {  	[tilespmem:s2+$0xF2A8] =	vst.add.f32.msk $0xffff, v0  }
.LBB2_34:
0x1b7: {  	s0 =	simm.s32 $0x6;
	p1 =	seq.s32 s6, $0x0  }
0x1b8: {  	[sflag:s0] =	ssyncpa.u1 $0x1;
	v0 =	vimm.s32 @p1 $0xFFFFFFFF  }
0x1b9: {  	s9 =	sadd.s32 $0xFFFFFFFF, s6;
	[tilespmem:$0x10238] =	vst @p1 v0  }
0x1ba: {  	v0 =	vld.msk @!p1 [tilespmem:s9+$0xF218], $0x1;
	_ =	sdelay $0x1  }
0x1bb: {  	v1 =	vld.msk @!p1 [tilespmem:$0xF218], $0x1;
	_ =	sdelay $0x2  }
0x1bc: {  	p2 =	seq.s32 @!p1 s9, $0x0;
	v0 =	vbroadcast @!p1 v0, $0x0  }
0x1bd: {  	vm0 =	vmmov @!p1 $0x1;
	p2 =	por !p2, p1  }
0x1be: {  	v1 =	vnsel @!p1 vm0, $0xFFFFFFFF, v1;
	vm0 =	vcmask @!p1 $0x308;
	v0 =	vpsel !p2, $0xFFFFFFFF, v0  }
0x1bf: {  	p2 =	sne.s32 @!p1 s8, s7;
	v0 =	vsel @!p1 vm0, v1, v0  }
0x1c0: {  	s0 =	simm.s32 @!p1 $0xF238;
	s2 =	simm.s32 @!p1 $0x0;
	p3 =	por !p2, p1;
	[tilespmem:$0x10238] =	vst @!p1 v0  }
0x1c1: {  	[spmem:s2] =	stream.linear.scatter @!p1 [tilespmem:s0], [sflag:$0x1], $0x80, $0x38;
	[tilespmem:$0x1F6F8] =	vst v63  }
0x1c2: {  	s0 =	sshll.u32 @!p3 s9, $0x9  }
0x1c3: {  	s0 =	sshra.s32 @!p3 s0, $0x2  }
0x1c4: {  	s2 =	simm.s32 @!p3 $0x80;
	s0 =	sadd.s32 @!p3 $0xF238, s0  }
0x1c5: {  	[spmem:s2] =	stream.linear.scatter @!p3 [tilespmem:s0], [sflag:$0x1], $0x80, $0x38;
	[tilespmem:$0x1F6F8] =	vst v63  }
0x1c6: {  	s0 =	simm.s32 @!p3 $0x1  }
0x1c7: {  	_ =	swait.ge @!p3 [sflag:s0], $0x100  }
0x1c8: {  	p1 =	por p2, p1;
	[sflag:s0] =	ssyncset.done @!p3 $0x0  }
0x1c9: {  	[sflag:s0] =	ssyncadd.s32 @!p3 $0xFFFFFF00;
	s0 =	simm.s32 @!p1 $0x1  }
0x1ca: {  	_ =	swait.ge @!p1 [sflag:s0], $0x80  }
0x1cb: {  	s29 =	simm.s32 $0x10238;
	[sflag:s0] =	ssyncset.done @!p1 $0x0  }
0x1cc: {  	s30 =	simm.s32 $0x1000;
	s31 =	simm.s32 $0x1;
	[sflag:s0] =	ssyncadd.s32 @!p1 $0xFFFFFF80  }
0x1cd: {  	[spmem:s30] =	stream.linear.scatter [tilespmem:s29], [sflag:$0x1], $0x10, $0x38;
	[tilespmem:$0x1F6F8] =	vst v63  }
0x1ce: {  	_ =	swait.ge [sflag:s31], $0x10  }
0x1cf: {  	[sflag:s31] =	ssyncset.done $0x0  }
0x1d0: {  	p1 =	seq.s32 s15, $0x0;
	s8 =	rddreg [dreg:$0x3];
	[sflag:s31] =	ssyncadd.s32 $0xFFFFFFF0  }
0x1d1: {  	s2 =	sshll.u32 @p1 s8, $0xE;
	s7 =	rddreg [dreg:$0x4]  }
0x1d2: {  	s0 =	sadd.s32 @p1 $0x15C3C, s2;
	s2 =	sshll.u32 @p1 s7, $0x11  }
0x1d3: {  	_ =	sfence.stream.spmem;
	s0 =	sor.u32 @p1 s2, s0  }
0x1d4: {  	[sflag:s0] =	ssyncadd.remote.s32 @p1 $0x1;
	s0 =	simm.s32 @p1 $0x4  }
0x1d5: {  	s3 =	simm.s32 @!p1 $0x3C;
	s2 =	sand.u32 $0xFFFFFFFE, s8;
	_ =	swait.ge @p1 [sflag:s0], $0x22  }
0x1d6: {  	s4 =	simm.s32 @!p1 $0x0;
	s2 =	sadd.s32 @!p1 $0x4, s2;
	[sflag:s0] =	ssyncset.done @p1 $0x0  }
0x1d7: {  	s5 =	simm.s32 @!p1 $0x100;
	[sflag:s0] =	ssyncadd.s32 @p1 $0xFFFFFFDE;
	s0 =	sshll.u32 @!p1 s2, $0x1A  }
0x1d8: {  	s2 =	sshll.u32 @!p1 s2, $0xD;
	s0 =	sor.u32 @!p1 s0, s7;
	_ =	swait.eq @!p1 [sflag:s3], $0x1  }
0x1d9: {  	s2 =	sor.u32 @!p1 $0x1C04, s2;
	s3 =	simm.s32 @!p1 $0x1C03;
	s0 =	sor.u32 @!p1 $0x80004000, s0  }
0x1da: {  	[spmem:s5], [sflag:s2] =	dma.general @!p1 [spmem:s4], [sflag:s3], length:$0x20, [dreg:$0x0], stride_count:$0x0, ici_dest:s0, dma_misc:DstOpCode:WRITE  }
0x1db: {  	p2 =	slt.s32 s9, $0x2;
	s4 =	simm.s32 @!p1 $0x200;
	s5 =	simm.s32 @!p1 $0x202  }
0x1dc: {  	[spmem:s5], [sflag:s2] =	dma.general @!p1 [spmem:s4], [sflag:s3], length:$0x2, [dreg:$0x0], stride_count:$0x0, ici_dest:s0, dma_misc:DstOpCode:WRITE  }
.Ltmp27:
0x1dd: {  	s0 =	simm.s32 @!p1 $0x3;
	(pc) =	sbr.rel @p2 .LBB2_38-.Ltmp27, $4  }
0x1de: {  	s2 =	sshll.u32 @!p1 s8, $0xE;
	_ =	swait.ge @!p1 [sflag:s0], $0x22  }
0x1df: {  	s3 =	sshll.u32 @!p1 s7, $0x11;
	s2 =	sadd.s32 @!p1 $0x11C3C, s2;
	[sflag:s0] =	ssyncset.done @!p1 $0x0  }
0x1e0: {  	[sflag:s0] =	ssyncadd.s32 @!p1 $0xFFFFFFDE;
	s0 =	sor.u32 @!p1 s3, s2  }
0x1e1: {  	[sflag:s0] =	ssyncadd.remote.s32 @!p1 $0xFFFFFFFF;
	s0 =	simm.s32 $0x0  }
0x1e2: {  	s0 =	simm.s32 $0xF219  }
0x1e3: {  	v0 =	vld.msk [tilespmem:s0+$0x0], $0x1;
	_ =	sdelay $0x4  }
0x1e4: {  	(v2sf) =	vpush v0, $0x0;
	_ =	sdelay $0xb  }
0x1e5: {  	s31 =	sadd.s32 $0xFFFFFFFE, s6  }
0x1e6: {  	s0 =	sadd.s32 $0xFFFFFFFF, s31  }
0x1e7: {  	p2 =	sne.s32 s0, $0x0  }
.Ltmp28:
0x1e8: {  	s2 =	spop (v2sf);
	(pc) =	sbr.rel @!p2 .LBB2_37-.Ltmp28, $4  }
0x1e9: {  	s4 =	simm.s32 $0xF2B8;
	s7 =	simm.s32 $0x0;
	p1 =	sgt.u32 s2, $0x270F0  }
0x1ea: {  	s5 =	simm.s32 $0x0;
	s6 =	simm.s32 $0xF21A;
	s3 =	sand.u32 @!p1 $0x3FFF8, s2  }
0x1eb: {  	s2 =	sand.u32 @!p1 $0x7, s2;
	s7 =	simm.s32 @!p1 $0x200;
	s3 =	sadd.s32 @!p1 s1, s3  }
0x1ec: {  	[hbm4b:s3+s2] =	stream.linear.scatter @!p1 [tilespmem:s4], [sflag:$0x5], $0x80, $0x38;
	[tilespmem:$0x1F6F8] =	vst v63  }
.LBB2_36:
0x1ed: {  	v0 =	vld.msk [tilespmem:s6+$0x0], $0x1;
	s0 =	sadd.s32 $0xFFFFFFFF, s0;
	s5 =	sadd.s32 s5, s7  }
0x1ee: {  	p1 =	sne.s32 s0, $0x0;
	_ =	sdelay $0x3  }
0x1ef: {  	(v2sf) =	vpush v0, $0x0;
	_ =	sdelay $0xe  }
.Ltmp29:
0x1f0: {  	s2 =	spop (v2sf);
	(pc) =	sbr.rel @p1 .LBB2_36-.Ltmp29, $4  }
0x1f1: {  	s7 =	simm.s32 $0x0;
	p2 =	sgt.u32 s2, $0x270F0  }
0x1f2: {  	s4 =	sadd.s32 $0x80, s4;
	s7 =	simm.s32 @!p2 $0x200;
	s3 =	sand.u32 @!p2 $0x3FFF8, s2  }
0x1f3: {  	s6 =	sadd.s32 $0x1, s6;
	s2 =	sand.u32 @!p2 $0x7, s2;
	s3 =	sadd.s32 @!p2 s1, s3  }
0x1f4: {  	[hbm4b:s3+s2] =	stream.linear.scatter @!p2 [tilespmem:s4], [sflag:$0x5], $0x80, $0x38;
	[tilespmem:$0x1F6F8] =	vst v63  }
.LBB2_37:
0x1f5: {  	s0 =	sadd.s32 s5, s7  }
0x1f6: {  	s0 =	sshrl.u32 s0, $0x2  }
.LBB2_38:
0x1f7: {  	s2 =	simm.s32 $0x5  }
0x1f8: {  	_ =	swait.ge [sflag:s2], s0  }
0x1f9: {  	s31 =	ssub.s32 $0x0, s0;
	[sflag:s2] =	ssyncset.done $0x0  }
0x1fa: {  	[sflag:s2] =	ssyncadd.s32 s31  }
0x1fb: {  	[sflag:s2] =	ssyncpa.u1 $0x1  }
.LBB2_39:
0x1fc: {  	s0 =	sor.u32 s15, s16  }
0x1fd: {  	p1 =	sne.s32 s0, $0x0  }
.Ltmp30:
0x1fe: {  	_ = 	snop;
	(pc) =	sbr.rel @p1 .LBB2_54-.Ltmp30, $3  }
0x1ff: {  	_ =	sdelay $0x1  }
0x200: {  	[bflag:$0x0] =	sbarrier.arrive $0xFFFF  }
0x201: {  	_ =	sfence  }
0x202: {  	s0 =	simm.s32 $0x7  }
0x203: {  	s2 =	simm.s32 $0x1000;
	s3 =	simm.s32 $0xF218;
	[sflag:s0] =	ssyncpa.u1 $0x0  }
0x204: {  	[tilespmem:s3], [sflag:$0x7] =	stream.linear.gather [spmem:s2], $0x20, $0x38;
	[tilespmem:$0x1F6F8] =	vst v63  }
0x205: {  	s30 =	simm.s32 $0xF238;
	s2 =	simm.s32 $0x0  }
0x206: {  	[tilespmem:s30], [sflag:$0x7] =	stream.linear.gather [spmem:s2], $0x1000, $0x38;
	[tilespmem:$0x1F6F8] =	vst v63  }
.Ltmp31:
0x207: {  	_ = 	snop;
	(pc) =	sbr.rel .LBB2_41-.Ltmp31, $4  }
0x208: {  	_ =	swait.ge [sflag:s0], $0x1020  }
0x209: {  	[sflag:s0] =	ssyncset.done $0x0  }
0x20a: {  	s31 =	simm.s32 $0x8;
	[sflag:s0] =	ssyncadd.s32 $0xFFFFEFE0  }
0x20b: {  	s3 =	simm.s32 $0x0;
	[sflag:s31] =	ssyncpa.u1 $0x0  }
.LBB2_47:
0x20c: {  	p1 =	slt.u32 s4, $0x270F1  }
0x20d: {  	s0 =	sand.u32 @p1 $0x3FFF8, s4  }
0x20e: {  	s4 =	sand.u32 @p1 $0x7, s4;
	s5 =	simm.s32 @p1 $0xF188;
	s0 =	sadd.s32 @p1 s1, s0  }
0x20f: {  	[tilespmem:s5], [sflag:$0x8] =	stream.linear.gather @p1 [hbm4b:s0+s4], $0x80, $0x38;
	[tilespmem:$0x1F6F8] =	vst v63  }
0x210: {  	s0 =	simm.s32 @p1 $0x8  }
0x211: {  	_ =	swait.ge @p1 [sflag:s0], $0x80  }
0x212: {  	[sflag:s0] =	ssyncset.done @p1 $0x0  }
0x213: {  	[sflag:s0] =	ssyncadd.s32 @p1 $0xFFFFFF80  }
0x214: {  	v1 =	vld @p1 [tilespmem:$0xF188];
	_ =	sdelay $0x2  }
0x215: {  	s0 =	sshll.u32 @p1 s3, $0x9  }
0x216: {  	s4 =	sshrl.u32 @p1 s0, $0x2  }
0x217: {  	[tilespmem:s4+$0xF238] =	vst.add.f32.msk @p1 $0xffff, v1  }
0x218: {  	v1 =	vld @p1 [tilespmem:$0xF198];
	_ =	sdelay $0x4  }
0x219: {  	[tilespmem:s4+$0xF248] =	vst.add.f32.msk @p1 $0xffff, v1  }
0x21a: {  	v1 =	vld @p1 [tilespmem:$0xF1A8];
	_ =	sdelay $0x4  }
0x21b: {  	[tilespmem:s4+$0xF258] =	vst.add.f32.msk @p1 $0xffff, v1  }
0x21c: {  	v1 =	vld @p1 [tilespmem:$0xF1B8];
	_ =	sdelay $0x4  }
0x21d: {  	[tilespmem:s4+$0xF268] =	vst.add.f32.msk @p1 $0xffff, v1  }
0x21e: {  	v1 =	vld @p1 [tilespmem:$0xF1C8];
	_ =	sdelay $0x4  }
0x21f: {  	[tilespmem:s4+$0xF278] =	vst.add.f32.msk @p1 $0xffff, v1  }
0x220: {  	v1 =	vld @p1 [tilespmem:$0xF1D8];
	_ =	sdelay $0x4  }
0x221: {  	[tilespmem:s4+$0xF288] =	vst.add.f32.msk @p1 $0xffff, v1  }
0x222: {  	v1 =	vld @p1 [tilespmem:$0xF1E8];
	_ =	sdelay $0x4  }
0x223: {  	[tilespmem:s4+$0xF298] =	vst.add.f32.msk @p1 $0xffff, v1  }
0x224: {  	v1 =	vld @p1 [tilespmem:$0xF1F8];
	_ =	sdelay $0x3  }
0x225: {  	s5 =	sshll.u32 @!p1 s3, $0x9  }
0x226: {  	s5 =	smov.u32 @p1 s0;
	[tilespmem:s4+$0xF2A8] =	vst.add.f32.msk @p1 $0xffff, v1  }
0x227: {  	s0 =	sshrl.u32 s5, $0x2;
	[tilespmem:s2+$0xF218] =	vst.msk $0x1, v0  }
0x228: {  	v0 =	vld [tilespmem:s0+$0xF238];
	_ =	sdelay $0x2  }
0x229: {  	s31 =	sshll.u32 s2, $0x9  }
0x22a: {  	s4 =	sshra.s32 s31, $0x2  }
0x22b: {  	[tilespmem:s4+$0xF238] =	vst v0  }
0x22c: {  	v0 =	vld [tilespmem:s0+$0xF248];
	_ =	sdelay $0x4  }
0x22d: {  	[tilespmem:s4+$0xF248] =	vst v0  }
0x22e: {  	v0 =	vld [tilespmem:s0+$0xF258];
	_ =	sdelay $0x4  }
0x22f: {  	[tilespmem:s4+$0xF258] =	vst v0  }
0x230: {  	v0 =	vld [tilespmem:s0+$0xF268];
	_ =	sdelay $0x4  }
0x231: {  	[tilespmem:s4+$0xF268] =	vst v0  }
0x232: {  	v0 =	vld [tilespmem:s0+$0xF278];
	_ =	sdelay $0x4  }
0x233: {  	[tilespmem:s4+$0xF278] =	vst v0  }
0x234: {  	v0 =	vld [tilespmem:s0+$0xF288];
	_ =	sdelay $0x4  }
0x235: {  	[tilespmem:s4+$0xF288] =	vst v0  }
0x236: {  	v0 =	vld [tilespmem:s0+$0xF298];
	_ =	sdelay $0x4  }
0x237: {  	[tilespmem:s4+$0xF298] =	vst v0  }
0x238: {  	v0 =	vld [tilespmem:s0+$0xF2A8];
	_ =	sdelay $0x4  }
0x239: {  	s2 =	sadd.s32 $0x1, s2;
	[tilespmem:s4+$0xF2A8] =	vst v0  }
.LBB2_48:
0x23a: {  	s3 =	sadd.s32 $0x1, s3  }
0x23b: {  	p1 =	sne.s32 s3, $0x20  }
.Ltmp32:
0x23c: {  	_ = 	snop;
	(pc) =	sbr.rel @!p1 .LBB2_49-.Ltmp32, $1  }
0x23d: {  	_ =	sdelay $0x3  }
.LBB2_41:
0x23e: {  	v0 =	vld.msk [tilespmem:s3+$0xF218], $0x1;
	_ =	sdelay $0x4  }
0x23f: {  	(v2sf) =	vpush v0, $0x0;
	_ =	sdelay $0xe  }
0x240: {  	s4 =	spop (v2sf)  }
0x241: {  	p1 =	seq.s32 s4, $0xFFFFFFFF  }
.Ltmp33:
0x242: {  	_ = 	snop;
	(pc) =	sbr.rel @p1 .LBB2_48-.Ltmp33, $1  }
0x243: {  	_ =	sdelay $0x3  }
0x244: {  	p1 =	slt.s32 s2, $0x1  }
.Ltmp34:
0x245: {  	_ = 	snop;
	(pc) =	sbr.rel @p1 .LBB2_47-.Ltmp34, $1  }
0x246: {  	_ =	sdelay $0x3  }
0x247: {  	s5 =	simm.s32 $0xF218;
	p1 =	por $0x0, $0x0  }
0x248: {  	v1 =	vld.msk @!p1 [tilespmem:s5+$0x0], $0x1;
	_ =	sdelay $0x4  }
0x249: {  	(v2sf) =	vpush @!p1 v1, $0x0;
	_ =	sdelay $0xd  }
0x24a: {  	p3 =	sne.s32 s2, $0x1  }
.Ltmp35:
0x24b: {  	s0 =	spop @!p1 (v2sf);
	(pc) =	sbr.rel @!p3 .LBB2_45-.Ltmp35, $4  }
0x24c: {  	p2 =	seq.s32 @!p1 s4, s0  }
0x24d: {  	s6 =	simm.s32 $0x0;
	p2 =	por !p2, p1  }
0x24e: {  	s7 =	simm.s32 $0xFFFFFFFF;
	s6 =	simm.s32 @p2 $0xFFFFFFFF  }
0x24f: {  	s0 =	simm.s32 $0x1;
	s6 =	smov.u32 @p1 s7  }
.LBB2_44:
0x250: {  	s7 =	smov.u32 s6;
	p1 =	sne.s32 s6, $0xFFFFFFFF  }
0x251: {  	s5 =	sadd.s32 $0x1, s5;
	s6 =	smov.u32 s0;
	s0 =	sadd.s32 $0x1, s0  }
0x252: {  	p2 =	sne.s32 s2, s0;
	v1 =	vld.msk @!p1 [tilespmem:s5+$0x0], $0x1;
	_ =	sdelay $0x4  }
0x253: {  	(v2sf) =	vpush @!p1 v1, $0x0;
	_ =	sdelay $0xe  }
.Ltmp36:
0x254: {  	s8 =	spop @!p1 (v2sf);
	(pc) =	sbr.rel @p2 .LBB2_44-.Ltmp36, $4  }
0x255: {  	p3 =	seq.s32 @!p1 s4, s8  }
0x256: {  	p3 =	por !p3, p1  }
0x257: {  	s6 =	simm.s32 @p3 $0xFFFFFFFF  }
0x258: {  	s6 =	smov.u32 @p1 s7  }
.LBB2_45:
0x259: {  	p1 =	seq.s32 s6, $0xFFFFFFFF  }
.Ltmp37:
0x25a: {  	_ = 	snop;
	(pc) =	sbr.rel @p1 .LBB2_47-.Ltmp37, $1  }
0x25b: {  	_ =	sdelay $0x3  }
0x25c: {  	s0 =	sshll.u32 s3, $0x7  }
0x25d: {  	s0 =	sand.u32 $0x3FFFFF80, s0  }
0x25e: {  	v0 =	vld [tilespmem:s0+$0xF238];
	_ =	sdelay $0x2  }
0x25f: {  	s4 =	sshll.u32 s6, $0x9  }
0x260: {  	s4 =	sshra.s32 s4, $0x2  }
0x261: {  	[tilespmem:s4+$0xF238] =	vst.add.f32.msk $0xffff, v0  }
0x262: {  	v0 =	vld [tilespmem:s0+$0xF248];
	_ =	sdelay $0x4  }
0x263: {  	[tilespmem:s4+$0xF248] =	vst.add.f32.msk $0xffff, v0  }
0x264: {  	v0 =	vld [tilespmem:s0+$0xF258];
	_ =	sdelay $0x4  }
0x265: {  	[tilespmem:s4+$0xF258] =	vst.add.f32.msk $0xffff, v0  }
0x266: {  	v0 =	vld [tilespmem:s0+$0xF268];
	_ =	sdelay $0x4  }
0x267: {  	[tilespmem:s4+$0xF268] =	vst.add.f32.msk $0xffff, v0  }
0x268: {  	v0 =	vld [tilespmem:s0+$0xF278];
	_ =	sdelay $0x4  }
0x269: {  	[tilespmem:s4+$0xF278] =	vst.add.f32.msk $0xffff, v0  }
0x26a: {  	v0 =	vld [tilespmem:s0+$0xF288];
	_ =	sdelay $0x4  }
0x26b: {  	[tilespmem:s4+$0xF288] =	vst.add.f32.msk $0xffff, v0  }
0x26c: {  	v0 =	vld [tilespmem:s0+$0xF298];
	_ =	sdelay $0x4  }
0x26d: {  	[tilespmem:s4+$0xF298] =	vst.add.f32.msk $0xffff, v0  }
0x26e: {  	v0 =	vld [tilespmem:s0+$0xF2A8]  }
.Ltmp38:
0x26f: {  	_ = 	snop;
	(pc) =	sbr.rel .LBB2_48-.Ltmp38, $2  }
0x270: {  	_ =	sdelay $0x2  }
0x271: {  	[tilespmem:s4+$0xF2A8] =	vst.add.f32.msk $0xffff, v0  }
.LBB2_49:
0x272: {  	p1 =	slt.s32 s2, $0x1  }
.Ltmp39:
0x273: {  	_ = 	snop;
	(pc) =	sbr.rel @p1 .LBB2_53-.Ltmp39, $3  }
0x274: {  	_ =	sdelay $0x1  }
0x275: {  	s0 =	simm.s32 $0x8  }
0x276: {  	s3 =	simm.s32 $0x0;
	[sflag:s0] =	ssyncpa.u1 $0x1  }
0x277: {  	s0 =	simm.s32 $0xF218  }
0x278: {  	v0 =	vld.msk [tilespmem:s0+$0x0], $0x1;
	_ =	sdelay $0x4  }
0x279: {  	(v2sf) =	vpush v0, $0x0;
	_ =	sdelay $0xe  }
0x27a: {  	s0 =	sadd.s32 $0xFFFFFFFF, s2;
	s5 =	spop (v2sf)  }
0x27b: {  	p2 =	sne.s32 s0, $0x0;
	p1 =	sgt.u32 s5, $0x270F0  }
.Ltmp40:
0x27c: {  	s6 =	sand.u32 @!p1 $0x3FFF8, s5;
	(pc) =	sbr.rel @!p2 .LBB2_52-.Ltmp40, $4  }
0x27d: {  	s4 =	simm.s32 $0xF238;
	s5 =	sand.u32 @!p1 $0x7, s5;
	s2 =	sadd.s32 @!p1 s1, s6  }
0x27e: {  	[hbm4b:s2+s5] =	stream.linear.scatter @!p1 [tilespmem:s4], [sflag:$0x7], $0x80, $0x38;
	[tilespmem:$0x1F6F8] =	vst v63  }
0x27f: {  	s5 =	simm.s32 $0x0  }
0x280: {  	s2 =	simm.s32 $0xF219;
	s5 =	simm.s32 @!p1 $0x200  }
.LBB2_51:
0x281: {  	v0 =	vld.msk [tilespmem:s2+$0x0], $0x1;
	s0 =	sadd.s32 $0xFFFFFFFF, s0;
	s3 =	sadd.s32 s3, s5  }
0x282: {  	p1 =	sne.s32 s0, $0x0;
	_ =	sdelay $0x3  }
0x283: {  	(v2sf) =	vpush v0, $0x0;
	_ =	sdelay $0xe  }
.Ltmp41:
0x284: {  	s6 =	spop (v2sf);
	(pc) =	sbr.rel @p1 .LBB2_51-.Ltmp41, $4  }
0x285: {  	s5 =	simm.s32 $0x0;
	p2 =	sgt.u32 s6, $0x270F0  }
0x286: {  	s4 =	sadd.s32 $0x80, s4;
	s5 =	simm.s32 @!p2 $0x200;
	s7 =	sand.u32 @!p2 $0x3FFF8, s6  }
0x287: {  	s2 =	sadd.s32 $0x1, s2;
	s6 =	sand.u32 @!p2 $0x7, s6;
	s7 =	sadd.s32 @!p2 s1, s7  }
0x288: {  	[hbm4b:s7+s6] =	stream.linear.scatter @!p2 [tilespmem:s4], [sflag:$0x7], $0x80, $0x38;
	[tilespmem:$0x1F6F8] =	vst v63  }
.LBB2_52:
0x289: {  	s0 =	sadd.s32 s3, s5  }
0x28a: {  	s3 =	sshrl.u32 s0, $0x2  }
.LBB2_53:
0x28b: {  	s0 =	simm.s32 $0x7  }
0x28c: {  	_ =	swait.ge [sflag:s0], s3  }
0x28d: {  	s1 =	ssub.s32 $0x0, s3;
	[sflag:s0] =	ssyncset.done $0x0  }
0x28e: {  	[sflag:s0] =	ssyncadd.s32 s1  }
0x28f: {  	[sflag:s0] =	ssyncpa.u1 $0x1  }
.LBB2_54:
0x290: {  	_ =	sfence;
	s0 =	simm.s32 $0x1  }
0x291: {  	[sflag:s0] =	ssyncpa.u1 $0x1  }
0x292: {  	_ =	strace $0x90000053  }
0x293: {  	[bflag:$0x2] =	sbarrier.arrive $0xFFFF  }
0x294: {  	s0 =	rddreg [dreg:$0x5]  }
0x295: {  	s0 =	sadd.s32 @!p0 $0x100000, s0  }
0x296: {  	[sflag:s0] =	ssyncadd.tile.s32 @!p0 $0x1;
	_ =	shalt  }
.Lfunc_end2:
_tile_overlayer_lowered:
.L_overlay_start_2:
0x297: {  	(tag) =	ssettag $0x2  }
0x298: {  	s0 =	rddreg [dreg:$0x0];
	s2 =	stileid.u32  }
0x299: {  	s1 =	rddreg [dreg:$0x1];
	p0 =	sne.s32 s2, $0x0  }
0x29a: {  	s3 =	rddreg [dreg:$0x2];
	[bflag:$0x3] =	sbarrier.arrive $0xFFFF;
	s2 =	simm.s32 @!p0 $0x1C01  }
0x29b: {  	[timem:s3], [sflag:s2] =	dma.local @!p0 [hbm:s0], s1  }
0x29c: {  	s0 =	simm.s32 @!p0 $0x1  }
0x29d: {  	_ =	swait.ge @!p0 [sflag:s0], s1  }
0x29e: {  	s1 =	ssub.s32 @!p0 $0x0, s1;
	[sflag:s0] =	ssyncset.done @!p0 $0x0  }
0x29f: {  	[sflag:s0] =	ssyncadd.s32 @!p0 s1  }
0x2a0: {  	[bflag:$0x3] =	sbarrier.arrive $0xFFFF  }
0x2a1: {  	_ =	shalt  }

</sc_bundles>
